<compile_context>
chip_gen: v7x
topology: tpu7x:2x2x1
jax: 0.10.2.dev20260603
libtpu: 0.0.44.dev20260713+nightly
codegen_flags: <defaults>
</compile_context>

<pallas_src>
import jax
import jax.numpy as jnp
from jax import lax
from jax.experimental import pallas as pl
from jax.experimental.pallas import tpu as pltpu
from jax.experimental.pallas import tpu_sc as plsc

B = 1_000_000
CHUNK = 8_192
NFULL = B // CHUNK
TAIL = B - NFULL * CHUNK
NC, NS, L = 2, 16, 16
NW = NC * NS
KMAX = (NFULL + NW - 1) // NW

_LN2 = 0.6931471805599453
_SQRT2 = 1.41421356
_Q = (0.33331484, -0.24970131, 0.20199732, -0.18030622, 0.1248571)


def _flog(x):
    bits = lax.bitcast_convert_type(x, jnp.int32)
    e = (bits >> 23) - 127
    m = lax.bitcast_convert_type(
        (bits & 0x007FFFFF) | 0x3F800000, jnp.float32)
    big = m > jnp.float32(_SQRT2)
    m = jnp.where(big, m * jnp.float32(0.5), m)
    e = jnp.where(big, e + 1, e).astype(jnp.float32)
    r = m - jnp.float32(1.0)
    z = r * r
    q = ((jnp.float32(_Q[0]) + jnp.float32(_Q[1]) * r)
         + z * ((jnp.float32(_Q[2]) + jnp.float32(_Q[3]) * r)
                + z * jnp.float32(_Q[4])))
    return (r + e * jnp.float32(_LN2)) + z * (r * q - jnp.float32(0.5))


def _body(a_hbm, out_hbm,
          a0, a1, b0, b1, c0, c1, o0, o1, si0, si1, so0, so1):
    wid = lax.axis_index("s") * NC + lax.axis_index("c")
    a_sl, b_sl, c_sl, o_sl = (a0, a1), (b0, b1), (c0, c1), (o0, o1)
    si = (si0, si1)
    so = (so0, so1)

    def in_copies(k):
        s = k % 2
        base = (wid + k * NW) * CHUNK
        return (
            pltpu.make_async_copy(a_hbm.at[pl.ds(base, CHUNK)],
                                  a_sl[s], si[s]),
            pltpu.make_async_copy(a_hbm.at[pl.ds(B + base, CHUNK)],
                                  b_sl[s], si[s]),
            pltpu.make_async_copy(a_hbm.at[pl.ds(2 * B + base, CHUNK)],
                                  c_sl[s], si[s]),
        )

    def out_copy(k):
        s = k % 2
        base = (wid + k * NW) * CHUNK
        return pltpu.make_async_copy(o_sl[s], out_hbm.at[0, pl.ds(base, CHUNK)],
                                     so[s])

    def compute(a_v, b_v, c_v, out_v, n_groups):
        def one_group(i):
            sl = pl.ds(i * L, L)
            P0 = jnp.exp(a_v[sl])
            P1 = jnp.exp(b_v[sl])
            P2 = jnp.exp(c_v[sl])
            t = P1 * P2
            v = P0 * (P1 + P2) + t * (jnp.float32(1.0) - (P0 + P0 + P0))
            out_v[sl] = _flog(v)

        @plsc.parallel_loop(0, n_groups, unroll=4)
        def _(i):
            one_group(i)

    g3 = wid + 3 * NW < NFULL

    for cp in in_copies(0):
        cp.start()
    for cp in in_copies(1):
        cp.start()

    for k in range(3):
        for cp in in_copies(k):
            cp.wait()
        if k >= 2:
            out_copy(k - 2).wait()
        s = k % 2
        compute(a_sl[s], b_sl[s], c_sl[s], o_sl[s], CHUNK // L)
        if k + 2 == 2:
            for cp in in_copies(2):
                cp.start()
        elif k + 2 == 3:
            @pl.when(g3)
            def _():
                for cp in in_copies(3):
                    cp.start()
        out_copy(k).start()

    @pl.when(g3)
    def _():
        for cp in in_copies(3):
            cp.wait()
        out_copy(1).wait()
        compute(a_sl[1], b_sl[1], c_sl[1], o_sl[1], CHUNK // L)
        out_copy(3).start()

    out_copy(2).wait()

    @pl.when(g3)
    def _():
        out_copy(3).wait()

    @pl.when(jnp.logical_not(g3))
    def _():
        out_copy(1).wait()

    @pl.when(wid == NW - 1)
    def _():
        base = NFULL * CHUNK
        pltpu.sync_copy(a_hbm.at[pl.ds(base, TAIL)], a0.at[pl.ds(0, TAIL)])
        pltpu.sync_copy(a_hbm.at[pl.ds(B + base, TAIL)],
                        b0.at[pl.ds(0, TAIL)])
        pltpu.sync_copy(a_hbm.at[pl.ds(2 * B + base, TAIL)],
                        c0.at[pl.ds(0, TAIL)])
        compute(a0, b0, c0, o0, TAIL // L)
        pltpu.sync_copy(o0.at[pl.ds(0, TAIL)],
                        out_hbm.at[0, pl.ds(base, TAIL)])


@jax.jit
def _sc_eval(flat):
    mesh = plsc.VectorSubcoreMesh(core_axis_name="c", subcore_axis_name="s")
    vm = pltpu.VMEM((CHUNK,), jnp.float32)
    return pl.kernel(
        _body,
        out_type=jax.ShapeDtypeStruct((1, B), jnp.float32),
        mesh=mesh,
        scratch_types=[vm] * 8 + [pltpu.SemaphoreType.DMA] * 4,
        compiler_params=pltpu.CompilerParams(needs_layout_passes=False),
    )(flat)


def kernel(log_probs):
    return _sc_eval(jnp.transpose(log_probs).reshape(3 * B))

# --- scband reference (transcript-rebuilt; emitter-appended) ---
"""Pipeline reference for scband-my-model-61933428410954 (READ-ONLY COPY).

The authoritative reference and input builder live on the scoring server;
editing this copy changes nothing except your own understanding.
"""

import jax, jax.numpy as jnp
import numpy as np

LEVEL0 = jnp.array([5, 7], dtype=jnp.int32)
LEVEL1 = jnp.array([8], dtype=jnp.int32)
LIT_INDICES = jnp.array([0, 1, 2, 3, 4, 6], dtype=jnp.int32)
NODE_INDICES = jnp.array([
    [[0, 0], [0, 0]],
    [[0, 0], [0, 0]],
    [[0, 0], [0, 0]],
    [[0, 0], [0, 0]],
    [[0, 0], [0, 0]],
    [[1, 2], [3, 4]],
    [[0, 0], [0, 0]],
    [[1, 4], [9, 9]],
    [[0, 5], [6, 7]],
], dtype=jnp.int32)
LIT_MASK0 = jnp.array([0, 1, 2, 1, 2, 0], dtype=jnp.int32)
LIT_MASK1 = jnp.array([1, 1, 0, 0, 1, 0], dtype=jnp.int32)
NUM_NODES = 10


def setup_inputs(seed: int = 0):
    key = jax.random.key(seed)
    # log_probs must be valid log-probabilities (strictly negative, bounded away
    # from 0 so that log(1 - exp(log_probs)) is finite). We draw uniform probs
    # in (0.01, 0.99) and take the log.
    p = jax.random.uniform(key, (1000000, 3), dtype=jnp.float32, minval=0.01, maxval=0.99)
    log_probs = jnp.log(p)
    return {"log_probs": log_probs}


def reference(log_probs):
    # lit_weights: (batch, vars, 2) -> permute -> (vars, 2, batch)
    lit_weights = jnp.stack((jnp.log(1.0 - jnp.exp(log_probs)), log_probs), axis=-1)
    lit_weights = jnp.transpose(lit_weights, (1, 2, 0))
    batch_size = log_probs.shape[0]
    data = jnp.zeros((NUM_NODES, batch_size), dtype=log_probs.dtype)
    data = data.at[NUM_NODES - 1].set(-1000.0)
    data = data.at[LIT_INDICES].set(lit_weights[LIT_MASK0, LIT_MASK1])
    # level 0 inner nodes: gather children, sum in log-space (product), logsumexp (sum)
    data = data.at[LEVEL0].set(jax.nn.logsumexp(data[NODE_INDICES[LEVEL0]].sum(-2), axis=-2))
    # level 1 (root)
    data = data.at[LEVEL1].set(jax.nn.logsumexp(data[NODE_INDICES[LEVEL1]].sum(-2), axis=-2))
    return data[LEVEL1]

if __name__ == "__main__":
    import jax
    _d = setup_inputs()
    print(jax.jit(kernel)(*tuple(_d.values())))

</pallas_src>

<mosaic_0001>
#map = affine_map<(d0, d1) -> (0)>
#map1 = affine_map<(d0, d1) -> (0, 0)>
module attributes {stable_mosaic.version = 14 : i64} {
  func.func @_body(%arg0: i32, %arg1: i32, %arg2: memref<3000000xf32, #tpu.memory_space<hbm>>, %arg3: memref<1x1000000xf32, #tpu.memory_space<hbm>>, %arg4: memref<8192xf32, #tpu.memory_space<vmem>>, %arg5: memref<8192xf32, #tpu.memory_space<vmem>>, %arg6: memref<8192xf32, #tpu.memory_space<vmem>>, %arg7: memref<8192xf32, #tpu.memory_space<vmem>>, %arg8: memref<8192xf32, #tpu.memory_space<vmem>>, %arg9: memref<8192xf32, #tpu.memory_space<vmem>>, %arg10: memref<8192xf32, #tpu.memory_space<vmem>>, %arg11: memref<8192xf32, #tpu.memory_space<vmem>>, %arg12: memref<!tpu.dma_semaphore, #tpu.memory_space<semaphore_mem>>, %arg13: memref<!tpu.dma_semaphore, #tpu.memory_space<semaphore_mem>>, %arg14: memref<!tpu.dma_semaphore, #tpu.memory_space<semaphore_mem>>, %arg15: memref<!tpu.dma_semaphore, #tpu.memory_space<semaphore_mem>>) attributes {dimension_semantics = [#tpu.dimension_semantics<core_parallel>, #tpu.dimension_semantics<subcore_parallel>], iteration_bounds = array<i64: 2, 16>, scalar_prefetch = 0 : i64, scratch_operands = 12 : i64, tpu.core_type = #tpu.core_type<sc_vector_subcore>, window_params = [{transform_indices = #map}, {transform_indices = #map1}]} {
    %mul3A = arith.constant 2 : i32
    %mul3A_0 = arith.muli %arg1, %mul3A : i32
    %add3A = arith.addi %mul3A_0, %arg0 : i32
    %add3A_1 = arith.constant 96 : i32
    %add3A_2 = arith.addi %add3A, %add3A_1 : i32
    %lt3A = arith.constant 122 : i32
    %lt3A_3 = arith.cmpi slt, %add3A_2, %lt3A : i32
    %add3A_4 = arith.constant 0 : i32
    %add3A_5 = arith.addi %add3A, %add3A_4 : i32
    %mul3A_6 = arith.constant 8192 : i32
    %mul3A_7 = arith.muli %add3A_5, %mul3A_6 : i32
    %add3A_8 = arith.constant 1000000 : i32
    %add3A_9 = arith.addi %add3A_8, %mul3A_7 : i32
    %add3A_10 = arith.constant 2000000 : i32
    %add3A_11 = arith.addi %add3A_10, %mul3A_7 : i32
    %dma_start3A = tpu.memref_slice %arg2[%mul3A_7] : memref<3000000xf32, #tpu.memory_space<hbm>> -> memref<8192xf32, #tpu.memory_space<hbm>>
    %dma_start3A_12 = tpu.memref_slice %arg2[%mul3A_7] : memref<3000000xf32, #tpu.memory_space<hbm>> -> memref<8192xf32, #tpu.memory_space<hbm>>
    tpu.enqueue_dma source(%dma_start3A_12 : memref<8192xf32, #tpu.memory_space<hbm>>) target(%arg4 : memref<8192xf32, #tpu.memory_space<vmem>>) target_semaphore(%arg12 : memref<!tpu.dma_semaphore, #tpu.memory_space<semaphore_mem>>)
    %dma_start3A_13 = tpu.memref_slice %arg2[%add3A_9] : memref<3000000xf32, #tpu.memory_space<hbm>> -> memref<8192xf32, #tpu.memory_space<hbm>>
    %dma_start3A_14 = tpu.memref_slice %arg2[%add3A_9] : memref<3000000xf32, #tpu.memory_space<hbm>> -> memref<8192xf32, #tpu.memory_space<hbm>>
    tpu.enqueue_dma source(%dma_start3A_14 : memref<8192xf32, #tpu.memory_space<hbm>>) target(%arg6 : memref<8192xf32, #tpu.memory_space<vmem>>) target_semaphore(%arg12 : memref<!tpu.dma_semaphore, #tpu.memory_space<semaphore_mem>>)
    %dma_start3A_15 = tpu.memref_slice %arg2[%add3A_11] : memref<3000000xf32, #tpu.memory_space<hbm>> -> memref<8192xf32, #tpu.memory_space<hbm>>
    %dma_start3A_16 = tpu.memref_slice %arg2[%add3A_11] : memref<3000000xf32, #tpu.memory_space<hbm>> -> memref<8192xf32, #tpu.memory_space<hbm>>
    tpu.enqueue_dma source(%dma_start3A_16 : memref<8192xf32, #tpu.memory_space<hbm>>) target(%arg8 : memref<8192xf32, #tpu.memory_space<vmem>>) target_semaphore(%arg12 : memref<!tpu.dma_semaphore, #tpu.memory_space<semaphore_mem>>)
    %add3A_17 = arith.constant 32 : i32
    %add3A_18 = arith.addi %add3A, %add3A_17 : i32
    %mul3A_19 = arith.constant 8192 : i32
    %mul3A_20 = arith.muli %add3A_18, %mul3A_19 : i32
    %add3A_21 = arith.constant 1000000 : i32
    %add3A_22 = arith.addi %add3A_21, %mul3A_20 : i32
    %add3A_23 = arith.constant 2000000 : i32
    %add3A_24 = arith.addi %add3A_23, %mul3A_20 : i32
    %dma_start3A_25 = tpu.memref_slice %arg2[%mul3A_20] : memref<3000000xf32, #tpu.memory_space<hbm>> -> memref<8192xf32, #tpu.memory_space<hbm>>
    %dma_start3A_26 = tpu.memref_slice %arg2[%mul3A_20] : memref<3000000xf32, #tpu.memory_space<hbm>> -> memref<8192xf32, #tpu.memory_space<hbm>>
    tpu.enqueue_dma source(%dma_start3A_26 : memref<8192xf32, #tpu.memory_space<hbm>>) target(%arg5 : memref<8192xf32, #tpu.memory_space<vmem>>) target_semaphore(%arg13 : memref<!tpu.dma_semaphore, #tpu.memory_space<semaphore_mem>>)
    %dma_start3A_27 = tpu.memref_slice %arg2[%add3A_22] : memref<3000000xf32, #tpu.memory_space<hbm>> -> memref<8192xf32, #tpu.memory_space<hbm>>
    %dma_start3A_28 = tpu.memref_slice %arg2[%add3A_22] : memref<3000000xf32, #tpu.memory_space<hbm>> -> memref<8192xf32, #tpu.memory_space<hbm>>
    tpu.enqueue_dma source(%dma_start3A_28 : memref<8192xf32, #tpu.memory_space<hbm>>) target(%arg7 : memref<8192xf32, #tpu.memory_space<vmem>>) target_semaphore(%arg13 : memref<!tpu.dma_semaphore, #tpu.memory_space<semaphore_mem>>)
    %dma_start3A_29 = tpu.memref_slice %arg2[%add3A_24] : memref<3000000xf32, #tpu.memory_space<hbm>> -> memref<8192xf32, #tpu.memory_space<hbm>>
    %dma_start3A_30 = tpu.memref_slice %arg2[%add3A_24] : memref<3000000xf32, #tpu.memory_space<hbm>> -> memref<8192xf32, #tpu.memory_space<hbm>>
    tpu.enqueue_dma source(%dma_start3A_30 : memref<8192xf32, #tpu.memory_space<hbm>>) target(%arg9 : memref<8192xf32, #tpu.memory_space<vmem>>) target_semaphore(%arg13 : memref<!tpu.dma_semaphore, #tpu.memory_space<semaphore_mem>>)
    %add3A_31 = arith.constant 0 : i32
    %add3A_32 = arith.addi %add3A, %add3A_31 : i32
    %mul3A_33 = arith.constant 8192 : i32
    %mul3A_34 = arith.muli %add3A_32, %mul3A_33 : i32
    %add3A_35 = arith.constant 1000000 : i32
    %add3A_36 = arith.addi %add3A_35, %mul3A_34 : i32
    %add3A_37 = arith.constant 2000000 : i32
    %add3A_38 = arith.addi %add3A_37, %mul3A_34 : i32
    %dma_wait3A = tpu.memref_slice %arg2[%mul3A_34] : memref<3000000xf32, #tpu.memory_space<hbm>> -> memref<8192xf32, #tpu.memory_space<hbm>>
    %dma_wait3A_39 = tpu.memref_slice %arg2[%mul3A_34] : memref<3000000xf32, #tpu.memory_space<hbm>> -> memref<8192xf32, #tpu.memory_space<hbm>>
    tpu.wait_dma2 semaphore(%arg12 : memref<!tpu.dma_semaphore, #tpu.memory_space<semaphore_mem>>) src(%dma_wait3A_39 : memref<8192xf32, #tpu.memory_space<hbm>>) dst(%arg4 : memref<8192xf32, #tpu.memory_space<vmem>>)
    %dma_wait3A_40 = tpu.memref_slice %arg2[%add3A_36] : memref<3000000xf32, #tpu.memory_space<hbm>> -> memref<8192xf32, #tpu.memory_space<hbm>>
    %dma_wait3A_41 = tpu.memref_slice %arg2[%add3A_36] : memref<3000000xf32, #tpu.memory_space<hbm>> -> memref<8192xf32, #tpu.memory_space<hbm>>
    tpu.wait_dma2 semaphore(%arg12 : memref<!tpu.dma_semaphore, #tpu.memory_space<semaphore_mem>>) src(%dma_wait3A_41 : memref<8192xf32, #tpu.memory_space<hbm>>) dst(%arg6 : memref<8192xf32, #tpu.memory_space<vmem>>)
    %dma_wait3A_42 = tpu.memref_slice %arg2[%add3A_38] : memref<3000000xf32, #tpu.memory_space<hbm>> -> memref<8192xf32, #tpu.memory_space<hbm>>
    %dma_wait3A_43 = tpu.memref_slice %arg2[%add3A_38] : memref<3000000xf32, #tpu.memory_space<hbm>> -> memref<8192xf32, #tpu.memory_space<hbm>>
    tpu.wait_dma2 semaphore(%arg12 : memref<!tpu.dma_semaphore, #tpu.memory_space<semaphore_mem>>) src(%dma_wait3A_43 : memref<8192xf32, #tpu.memory_space<hbm>>) dst(%arg8 : memref<8192xf32, #tpu.memory_space<vmem>>)
    %parallel_loop3A = arith.constant 0 : i32
    %parallel_loop3A_44 = arith.constant 512 : i32
    %parallel_loop3A_45 = arith.constant 1 : i32
    scf.for %parallel_loop3A_154 = %parallel_loop3A to %parallel_loop3A_44 step %parallel_loop3A_45  : i32 {
      %parallel_loop3A_155 = arith.constant 16 : i32
      %parallel_loop3A_156 = arith.muli %parallel_loop3A_154, %parallel_loop3A_155 : i32
      %parallel_loop3A_157 = arith.index_cast %parallel_loop3A_156 : i32 to index
      %parallel_loop3A_158 = tpu.vector_load %arg4[%parallel_loop3A_157] {strides = array<i32>} : memref<8192xf32, #tpu.memory_space<vmem>>, vector<16xf32>,
      %parallel_loop3A_159 = math.exp %parallel_loop3A_158 : vector<16xf32>
      %parallel_loop3A_160 = arith.index_cast %parallel_loop3A_156 : i32 to index
      %parallel_loop3A_161 = tpu.vector_load %arg6[%parallel_loop3A_160] {strides = array<i32>} : memref<8192xf32, #tpu.memory_space<vmem>>, vector<16xf32>,
      %parallel_loop3A_162 = math.exp %parallel_loop3A_161 : vector<16xf32>
      %parallel_loop3A_163 = arith.index_cast %parallel_loop3A_156 : i32 to index
      %parallel_loop3A_164 = tpu.vector_load %arg8[%parallel_loop3A_163] {strides = array<i32>} : memref<8192xf32, #tpu.memory_space<vmem>>, vector<16xf32>,
      %parallel_loop3A_165 = math.exp %parallel_loop3A_164 : vector<16xf32>
      %parallel_loop3A_166 = arith.mulf %parallel_loop3A_162, %parallel_loop3A_165 : vector<16xf32>
      %parallel_loop3A_167 = arith.addf %parallel_loop3A_162, %parallel_loop3A_165 : vector<16xf32>
      %parallel_loop3A_168 = arith.mulf %parallel_loop3A_159, %parallel_loop3A_167 : vector<16xf32>
      %parallel_loop3A_169 = arith.addf %parallel_loop3A_159, %parallel_loop3A_159 : vector<16xf32>
      %parallel_loop3A_170 = arith.addf %parallel_loop3A_169, %parallel_loop3A_159 : vector<16xf32>
      %parallel_loop3A_171 = arith.constant 1.000000e+00 : f32
      %parallel_loop3A_172 = vector.broadcast %parallel_loop3A_171 : f32 to vector<16xf32>
      %parallel_loop3A_173 = arith.subf %parallel_loop3A_172, %parallel_loop3A_170 : vector<16xf32>
      %parallel_loop3A_174 = arith.mulf %parallel_loop3A_166, %parallel_loop3A_173 : vector<16xf32>
      %parallel_loop3A_175 = arith.addf %parallel_loop3A_168, %parallel_loop3A_174 : vector<16xf32>
      %parallel_loop3A_176 = tpu.bitcast %parallel_loop3A_175 : vector<16xf32> -> vector<16xi32>
      %parallel_loop3A_177 = arith.constant 23 : i32
      %parallel_loop3A_178 = vector.broadcast %parallel_loop3A_177 : i32 to vector<16xi32>
      %parallel_loop3A_179 = arith.shrsi %parallel_loop3A_176, %parallel_loop3A_178 : vector<16xi32>
      %parallel_loop3A_180 = arith.constant 127 : i32
      %parallel_loop3A_181 = vector.broadcast %parallel_loop3A_180 : i32 to vector<16xi32>
      %parallel_loop3A_182 = arith.subi %parallel_loop3A_179, %parallel_loop3A_181 : vector<16xi32>
      %parallel_loop3A_183 = arith.constant 8388607 : i32
      %parallel_loop3A_184 = vector.broadcast %parallel_loop3A_183 : i32 to vector<16xi32>
      %parallel_loop3A_185 = arith.andi %parallel_loop3A_176, %parallel_loop3A_184 : vector<16xi32>
      %parallel_loop3A_186 = arith.constant 1065353216 : i32
      %parallel_loop3A_187 = vector.broadcast %parallel_loop3A_186 : i32 to vector<16xi32>
      %parallel_loop3A_188 = arith.ori %parallel_loop3A_185, %parallel_loop3A_187 : vector<16xi32>
      %parallel_loop3A_189 = tpu.bitcast %parallel_loop3A_188 : vector<16xi32> -> vector<16xf32>
      %parallel_loop3A_190 = arith.constant 1.41421354 : f32
      %parallel_loop3A_191 = vector.broadcast %parallel_loop3A_190 : f32 to vector<16xf32>
      %parallel_loop3A_192 = arith.cmpf ogt, %parallel_loop3A_189, %parallel_loop3A_191 : vector<16xf32>
      %parallel_loop3A_193 = arith.constant 5.000000e-01 : f32
      %parallel_loop3A_194 = vector.broadcast %parallel_loop3A_193 : f32 to vector<16xf32>
      %parallel_loop3A_195 = arith.mulf %parallel_loop3A_189, %parallel_loop3A_194 : vector<16xf32>
      %parallel_loop3A_196 = arith.select %parallel_loop3A_192, %parallel_loop3A_195, %parallel_loop3A_189 : vector<16xi1>, vector<16xf32>
      %parallel_loop3A_197 = arith.constant 1 : i32
      %parallel_loop3A_198 = vector.broadcast %parallel_loop3A_197 : i32 to vector<16xi32>
      %parallel_loop3A_199 = arith.addi %parallel_loop3A_182, %parallel_loop3A_198 : vector<16xi32>
      %parallel_loop3A_200 = arith.select %parallel_loop3A_192, %parallel_loop3A_199, %parallel_loop3A_182 : vector<16xi1>, vector<16xi32>
      %parallel_loop3A_201 = arith.sitofp %parallel_loop3A_200 : vector<16xi32> to vector<16xf32>
      %parallel_loop3A_202 = arith.constant 1.000000e+00 : f32
      %parallel_loop3A_203 = vector.broadcast %parallel_loop3A_202 : f32 to vector<16xf32>
      %parallel_loop3A_204 = arith.subf %parallel_loop3A_196, %parallel_loop3A_203 : vector<16xf32>
      %parallel_loop3A_205 = arith.mulf %parallel_loop3A_204, %parallel_loop3A_204 : vector<16xf32>
      %parallel_loop3A_206 = arith.constant -0.249701306 : f32
      %parallel_loop3A_207 = vector.broadcast %parallel_loop3A_206 : f32 to vector<16xf32>
      %parallel_loop3A_208 = arith.mulf %parallel_loop3A_207, %parallel_loop3A_204 : vector<16xf32>
      %parallel_loop3A_209 = arith.constant 0.333314836 : f32
      %parallel_loop3A_210 = vector.broadcast %parallel_loop3A_209 : f32 to vector<16xf32>
      %parallel_loop3A_211 = arith.addf %parallel_loop3A_210, %parallel_loop3A_208 : vector<16xf32>
      %parallel_loop3A_212 = arith.constant -0.180306226 : f32
      %parallel_loop3A_213 = vector.broadcast %parallel_loop3A_212 : f32 to vector<16xf32>
      %parallel_loop3A_214 = arith.mulf %parallel_loop3A_213, %parallel_loop3A_204 : vector<16xf32>
      %parallel_loop3A_215 = arith.constant 0.201997325 : f32
      %parallel_loop3A_216 = vector.broadcast %parallel_loop3A_215 : f32 to vector<16xf32>
      %parallel_loop3A_217 = arith.addf %parallel_loop3A_216, %parallel_loop3A_214 : vector<16xf32>
      %parallel_loop3A_218 = arith.constant 0.124857098 : f32
      %parallel_loop3A_219 = vector.broadcast %parallel_loop3A_218 : f32 to vector<16xf32>
      %parallel_loop3A_220 = arith.mulf %parallel_loop3A_205, %parallel_loop3A_219 : vector<16xf32>
      %parallel_loop3A_221 = arith.addf %parallel_loop3A_217, %parallel_loop3A_220 : vector<16xf32>
      %parallel_loop3A_222 = arith.mulf %parallel_loop3A_205, %parallel_loop3A_221 : vector<16xf32>
      %parallel_loop3A_223 = arith.addf %parallel_loop3A_211, %parallel_loop3A_222 : vector<16xf32>
      %parallel_loop3A_224 = arith.constant 0.693147182 : f32
      %parallel_loop3A_225 = vector.broadcast %parallel_loop3A_224 : f32 to vector<16xf32>
      %parallel_loop3A_226 = arith.mulf %parallel_loop3A_201, %parallel_loop3A_225 : vector<16xf32>
      %parallel_loop3A_227 = arith.addf %parallel_loop3A_204, %parallel_loop3A_226 : vector<16xf32>
      %parallel_loop3A_228 = arith.mulf %parallel_loop3A_204, %parallel_loop3A_223 : vector<16xf32>
      %parallel_loop3A_229 = arith.constant 5.000000e-01 : f32
      %parallel_loop3A_230 = vector.broadcast %parallel_loop3A_229 : f32 to vector<16xf32>
      %parallel_loop3A_231 = arith.subf %parallel_loop3A_228, %parallel_loop3A_230 : vector<16xf32>
      %parallel_loop3A_232 = arith.mulf %parallel_loop3A_205, %parallel_loop3A_231 : vector<16xf32>
      %parallel_loop3A_233 = arith.addf %parallel_loop3A_227, %parallel_loop3A_232 : vector<16xf32>
      %parallel_loop3A_234 = arith.index_cast %parallel_loop3A_156 : i32 to index
      %parallel_loop3A_235 = tpu.vector_load %arg10[%parallel_loop3A_234] {strides = array<i32>} : memref<8192xf32, #tpu.memory_space<vmem>>, vector<16xf32>,
      tpu.vector_store %arg10[%parallel_loop3A_234], %parallel_loop3A_233 {strides = array<i32>} : memref<8192xf32, #tpu.memory_space<vmem>>, vector<16xf32>,
    } {sc.loop_unroll_factor = 4 : i64, sc.parallel_access}
    %add3A_46 = arith.constant 64 : i32
    %add3A_47 = arith.addi %add3A, %add3A_46 : i32
    %mul3A_48 = arith.constant 8192 : i32
    %mul3A_49 = arith.muli %add3A_47, %mul3A_48 : i32
    %add3A_50 = arith.constant 1000000 : i32
    %add3A_51 = arith.addi %add3A_50, %mul3A_49 : i32
    %add3A_52 = arith.constant 2000000 : i32
    %add3A_53 = arith.addi %add3A_52, %mul3A_49 : i32
    %dma_start3A_54 = tpu.memref_slice %arg2[%mul3A_49] : memref<3000000xf32, #tpu.memory_space<hbm>> -> memref<8192xf32, #tpu.memory_space<hbm>>
    %dma_start3A_55 = tpu.memref_slice %arg2[%mul3A_49] : memref<3000000xf32, #tpu.memory_space<hbm>> -> memref<8192xf32, #tpu.memory_space<hbm>>
    tpu.enqueue_dma source(%dma_start3A_55 : memref<8192xf32, #tpu.memory_space<hbm>>) target(%arg4 : memref<8192xf32, #tpu.memory_space<vmem>>) target_semaphore(%arg12 : memref<!tpu.dma_semaphore, #tpu.memory_space<semaphore_mem>>)
    %dma_start3A_56 = tpu.memref_slice %arg2[%add3A_51] : memref<3000000xf32, #tpu.memory_space<hbm>> -> memref<8192xf32, #tpu.memory_space<hbm>>
    %dma_start3A_57 = tpu.memref_slice %arg2[%add3A_51] : memref<3000000xf32, #tpu.memory_space<hbm>> -> memref<8192xf32, #tpu.memory_space<hbm>>
    tpu.enqueue_dma source(%dma_start3A_57 : memref<8192xf32, #tpu.memory_space<hbm>>) target(%arg6 : memref<8192xf32, #tpu.memory_space<vmem>>) target_semaphore(%arg12 : memref<!tpu.dma_semaphore, #tpu.memory_space<semaphore_mem>>)
    %dma_start3A_58 = tpu.memref_slice %arg2[%add3A_53] : memref<3000000xf32, #tpu.memory_space<hbm>> -> memref<8192xf32, #tpu.memory_space<hbm>>
    %dma_start3A_59 = tpu.memref_slice %arg2[%add3A_53] : memref<3000000xf32, #tpu.memory_space<hbm>> -> memref<8192xf32, #tpu.memory_space<hbm>>
    tpu.enqueue_dma source(%dma_start3A_59 : memref<8192xf32, #tpu.memory_space<hbm>>) target(%arg8 : memref<8192xf32, #tpu.memory_space<vmem>>) target_semaphore(%arg12 : memref<!tpu.dma_semaphore, #tpu.memory_space<semaphore_mem>>)
    %add3A_60 = arith.constant 0 : i32
    %add3A_61 = arith.addi %add3A, %add3A_60 : i32
    %mul3A_62 = arith.constant 8192 : i32
    %mul3A_63 = arith.muli %add3A_61, %mul3A_62 : i32
    %dma_start3A_64 = arith.constant 0 : i32
    %dma_start3A_65 = tpu.memref_slice %arg3[%dma_start3A_64, %mul3A_63] : memref<1x1000000xf32, #tpu.memory_space<hbm>> -> memref<1x8192xf32, #tpu.memory_space<hbm>>
    %dma_start3A_66 = tpu.memref_squeeze %dma_start3A_65 : memref<1x8192xf32, #tpu.memory_space<hbm>> -> memref<8192xf32, #tpu.memory_space<hbm>>
    %dma_start3A_67 = tpu.memref_slice %arg3[%dma_start3A_64, %mul3A_63] : memref<1x1000000xf32, #tpu.memory_space<hbm>> -> memref<1x8192xf32, #tpu.memory_space<hbm>>
    %dma_start3A_68 = tpu.memref_squeeze %dma_start3A_67 : memref<1x8192xf32, #tpu.memory_space<hbm>> -> memref<8192xf32, #tpu.memory_space<hbm>>
    tpu.enqueue_dma source(%arg10 : memref<8192xf32, #tpu.memory_space<vmem>>) target(%dma_start3A_68 : memref<8192xf32, #tpu.memory_space<hbm>>) target_semaphore(%arg14 : memref<!tpu.dma_semaphore, #tpu.memory_space<semaphore_mem>>)
    %add3A_69 = arith.constant 32 : i32
    %add3A_70 = arith.addi %add3A, %add3A_69 : i32
    %mul3A_71 = arith.constant 8192 : i32
    %mul3A_72 = arith.muli %add3A_70, %mul3A_71 : i32
    %add3A_73 = arith.constant 1000000 : i32
    %add3A_74 = arith.addi %add3A_73, %mul3A_72 : i32
    %add3A_75 = arith.constant 2000000 : i32
    %add3A_76 = arith.addi %add3A_75, %mul3A_72 : i32
    %dma_wait3A_77 = tpu.memref_slice %arg2[%mul3A_72] : memref<3000000xf32, #tpu.memory_space<hbm>> -> memref<8192xf32, #tpu.memory_space<hbm>>
    %dma_wait3A_78 = tpu.memref_slice %arg2[%mul3A_72] : memref<3000000xf32, #tpu.memory_space<hbm>> -> memref<8192xf32, #tpu.memory_space<hbm>>
    tpu.wait_dma2 semaphore(%arg13 : memref<!tpu.dma_semaphore, #tpu.memory_space<semaphore_mem>>) src(%dma_wait3A_78 : memref<8192xf32, #tpu.memory_space<hbm>>) dst(%arg5 : memref<8192xf32, #tpu.memory_space<vmem>>)
    %dma_wait3A_79 = tpu.memref_slice %arg2[%add3A_74] : memref<3000000xf32, #tpu.memory_space<hbm>> -> memref<8192xf32, #tpu.memory_space<hbm>>
    %dma_wait3A_80 = tpu.memref_slice %arg2[%add3A_74] : memref<3000000xf32, #tpu.memory_space<hbm>> -> memref<8192xf32, #tpu.memory_space<hbm>>
    tpu.wait_dma2 semaphore(%arg13 : memref<!tpu.dma_semaphore, #tpu.memory_space<semaphore_mem>>) src(%dma_wait3A_80 : memref<8192xf32, #tpu.memory_space<hbm>>) dst(%arg7 : memref<8192xf32, #tpu.memory_space<vmem>>)
    %dma_wait3A_81 = tpu.memref_slice %arg2[%add3A_76] : memref<3000000xf32, #tpu.memory_space<hbm>> -> memref<8192xf32, #tpu.memory_space<hbm>>
    %dma_wait3A_82 = tpu.memref_slice %arg2[%add3A_76] : memref<3000000xf32, #tpu.memory_space<hbm>> -> memref<8192xf32, #tpu.memory_space<hbm>>
    tpu.wait_dma2 semaphore(%arg13 : memref<!tpu.dma_semaphore, #tpu.memory_space<semaphore_mem>>) src(%dma_wait3A_82 : memref<8192xf32, #tpu.memory_space<hbm>>) dst(%arg9 : memref<8192xf32, #tpu.memory_space<vmem>>)
    %parallel_loop3A_83 = arith.constant 0 : i32
    %parallel_loop3A_84 = arith.constant 512 : i32
    %parallel_loop3A_85 = arith.constant 1 : i32
    scf.for %parallel_loop3A_154 = %parallel_loop3A_83 to %parallel_loop3A_84 step %parallel_loop3A_85  : i32 {
      %parallel_loop3A_155 = arith.constant 16 : i32
      %parallel_loop3A_156 = arith.muli %parallel_loop3A_154, %parallel_loop3A_155 : i32
      %parallel_loop3A_157 = arith.index_cast %parallel_loop3A_156 : i32 to index
      %parallel_loop3A_158 = tpu.vector_load %arg5[%parallel_loop3A_157] {strides = array<i32>} : memref<8192xf32, #tpu.memory_space<vmem>>, vector<16xf32>,
      %parallel_loop3A_159 = math.exp %parallel_loop3A_158 : vector<16xf32>
      %parallel_loop3A_160 = arith.index_cast %parallel_loop3A_156 : i32 to index
      %parallel_loop3A_161 = tpu.vector_load %arg7[%parallel_loop3A_160] {strides = array<i32>} : memref<8192xf32, #tpu.memory_space<vmem>>, vector<16xf32>,
      %parallel_loop3A_162 = math.exp %parallel_loop3A_161 : vector<16xf32>
      %parallel_loop3A_163 = arith.index_cast %parallel_loop3A_156 : i32 to index
      %parallel_loop3A_164 = tpu.vector_load %arg9[%parallel_loop3A_163] {strides = array<i32>} : memref<8192xf32, #tpu.memory_space<vmem>>, vector<16xf32>,
      %parallel_loop3A_165 = math.exp %parallel_loop3A_164 : vector<16xf32>
      %parallel_loop3A_166 = arith.mulf %parallel_loop3A_162, %parallel_loop3A_165 : vector<16xf32>
      %parallel_loop3A_167 = arith.addf %parallel_loop3A_162, %parallel_loop3A_165 : vector<16xf32>
      %parallel_loop3A_168 = arith.mulf %parallel_loop3A_159, %parallel_loop3A_167 : vector<16xf32>
      %parallel_loop3A_169 = arith.addf %parallel_loop3A_159, %parallel_loop3A_159 : vector<16xf32>
      %parallel_loop3A_170 = arith.addf %parallel_loop3A_169, %parallel_loop3A_159 : vector<16xf32>
      %parallel_loop3A_171 = arith.constant 1.000000e+00 : f32
      %parallel_loop3A_172 = vector.broadcast %parallel_loop3A_171 : f32 to vector<16xf32>
      %parallel_loop3A_173 = arith.subf %parallel_loop3A_172, %parallel_loop3A_170 : vector<16xf32>
      %parallel_loop3A_174 = arith.mulf %parallel_loop3A_166, %parallel_loop3A_173 : vector<16xf32>
      %parallel_loop3A_175 = arith.addf %parallel_loop3A_168, %parallel_loop3A_174 : vector<16xf32>
      %parallel_loop3A_176 = tpu.bitcast %parallel_loop3A_175 : vector<16xf32> -> vector<16xi32>
      %parallel_loop3A_177 = arith.constant 23 : i32
      %parallel_loop3A_178 = vector.broadcast %parallel_loop3A_177 : i32 to vector<16xi32>
      %parallel_loop3A_179 = arith.shrsi %parallel_loop3A_176, %parallel_loop3A_178 : vector<16xi32>
      %parallel_loop3A_180 = arith.constant 127 : i32
      %parallel_loop3A_181 = vector.broadcast %parallel_loop3A_180 : i32 to vector<16xi32>
      %parallel_loop3A_182 = arith.subi %parallel_loop3A_179, %parallel_loop3A_181 : vector<16xi32>
      %parallel_loop3A_183 = arith.constant 8388607 : i32
      %parallel_loop3A_184 = vector.broadcast %parallel_loop3A_183 : i32 to vector<16xi32>
      %parallel_loop3A_185 = arith.andi %parallel_loop3A_176, %parallel_loop3A_184 : vector<16xi32>
      %parallel_loop3A_186 = arith.constant 1065353216 : i32
      %parallel_loop3A_187 = vector.broadcast %parallel_loop3A_186 : i32 to vector<16xi32>
      %parallel_loop3A_188 = arith.ori %parallel_loop3A_185, %parallel_loop3A_187 : vector<16xi32>
      %parallel_loop3A_189 = tpu.bitcast %parallel_loop3A_188 : vector<16xi32> -> vector<16xf32>
      %parallel_loop3A_190 = arith.constant 1.41421354 : f32
      %parallel_loop3A_191 = vector.broadcast %parallel_loop3A_190 : f32 to vector<16xf32>
      %parallel_loop3A_192 = arith.cmpf ogt, %parallel_loop3A_189, %parallel_loop3A_191 : vector<16xf32>
      %parallel_loop3A_193 = arith.constant 5.000000e-01 : f32
      %parallel_loop3A_194 = vector.broadcast %parallel_loop3A_193 : f32 to vector<16xf32>
      %parallel_loop3A_195 = arith.mulf %parallel_loop3A_189, %parallel_loop3A_194 : vector<16xf32>
      %parallel_loop3A_196 = arith.select %parallel_loop3A_192, %parallel_loop3A_195, %parallel_loop3A_189 : vector<16xi1>, vector<16xf32>
      %parallel_loop3A_197 = arith.constant 1 : i32
      %parallel_loop3A_198 = vector.broadcast %parallel_loop3A_197 : i32 to vector<16xi32>
      %parallel_loop3A_199 = arith.addi %parallel_loop3A_182, %parallel_loop3A_198 : vector<16xi32>
      %parallel_loop3A_200 = arith.select %parallel_loop3A_192, %parallel_loop3A_199, %parallel_loop3A_182 : vector<16xi1>, vector<16xi32>
      %parallel_loop3A_201 = arith.sitofp %parallel_loop3A_200 : vector<16xi32> to vector<16xf32>
      %parallel_loop3A_202 = arith.constant 1.000000e+00 : f32
      %parallel_loop3A_203 = vector.broadcast %parallel_loop3A_202 : f32 to vector<16xf32>
      %parallel_loop3A_204 = arith.subf %parallel_loop3A_196, %parallel_loop3A_203 : vector<16xf32>
      %parallel_loop3A_205 = arith.mulf %parallel_loop3A_204, %parallel_loop3A_204 : vector<16xf32>
      %parallel_loop3A_206 = arith.constant -0.249701306 : f32
      %parallel_loop3A_207 = vector.broadcast %parallel_loop3A_206 : f32 to vector<16xf32>
      %parallel_loop3A_208 = arith.mulf %parallel_loop3A_207, %parallel_loop3A_204 : vector<16xf32>
      %parallel_loop3A_209 = arith.constant 0.333314836 : f32
      %parallel_loop3A_210 = vector.broadcast %parallel_loop3A_209 : f32 to vector<16xf32>
      %parallel_loop3A_211 = arith.addf %parallel_loop3A_210, %parallel_loop3A_208 : vector<16xf32>
      %parallel_loop3A_212 = arith.constant -0.180306226 : f32
      %parallel_loop3A_213 = vector.broadcast %parallel_loop3A_212 : f32 to vector<16xf32>
      %parallel_loop3A_214 = arith.mulf %parallel_loop3A_213, %parallel_loop3A_204 : vector<16xf32>
      %parallel_loop3A_215 = arith.constant 0.201997325 : f32
      %parallel_loop3A_216 = vector.broadcast %parallel_loop3A_215 : f32 to vector<16xf32>
      %parallel_loop3A_217 = arith.addf %parallel_loop3A_216, %parallel_loop3A_214 : vector<16xf32>
      %parallel_loop3A_218 = arith.constant 0.124857098 : f32
      %parallel_loop3A_219 = vector.broadcast %parallel_loop3A_218 : f32 to vector<16xf32>
      %parallel_loop3A_220 = arith.mulf %parallel_loop3A_205, %parallel_loop3A_219 : vector<16xf32>
      %parallel_loop3A_221 = arith.addf %parallel_loop3A_217, %parallel_loop3A_220 : vector<16xf32>
      %parallel_loop3A_222 = arith.mulf %parallel_loop3A_205, %parallel_loop3A_221 : vector<16xf32>
      %parallel_loop3A_223 = arith.addf %parallel_loop3A_211, %parallel_loop3A_222 : vector<16xf32>
      %parallel_loop3A_224 = arith.constant 0.693147182 : f32
      %parallel_loop3A_225 = vector.broadcast %parallel_loop3A_224 : f32 to vector<16xf32>
      %parallel_loop3A_226 = arith.mulf %parallel_loop3A_201, %parallel_loop3A_225 : vector<16xf32>
      %parallel_loop3A_227 = arith.addf %parallel_loop3A_204, %parallel_loop3A_226 : vector<16xf32>
      %parallel_loop3A_228 = arith.mulf %parallel_loop3A_204, %parallel_loop3A_223 : vector<16xf32>
      %parallel_loop3A_229 = arith.constant 5.000000e-01 : f32
      %parallel_loop3A_230 = vector.broadcast %parallel_loop3A_229 : f32 to vector<16xf32>
      %parallel_loop3A_231 = arith.subf %parallel_loop3A_228, %parallel_loop3A_230 : vector<16xf32>
      %parallel_loop3A_232 = arith.mulf %parallel_loop3A_205, %parallel_loop3A_231 : vector<16xf32>
      %parallel_loop3A_233 = arith.addf %parallel_loop3A_227, %parallel_loop3A_232 : vector<16xf32>
      %parallel_loop3A_234 = arith.index_cast %parallel_loop3A_156 : i32 to index
      %parallel_loop3A_235 = tpu.vector_load %arg11[%parallel_loop3A_234] {strides = array<i32>} : memref<8192xf32, #tpu.memory_space<vmem>>, vector<16xf32>,
      tpu.vector_store %arg11[%parallel_loop3A_234], %parallel_loop3A_233 {strides = array<i32>} : memref<8192xf32, #tpu.memory_space<vmem>>, vector<16xf32>,
    } {sc.loop_unroll_factor = 4 : i64, sc.parallel_access}
    %convert_element_type3A = arith.extui %lt3A_3 : i1 to i32
    %cond3A = arith.constant 0 : i32
    %cond3A_86 = arith.cmpi ne, %convert_element_type3A, %cond3A : i32
    scf.if %cond3A_86 {
      %add3A_154 = arith.constant 96 : i32
      %add3A_155 = arith.addi %add3A, %add3A_154 : i32
      %mul3A_156 = arith.constant 8192 : i32
      %mul3A_157 = arith.muli %add3A_155, %mul3A_156 : i32
      %add3A_158 = arith.constant 1000000 : i32
      %add3A_159 = arith.addi %add3A_158, %mul3A_157 : i32
      %add3A_160 = arith.constant 2000000 : i32
      %add3A_161 = arith.addi %add3A_160, %mul3A_157 : i32
      %dma_start3A_162 = tpu.memref_slice %arg2[%mul3A_157] : memref<3000000xf32, #tpu.memory_space<hbm>> -> memref<8192xf32, #tpu.memory_space<hbm>>
      %dma_start3A_163 = tpu.memref_slice %arg2[%mul3A_157] : memref<3000000xf32, #tpu.memory_space<hbm>> -> memref<8192xf32, #tpu.memory_space<hbm>>
      tpu.enqueue_dma source(%dma_start3A_163 : memref<8192xf32, #tpu.memory_space<hbm>>) target(%arg5 : memref<8192xf32, #tpu.memory_space<vmem>>) target_semaphore(%arg13 : memref<!tpu.dma_semaphore, #tpu.memory_space<semaphore_mem>>)
      %dma_start3A_164 = tpu.memref_slice %arg2[%add3A_159] : memref<3000000xf32, #tpu.memory_space<hbm>> -> memref<8192xf32, #tpu.memory_space<hbm>>
      %dma_start3A_165 = tpu.memref_slice %arg2[%add3A_159] : memref<3000000xf32, #tpu.memory_space<hbm>> -> memref<8192xf32, #tpu.memory_space<hbm>>
      tpu.enqueue_dma source(%dma_start3A_165 : memref<8192xf32, #tpu.memory_space<hbm>>) target(%arg7 : memref<8192xf32, #tpu.memory_space<vmem>>) target_semaphore(%arg13 : memref<!tpu.dma_semaphore, #tpu.memory_space<semaphore_mem>>)
      %dma_start3A_166 = tpu.memref_slice %arg2[%add3A_161] : memref<3000000xf32, #tpu.memory_space<hbm>> -> memref<8192xf32, #tpu.memory_space<hbm>>
      %dma_start3A_167 = tpu.memref_slice %arg2[%add3A_161] : memref<3000000xf32, #tpu.memory_space<hbm>> -> memref<8192xf32, #tpu.memory_space<hbm>>
      tpu.enqueue_dma source(%dma_start3A_167 : memref<8192xf32, #tpu.memory_space<hbm>>) target(%arg9 : memref<8192xf32, #tpu.memory_space<vmem>>) target_semaphore(%arg13 : memref<!tpu.dma_semaphore, #tpu.memory_space<semaphore_mem>>)
    } else {
    }
    %add3A_87 = arith.constant 32 : i32
    %add3A_88 = arith.addi %add3A, %add3A_87 : i32
    %mul3A_89 = arith.constant 8192 : i32
    %mul3A_90 = arith.muli %add3A_88, %mul3A_89 : i32
    %dma_start3A_91 = arith.constant 0 : i32
    %dma_start3A_92 = tpu.memref_slice %arg3[%dma_start3A_91, %mul3A_90] : memref<1x1000000xf32, #tpu.memory_space<hbm>> -> memref<1x8192xf32, #tpu.memory_space<hbm>>
    %dma_start3A_93 = tpu.memref_squeeze %dma_start3A_92 : memref<1x8192xf32, #tpu.memory_space<hbm>> -> memref<8192xf32, #tpu.memory_space<hbm>>
    %dma_start3A_94 = tpu.memref_slice %arg3[%dma_start3A_91, %mul3A_90] : memref<1x1000000xf32, #tpu.memory_space<hbm>> -> memref<1x8192xf32, #tpu.memory_space<hbm>>
    %dma_start3A_95 = tpu.memref_squeeze %dma_start3A_94 : memref<1x8192xf32, #tpu.memory_space<hbm>> -> memref<8192xf32, #tpu.memory_space<hbm>>
    tpu.enqueue_dma source(%arg11 : memref<8192xf32, #tpu.memory_space<vmem>>) target(%dma_start3A_95 : memref<8192xf32, #tpu.memory_space<hbm>>) target_semaphore(%arg15 : memref<!tpu.dma_semaphore, #tpu.memory_space<semaphore_mem>>)
    %add3A_96 = arith.constant 64 : i32
    %add3A_97 = arith.addi %add3A, %add3A_96 : i32
    %mul3A_98 = arith.constant 8192 : i32
    %mul3A_99 = arith.muli %add3A_97, %mul3A_98 : i32
    %add3A_100 = arith.constant 1000000 : i32
    %add3A_101 = arith.addi %add3A_100, %mul3A_99 : i32
    %add3A_102 = arith.constant 2000000 : i32
    %add3A_103 = arith.addi %add3A_102, %mul3A_99 : i32
    %dma_wait3A_104 = tpu.memref_slice %arg2[%mul3A_99] : memref<3000000xf32, #tpu.memory_space<hbm>> -> memref<8192xf32, #tpu.memory_space<hbm>>
    %dma_wait3A_105 = tpu.memref_slice %arg2[%mul3A_99] : memref<3000000xf32, #tpu.memory_space<hbm>> -> memref<8192xf32, #tpu.memory_space<hbm>>
    tpu.wait_dma2 semaphore(%arg12 : memref<!tpu.dma_semaphore, #tpu.memory_space<semaphore_mem>>) src(%dma_wait3A_105 : memref<8192xf32, #tpu.memory_space<hbm>>) dst(%arg4 : memref<8192xf32, #tpu.memory_space<vmem>>)
    %dma_wait3A_106 = tpu.memref_slice %arg2[%add3A_101] : memref<3000000xf32, #tpu.memory_space<hbm>> -> memref<8192xf32, #tpu.memory_space<hbm>>
    %dma_wait3A_107 = tpu.memref_slice %arg2[%add3A_101] : memref<3000000xf32, #tpu.memory_space<hbm>> -> memref<8192xf32, #tpu.memory_space<hbm>>
    tpu.wait_dma2 semaphore(%arg12 : memref<!tpu.dma_semaphore, #tpu.memory_space<semaphore_mem>>) src(%dma_wait3A_107 : memref<8192xf32, #tpu.memory_space<hbm>>) dst(%arg6 : memref<8192xf32, #tpu.memory_space<vmem>>)
    %dma_wait3A_108 = tpu.memref_slice %arg2[%add3A_103] : memref<3000000xf32, #tpu.memory_space<hbm>> -> memref<8192xf32, #tpu.memory_space<hbm>>
    %dma_wait3A_109 = tpu.memref_slice %arg2[%add3A_103] : memref<3000000xf32, #tpu.memory_space<hbm>> -> memref<8192xf32, #tpu.memory_space<hbm>>
    tpu.wait_dma2 semaphore(%arg12 : memref<!tpu.dma_semaphore, #tpu.memory_space<semaphore_mem>>) src(%dma_wait3A_109 : memref<8192xf32, #tpu.memory_space<hbm>>) dst(%arg8 : memref<8192xf32, #tpu.memory_space<vmem>>)
    %add3A_110 = arith.constant 0 : i32
    %add3A_111 = arith.addi %add3A, %add3A_110 : i32
    %mul3A_112 = arith.constant 8192 : i32
    %mul3A_113 = arith.muli %add3A_111, %mul3A_112 : i32
    %dma_wait3A_114 = arith.constant 0 : i32
    %dma_wait3A_115 = tpu.memref_slice %arg3[%dma_wait3A_114, %mul3A_113] : memref<1x1000000xf32, #tpu.memory_space<hbm>> -> memref<1x8192xf32, #tpu.memory_space<hbm>>
    %dma_wait3A_116 = tpu.memref_squeeze %dma_wait3A_115 : memref<1x8192xf32, #tpu.memory_space<hbm>> -> memref<8192xf32, #tpu.memory_space<hbm>>
    %dma_wait3A_117 = tpu.memref_slice %arg3[%dma_wait3A_114, %mul3A_113] : memref<1x1000000xf32, #tpu.memory_space<hbm>> -> memref<1x8192xf32, #tpu.memory_space<hbm>>
    %dma_wait3A_118 = tpu.memref_squeeze %dma_wait3A_117 : memref<1x8192xf32, #tpu.memory_space<hbm>> -> memref<8192xf32, #tpu.memory_space<hbm>>
    tpu.wait_dma2 semaphore(%arg14 : memref<!tpu.dma_semaphore, #tpu.memory_space<semaphore_mem>>) src(%arg10 : memref<8192xf32, #tpu.memory_space<vmem>>) dst(%dma_wait3A_118 : memref<8192xf32, #tpu.memory_space<hbm>>)
    %parallel_loop3A_119 = arith.constant 0 : i32
    %parallel_loop3A_120 = arith.constant 512 : i32
    %parallel_loop3A_121 = arith.constant 1 : i32
    scf.for %parallel_loop3A_154 = %parallel_loop3A_119 to %parallel_loop3A_120 step %parallel_loop3A_121  : i32 {
      %parallel_loop3A_155 = arith.constant 16 : i32
      %parallel_loop3A_156 = arith.muli %parallel_loop3A_154, %parallel_loop3A_155 : i32
      %parallel_loop3A_157 = arith.index_cast %parallel_loop3A_156 : i32 to index
      %parallel_loop3A_158 = tpu.vector_load %arg4[%parallel_loop3A_157] {strides = array<i32>} : memref<8192xf32, #tpu.memory_space<vmem>>, vector<16xf32>,
      %parallel_loop3A_159 = math.exp %parallel_loop3A_158 : vector<16xf32>
      %parallel_loop3A_160 = arith.index_cast %parallel_loop3A_156 : i32 to index
      %parallel_loop3A_161 = tpu.vector_load %arg6[%parallel_loop3A_160] {strides = array<i32>} : memref<8192xf32, #tpu.memory_space<vmem>>, vector<16xf32>,
      %parallel_loop3A_162 = math.exp %parallel_loop3A_161 : vector<16xf32>
      %parallel_loop3A_163 = arith.index_cast %parallel_loop3A_156 : i32 to index
      %parallel_loop3A_164 = tpu.vector_load %arg8[%parallel_loop3A_163] {strides = array<i32>} : memref<8192xf32, #tpu.memory_space<vmem>>, vector<16xf32>,
      %parallel_loop3A_165 = math.exp %parallel_loop3A_164 : vector<16xf32>
      %parallel_loop3A_166 = arith.mulf %parallel_loop3A_162, %parallel_loop3A_165 : vector<16xf32>
      %parallel_loop3A_167 = arith.addf %parallel_loop3A_162, %parallel_loop3A_165 : vector<16xf32>
      %parallel_loop3A_168 = arith.mulf %parallel_loop3A_159, %parallel_loop3A_167 : vector<16xf32>
      %parallel_loop3A_169 = arith.addf %parallel_loop3A_159, %parallel_loop3A_159 : vector<16xf32>
      %parallel_loop3A_170 = arith.addf %parallel_loop3A_169, %parallel_loop3A_159 : vector<16xf32>
      %parallel_loop3A_171 = arith.constant 1.000000e+00 : f32
      %parallel_loop3A_172 = vector.broadcast %parallel_loop3A_171 : f32 to vector<16xf32>
      %parallel_loop3A_173 = arith.subf %parallel_loop3A_172, %parallel_loop3A_170 : vector<16xf32>
      %parallel_loop3A_174 = arith.mulf %parallel_loop3A_166, %parallel_loop3A_173 : vector<16xf32>
      %parallel_loop3A_175 = arith.addf %parallel_loop3A_168, %parallel_loop3A_174 : vector<16xf32>
      %parallel_loop3A_176 = tpu.bitcast %parallel_loop3A_175 : vector<16xf32> -> vector<16xi32>
      %parallel_loop3A_177 = arith.constant 23 : i32
      %parallel_loop3A_178 = vector.broadcast %parallel_loop3A_177 : i32 to vector<16xi32>
      %parallel_loop3A_179 = arith.shrsi %parallel_loop3A_176, %parallel_loop3A_178 : vector<16xi32>
      %parallel_loop3A_180 = arith.constant 127 : i32
      %parallel_loop3A_181 = vector.broadcast %parallel_loop3A_180 : i32 to vector<16xi32>
      %parallel_loop3A_182 = arith.subi %parallel_loop3A_179, %parallel_loop3A_181 : vector<16xi32>
      %parallel_loop3A_183 = arith.constant 8388607 : i32
      %parallel_loop3A_184 = vector.broadcast %parallel_loop3A_183 : i32 to vector<16xi32>
      %parallel_loop3A_185 = arith.andi %parallel_loop3A_176, %parallel_loop3A_184 : vector<16xi32>
      %parallel_loop3A_186 = arith.constant 1065353216 : i32
      %parallel_loop3A_187 = vector.broadcast %parallel_loop3A_186 : i32 to vector<16xi32>
      %parallel_loop3A_188 = arith.ori %parallel_loop3A_185, %parallel_loop3A_187 : vector<16xi32>
      %parallel_loop3A_189 = tpu.bitcast %parallel_loop3A_188 : vector<16xi32> -> vector<16xf32>
      %parallel_loop3A_190 = arith.constant 1.41421354 : f32
      %parallel_loop3A_191 = vector.broadcast %parallel_loop3A_190 : f32 to vector<16xf32>
      %parallel_loop3A_192 = arith.cmpf ogt, %parallel_loop3A_189, %parallel_loop3A_191 : vector<16xf32>
      %parallel_loop3A_193 = arith.constant 5.000000e-01 : f32
      %parallel_loop3A_194 = vector.broadcast %parallel_loop3A_193 : f32 to vector<16xf32>
      %parallel_loop3A_195 = arith.mulf %parallel_loop3A_189, %parallel_loop3A_194 : vector<16xf32>
      %parallel_loop3A_196 = arith.select %parallel_loop3A_192, %parallel_loop3A_195, %parallel_loop3A_189 : vector<16xi1>, vector<16xf32>
      %parallel_loop3A_197 = arith.constant 1 : i32
      %parallel_loop3A_198 = vector.broadcast %parallel_loop3A_197 : i32 to vector<16xi32>
      %parallel_loop3A_199 = arith.addi %parallel_loop3A_182, %parallel_loop3A_198 : vector<16xi32>
      %parallel_loop3A_200 = arith.select %parallel_loop3A_192, %parallel_loop3A_199, %parallel_loop3A_182 : vector<16xi1>, vector<16xi32>
      %parallel_loop3A_201 = arith.sitofp %parallel_loop3A_200 : vector<16xi32> to vector<16xf32>
      %parallel_loop3A_202 = arith.constant 1.000000e+00 : f32
      %parallel_loop3A_203 = vector.broadcast %parallel_loop3A_202 : f32 to vector<16xf32>
      %parallel_loop3A_204 = arith.subf %parallel_loop3A_196, %parallel_loop3A_203 : vector<16xf32>
      %parallel_loop3A_205 = arith.mulf %parallel_loop3A_204, %parallel_loop3A_204 : vector<16xf32>
      %parallel_loop3A_206 = arith.constant -0.249701306 : f32
      %parallel_loop3A_207 = vector.broadcast %parallel_loop3A_206 : f32 to vector<16xf32>
      %parallel_loop3A_208 = arith.mulf %parallel_loop3A_207, %parallel_loop3A_204 : vector<16xf32>
      %parallel_loop3A_209 = arith.constant 0.333314836 : f32
      %parallel_loop3A_210 = vector.broadcast %parallel_loop3A_209 : f32 to vector<16xf32>
      %parallel_loop3A_211 = arith.addf %parallel_loop3A_210, %parallel_loop3A_208 : vector<16xf32>
      %parallel_loop3A_212 = arith.constant -0.180306226 : f32
      %parallel_loop3A_213 = vector.broadcast %parallel_loop3A_212 : f32 to vector<16xf32>
      %parallel_loop3A_214 = arith.mulf %parallel_loop3A_213, %parallel_loop3A_204 : vector<16xf32>
      %parallel_loop3A_215 = arith.constant 0.201997325 : f32
      %parallel_loop3A_216 = vector.broadcast %parallel_loop3A_215 : f32 to vector<16xf32>
      %parallel_loop3A_217 = arith.addf %parallel_loop3A_216, %parallel_loop3A_214 : vector<16xf32>
      %parallel_loop3A_218 = arith.constant 0.124857098 : f32
      %parallel_loop3A_219 = vector.broadcast %parallel_loop3A_218 : f32 to vector<16xf32>
      %parallel_loop3A_220 = arith.mulf %parallel_loop3A_205, %parallel_loop3A_219 : vector<16xf32>
      %parallel_loop3A_221 = arith.addf %parallel_loop3A_217, %parallel_loop3A_220 : vector<16xf32>
      %parallel_loop3A_222 = arith.mulf %parallel_loop3A_205, %parallel_loop3A_221 : vector<16xf32>
      %parallel_loop3A_223 = arith.addf %parallel_loop3A_211, %parallel_loop3A_222 : vector<16xf32>
      %parallel_loop3A_224 = arith.constant 0.693147182 : f32
      %parallel_loop3A_225 = vector.broadcast %parallel_loop3A_224 : f32 to vector<16xf32>
      %parallel_loop3A_226 = arith.mulf %parallel_loop3A_201, %parallel_loop3A_225 : vector<16xf32>
      %parallel_loop3A_227 = arith.addf %parallel_loop3A_204, %parallel_loop3A_226 : vector<16xf32>
      %parallel_loop3A_228 = arith.mulf %parallel_loop3A_204, %parallel_loop3A_223 : vector<16xf32>
      %parallel_loop3A_229 = arith.constant 5.000000e-01 : f32
      %parallel_loop3A_230 = vector.broadcast %parallel_loop3A_229 : f32 to vector<16xf32>
      %parallel_loop3A_231 = arith.subf %parallel_loop3A_228, %parallel_loop3A_230 : vector<16xf32>
      %parallel_loop3A_232 = arith.mulf %parallel_loop3A_205, %parallel_loop3A_231 : vector<16xf32>
      %parallel_loop3A_233 = arith.addf %parallel_loop3A_227, %parallel_loop3A_232 : vector<16xf32>
      %parallel_loop3A_234 = arith.index_cast %parallel_loop3A_156 : i32 to index
      %parallel_loop3A_235 = tpu.vector_load %arg10[%parallel_loop3A_234] {strides = array<i32>} : memref<8192xf32, #tpu.memory_space<vmem>>, vector<16xf32>,
      tpu.vector_store %arg10[%parallel_loop3A_234], %parallel_loop3A_233 {strides = array<i32>} : memref<8192xf32, #tpu.memory_space<vmem>>, vector<16xf32>,
    } {sc.loop_unroll_factor = 4 : i64, sc.parallel_access}
    %add3A_122 = arith.constant 64 : i32
    %add3A_123 = arith.addi %add3A, %add3A_122 : i32
    %mul3A_124 = arith.constant 8192 : i32
    %mul3A_125 = arith.muli %add3A_123, %mul3A_124 : i32
    %dma_start3A_126 = arith.constant 0 : i32
    %dma_start3A_127 = tpu.memref_slice %arg3[%dma_start3A_126, %mul3A_125] : memref<1x1000000xf32, #tpu.memory_space<hbm>> -> memref<1x8192xf32, #tpu.memory_space<hbm>>
    %dma_start3A_128 = tpu.memref_squeeze %dma_start3A_127 : memref<1x8192xf32, #tpu.memory_space<hbm>> -> memref<8192xf32, #tpu.memory_space<hbm>>
    %dma_start3A_129 = tpu.memref_slice %arg3[%dma_start3A_126, %mul3A_125] : memref<1x1000000xf32, #tpu.memory_space<hbm>> -> memref<1x8192xf32, #tpu.memory_space<hbm>>
    %dma_start3A_130 = tpu.memref_squeeze %dma_start3A_129 : memref<1x8192xf32, #tpu.memory_space<hbm>> -> memref<8192xf32, #tpu.memory_space<hbm>>
    tpu.enqueue_dma source(%arg10 : memref<8192xf32, #tpu.memory_space<vmem>>) target(%dma_start3A_130 : memref<8192xf32, #tpu.memory_space<hbm>>) target_semaphore(%arg14 : memref<!tpu.dma_semaphore, #tpu.memory_space<semaphore_mem>>)
    %convert_element_type3A_131 = arith.extui %lt3A_3 : i1 to i32
    %cond3A_132 = arith.constant 0 : i32
    %cond3A_133 = arith.cmpi ne, %convert_element_type3A_131, %cond3A_132 : i32
    scf.if %cond3A_133 {
      %add3A_154 = arith.constant 96 : i32
      %add3A_155 = arith.addi %add3A, %add3A_154 : i32
      %mul3A_156 = arith.constant 8192 : i32
      %mul3A_157 = arith.muli %add3A_155, %mul3A_156 : i32
      %add3A_158 = arith.constant 1000000 : i32
      %add3A_159 = arith.addi %add3A_158, %mul3A_157 : i32
      %add3A_160 = arith.constant 2000000 : i32
      %add3A_161 = arith.addi %add3A_160, %mul3A_157 : i32
      %dma_wait3A_162 = tpu.memref_slice %arg2[%mul3A_157] : memref<3000000xf32, #tpu.memory_space<hbm>> -> memref<8192xf32, #tpu.memory_space<hbm>>
      %dma_wait3A_163 = tpu.memref_slice %arg2[%mul3A_157] : memref<3000000xf32, #tpu.memory_space<hbm>> -> memref<8192xf32, #tpu.memory_space<hbm>>
      tpu.wait_dma2 semaphore(%arg13 : memref<!tpu.dma_semaphore, #tpu.memory_space<semaphore_mem>>) src(%dma_wait3A_163 : memref<8192xf32, #tpu.memory_space<hbm>>) dst(%arg5 : memref<8192xf32, #tpu.memory_space<vmem>>)
      %dma_wait3A_164 = tpu.memref_slice %arg2[%add3A_159] : memref<3000000xf32, #tpu.memory_space<hbm>> -> memref<8192xf32, #tpu.memory_space<hbm>>
      %dma_wait3A_165 = tpu.memref_slice %arg2[%add3A_159] : memref<3000000xf32, #tpu.memory_space<hbm>> -> memref<8192xf32, #tpu.memory_space<hbm>>
      tpu.wait_dma2 semaphore(%arg13 : memref<!tpu.dma_semaphore, #tpu.memory_space<semaphore_mem>>) src(%dma_wait3A_165 : memref<8192xf32, #tpu.memory_space<hbm>>) dst(%arg7 : memref<8192xf32, #tpu.memory_space<vmem>>)
      %dma_wait3A_166 = tpu.memref_slice %arg2[%add3A_161] : memref<3000000xf32, #tpu.memory_space<hbm>> -> memref<8192xf32, #tpu.memory_space<hbm>>
      %dma_wait3A_167 = tpu.memref_slice %arg2[%add3A_161] : memref<3000000xf32, #tpu.memory_space<hbm>> -> memref<8192xf32, #tpu.memory_space<hbm>>
      tpu.wait_dma2 semaphore(%arg13 : memref<!tpu.dma_semaphore, #tpu.memory_space<semaphore_mem>>) src(%dma_wait3A_167 : memref<8192xf32, #tpu.memory_space<hbm>>) dst(%arg9 : memref<8192xf32, #tpu.memory_space<vmem>>)
      %add3A_168 = arith.constant 32 : i32
      %add3A_169 = arith.addi %add3A, %add3A_168 : i32
      %mul3A_170 = arith.constant 8192 : i32
      %mul3A_171 = arith.muli %add3A_169, %mul3A_170 : i32
      %dma_wait3A_172 = arith.constant 0 : i32
      %dma_wait3A_173 = tpu.memref_slice %arg3[%dma_wait3A_172, %mul3A_171] : memref<1x1000000xf32, #tpu.memory_space<hbm>> -> memref<1x8192xf32, #tpu.memory_space<hbm>>
      %dma_wait3A_174 = tpu.memref_squeeze %dma_wait3A_173 : memref<1x8192xf32, #tpu.memory_space<hbm>> -> memref<8192xf32, #tpu.memory_space<hbm>>
      %dma_wait3A_175 = tpu.memref_slice %arg3[%dma_wait3A_172, %mul3A_171] : memref<1x1000000xf32, #tpu.memory_space<hbm>> -> memref<1x8192xf32, #tpu.memory_space<hbm>>
      %dma_wait3A_176 = tpu.memref_squeeze %dma_wait3A_175 : memref<1x8192xf32, #tpu.memory_space<hbm>> -> memref<8192xf32, #tpu.memory_space<hbm>>
      tpu.wait_dma2 semaphore(%arg15 : memref<!tpu.dma_semaphore, #tpu.memory_space<semaphore_mem>>) src(%arg11 : memref<8192xf32, #tpu.memory_space<vmem>>) dst(%dma_wait3A_176 : memref<8192xf32, #tpu.memory_space<hbm>>)
      %parallel_loop3A_177 = arith.constant 0 : i32
      %parallel_loop3A_178 = arith.constant 512 : i32
      %parallel_loop3A_179 = arith.constant 1 : i32
      scf.for %parallel_loop3A_189 = %parallel_loop3A_177 to %parallel_loop3A_178 step %parallel_loop3A_179  : i32 {
        %parallel_loop3A_190 = arith.constant 16 : i32
        %parallel_loop3A_191 = arith.muli %parallel_loop3A_189, %parallel_loop3A_190 : i32
        %parallel_loop3A_192 = arith.index_cast %parallel_loop3A_191 : i32 to index
        %parallel_loop3A_193 = tpu.vector_load %arg5[%parallel_loop3A_192] {strides = array<i32>} : memref<8192xf32, #tpu.memory_space<vmem>>, vector<16xf32>,
        %parallel_loop3A_194 = math.exp %parallel_loop3A_193 : vector<16xf32>
        %parallel_loop3A_195 = arith.index_cast %parallel_loop3A_191 : i32 to index
        %parallel_loop3A_196 = tpu.vector_load %arg7[%parallel_loop3A_195] {strides = array<i32>} : memref<8192xf32, #tpu.memory_space<vmem>>, vector<16xf32>,
        %parallel_loop3A_197 = math.exp %parallel_loop3A_196 : vector<16xf32>
        %parallel_loop3A_198 = arith.index_cast %parallel_loop3A_191 : i32 to index
        %parallel_loop3A_199 = tpu.vector_load %arg9[%parallel_loop3A_198] {strides = array<i32>} : memref<8192xf32, #tpu.memory_space<vmem>>, vector<16xf32>,
        %parallel_loop3A_200 = math.exp %parallel_loop3A_199 : vector<16xf32>
        %parallel_loop3A_201 = arith.mulf %parallel_loop3A_197, %parallel_loop3A_200 : vector<16xf32>
        %parallel_loop3A_202 = arith.addf %parallel_loop3A_197, %parallel_loop3A_200 : vector<16xf32>
        %parallel_loop3A_203 = arith.mulf %parallel_loop3A_194, %parallel_loop3A_202 : vector<16xf32>
        %parallel_loop3A_204 = arith.addf %parallel_loop3A_194, %parallel_loop3A_194 : vector<16xf32>
        %parallel_loop3A_205 = arith.addf %parallel_loop3A_204, %parallel_loop3A_194 : vector<16xf32>
        %parallel_loop3A_206 = arith.constant 1.000000e+00 : f32
        %parallel_loop3A_207 = vector.broadcast %parallel_loop3A_206 : f32 to vector<16xf32>
        %parallel_loop3A_208 = arith.subf %parallel_loop3A_207, %parallel_loop3A_205 : vector<16xf32>
        %parallel_loop3A_209 = arith.mulf %parallel_loop3A_201, %parallel_loop3A_208 : vector<16xf32>
        %parallel_loop3A_210 = arith.addf %parallel_loop3A_203, %parallel_loop3A_209 : vector<16xf32>
        %parallel_loop3A_211 = tpu.bitcast %parallel_loop3A_210 : vector<16xf32> -> vector<16xi32>
        %parallel_loop3A_212 = arith.constant 23 : i32
        %parallel_loop3A_213 = vector.broadcast %parallel_loop3A_212 : i32 to vector<16xi32>
        %parallel_loop3A_214 = arith.shrsi %parallel_loop3A_211, %parallel_loop3A_213 : vector<16xi32>
        %parallel_loop3A_215 = arith.constant 127 : i32
        %parallel_loop3A_216 = vector.broadcast %parallel_loop3A_215 : i32 to vector<16xi32>
        %parallel_loop3A_217 = arith.subi %parallel_loop3A_214, %parallel_loop3A_216 : vector<16xi32>
        %parallel_loop3A_218 = arith.constant 8388607 : i32
        %parallel_loop3A_219 = vector.broadcast %parallel_loop3A_218 : i32 to vector<16xi32>
        %parallel_loop3A_220 = arith.andi %parallel_loop3A_211, %parallel_loop3A_219 : vector<16xi32>
        %parallel_loop3A_221 = arith.constant 1065353216 : i32
        %parallel_loop3A_222 = vector.broadcast %parallel_loop3A_221 : i32 to vector<16xi32>
        %parallel_loop3A_223 = arith.ori %parallel_loop3A_220, %parallel_loop3A_222 : vector<16xi32>
        %parallel_loop3A_224 = tpu.bitcast %parallel_loop3A_223 : vector<16xi32> -> vector<16xf32>
        %parallel_loop3A_225 = arith.constant 1.41421354 : f32
        %parallel_loop3A_226 = vector.broadcast %parallel_loop3A_225 : f32 to vector<16xf32>
        %parallel_loop3A_227 = arith.cmpf ogt, %parallel_loop3A_224, %parallel_loop3A_226 : vector<16xf32>
        %parallel_loop3A_228 = arith.constant 5.000000e-01 : f32
        %parallel_loop3A_229 = vector.broadcast %parallel_loop3A_228 : f32 to vector<16xf32>
        %parallel_loop3A_230 = arith.mulf %parallel_loop3A_224, %parallel_loop3A_229 : vector<16xf32>
        %parallel_loop3A_231 = arith.select %parallel_loop3A_227, %parallel_loop3A_230, %parallel_loop3A_224 : vector<16xi1>, vector<16xf32>
        %parallel_loop3A_232 = arith.constant 1 : i32
        %parallel_loop3A_233 = vector.broadcast %parallel_loop3A_232 : i32 to vector<16xi32>
        %parallel_loop3A_234 = arith.addi %parallel_loop3A_217, %parallel_loop3A_233 : vector<16xi32>
        %parallel_loop3A_235 = arith.select %parallel_loop3A_227, %parallel_loop3A_234, %parallel_loop3A_217 : vector<16xi1>, vector<16xi32>
        %parallel_loop3A_236 = arith.sitofp %parallel_loop3A_235 : vector<16xi32> to vector<16xf32>
        %parallel_loop3A_237 = arith.constant 1.000000e+00 : f32
        %parallel_loop3A_238 = vector.broadcast %parallel_loop3A_237 : f32 to vector<16xf32>
        %parallel_loop3A_239 = arith.subf %parallel_loop3A_231, %parallel_loop3A_238 : vector<16xf32>
        %parallel_loop3A_240 = arith.mulf %parallel_loop3A_239, %parallel_loop3A_239 : vector<16xf32>
        %parallel_loop3A_241 = arith.constant -0.249701306 : f32
        %parallel_loop3A_242 = vector.broadcast %parallel_loop3A_241 : f32 to vector<16xf32>
        %parallel_loop3A_243 = arith.mulf %parallel_loop3A_242, %parallel_loop3A_239 : vector<16xf32>
        %parallel_loop3A_244 = arith.constant 0.333314836 : f32
        %parallel_loop3A_245 = vector.broadcast %parallel_loop3A_244 : f32 to vector<16xf32>
        %parallel_loop3A_246 = arith.addf %parallel_loop3A_245, %parallel_loop3A_243 : vector<16xf32>
        %parallel_loop3A_247 = arith.constant -0.180306226 : f32
        %parallel_loop3A_248 = vector.broadcast %parallel_loop3A_247 : f32 to vector<16xf32>
        %parallel_loop3A_249 = arith.mulf %parallel_loop3A_248, %parallel_loop3A_239 : vector<16xf32>
        %parallel_loop3A_250 = arith.constant 0.201997325 : f32
        %parallel_loop3A_251 = vector.broadcast %parallel_loop3A_250 : f32 to vector<16xf32>
        %parallel_loop3A_252 = arith.addf %parallel_loop3A_251, %parallel_loop3A_249 : vector<16xf32>
        %parallel_loop3A_253 = arith.constant 0.124857098 : f32
        %parallel_loop3A_254 = vector.broadcast %parallel_loop3A_253 : f32 to vector<16xf32>
        %parallel_loop3A_255 = arith.mulf %parallel_loop3A_240, %parallel_loop3A_254 : vector<16xf32>
        %parallel_loop3A_256 = arith.addf %parallel_loop3A_252, %parallel_loop3A_255 : vector<16xf32>
        %parallel_loop3A_257 = arith.mulf %parallel_loop3A_240, %parallel_loop3A_256 : vector<16xf32>
        %parallel_loop3A_258 = arith.addf %parallel_loop3A_246, %parallel_loop3A_257 : vector<16xf32>
        %parallel_loop3A_259 = arith.constant 0.693147182 : f32
        %parallel_loop3A_260 = vector.broadcast %parallel_loop3A_259 : f32 to vector<16xf32>
        %parallel_loop3A_261 = arith.mulf %parallel_loop3A_236, %parallel_loop3A_260 : vector<16xf32>
        %parallel_loop3A_262 = arith.addf %parallel_loop3A_239, %parallel_loop3A_261 : vector<16xf32>
        %parallel_loop3A_263 = arith.mulf %parallel_loop3A_239, %parallel_loop3A_258 : vector<16xf32>
        %parallel_loop3A_264 = arith.constant 5.000000e-01 : f32
        %parallel_loop3A_265 = vector.broadcast %parallel_loop3A_264 : f32 to vector<16xf32>
        %parallel_loop3A_266 = arith.subf %parallel_loop3A_263, %parallel_loop3A_265 : vector<16xf32>
        %parallel_loop3A_267 = arith.mulf %parallel_loop3A_240, %parallel_loop3A_266 : vector<16xf32>
        %parallel_loop3A_268 = arith.addf %parallel_loop3A_262, %parallel_loop3A_267 : vector<16xf32>
        %parallel_loop3A_269 = arith.index_cast %parallel_loop3A_191 : i32 to index
        %parallel_loop3A_270 = tpu.vector_load %arg11[%parallel_loop3A_269] {strides = array<i32>} : memref<8192xf32, #tpu.memory_space<vmem>>, vector<16xf32>,
        tpu.vector_store %arg11[%parallel_loop3A_269], %parallel_loop3A_268 {strides = array<i32>} : memref<8192xf32, #tpu.memory_space<vmem>>, vector<16xf32>,
      } {sc.loop_unroll_factor = 4 : i64, sc.parallel_access}
      %add3A_180 = arith.constant 96 : i32
      %add3A_181 = arith.addi %add3A, %add3A_180 : i32
      %mul3A_182 = arith.constant 8192 : i32
      %mul3A_183 = arith.muli %add3A_181, %mul3A_182 : i32
      %dma_start3A_184 = arith.constant 0 : i32
      %dma_start3A_185 = tpu.memref_slice %arg3[%dma_start3A_184, %mul3A_183] : memref<1x1000000xf32, #tpu.memory_space<hbm>> -> memref<1x8192xf32, #tpu.memory_space<hbm>>
      %dma_start3A_186 = tpu.memref_squeeze %dma_start3A_185 : memref<1x8192xf32, #tpu.memory_space<hbm>> -> memref<8192xf32, #tpu.memory_space<hbm>>
      %dma_start3A_187 = tpu.memref_slice %arg3[%dma_start3A_184, %mul3A_183] : memref<1x1000000xf32, #tpu.memory_space<hbm>> -> memref<1x8192xf32, #tpu.memory_space<hbm>>
      %dma_start3A_188 = tpu.memref_squeeze %dma_start3A_187 : memref<1x8192xf32, #tpu.memory_space<hbm>> -> memref<8192xf32, #tpu.memory_space<hbm>>
      tpu.enqueue_dma source(%arg11 : memref<8192xf32, #tpu.memory_space<vmem>>) target(%dma_start3A_188 : memref<8192xf32, #tpu.memory_space<hbm>>) target_semaphore(%arg15 : memref<!tpu.dma_semaphore, #tpu.memory_space<semaphore_mem>>)
    } else {
    }
    %add3A_134 = arith.constant 64 : i32
    %add3A_135 = arith.addi %add3A, %add3A_134 : i32
    %mul3A_136 = arith.constant 8192 : i32
    %mul3A_137 = arith.muli %add3A_135, %mul3A_136 : i32
    %dma_wait3A_138 = arith.constant 0 : i32
    %dma_wait3A_139 = tpu.memref_slice %arg3[%dma_wait3A_138, %mul3A_137] : memref<1x1000000xf32, #tpu.memory_space<hbm>> -> memref<1x8192xf32, #tpu.memory_space<hbm>>
    %dma_wait3A_140 = tpu.memref_squeeze %dma_wait3A_139 : memref<1x8192xf32, #tpu.memory_space<hbm>> -> memref<8192xf32, #tpu.memory_space<hbm>>
    %dma_wait3A_141 = tpu.memref_slice %arg3[%dma_wait3A_138, %mul3A_137] : memref<1x1000000xf32, #tpu.memory_space<hbm>> -> memref<1x8192xf32, #tpu.memory_space<hbm>>
    %dma_wait3A_142 = tpu.memref_squeeze %dma_wait3A_141 : memref<1x8192xf32, #tpu.memory_space<hbm>> -> memref<8192xf32, #tpu.memory_space<hbm>>
    tpu.wait_dma2 semaphore(%arg14 : memref<!tpu.dma_semaphore, #tpu.memory_space<semaphore_mem>>) src(%arg10 : memref<8192xf32, #tpu.memory_space<vmem>>) dst(%dma_wait3A_142 : memref<8192xf32, #tpu.memory_space<hbm>>)
    %convert_element_type3A_143 = arith.extui %lt3A_3 : i1 to i32
    %cond3A_144 = arith.constant 0 : i32
    %cond3A_145 = arith.cmpi ne, %convert_element_type3A_143, %cond3A_144 : i32
    scf.if %cond3A_145 {
      %add3A_154 = arith.constant 96 : i32
      %add3A_155 = arith.addi %add3A, %add3A_154 : i32
      %mul3A_156 = arith.constant 8192 : i32
      %mul3A_157 = arith.muli %add3A_155, %mul3A_156 : i32
      %dma_wait3A_158 = arith.constant 0 : i32
      %dma_wait3A_159 = tpu.memref_slice %arg3[%dma_wait3A_158, %mul3A_157] : memref<1x1000000xf32, #tpu.memory_space<hbm>> -> memref<1x8192xf32, #tpu.memory_space<hbm>>
      %dma_wait3A_160 = tpu.memref_squeeze %dma_wait3A_159 : memref<1x8192xf32, #tpu.memory_space<hbm>> -> memref<8192xf32, #tpu.memory_space<hbm>>
      %dma_wait3A_161 = tpu.memref_slice %arg3[%dma_wait3A_158, %mul3A_157] : memref<1x1000000xf32, #tpu.memory_space<hbm>> -> memref<1x8192xf32, #tpu.memory_space<hbm>>
      %dma_wait3A_162 = tpu.memref_squeeze %dma_wait3A_161 : memref<1x8192xf32, #tpu.memory_space<hbm>> -> memref<8192xf32, #tpu.memory_space<hbm>>
      tpu.wait_dma2 semaphore(%arg15 : memref<!tpu.dma_semaphore, #tpu.memory_space<semaphore_mem>>) src(%arg11 : memref<8192xf32, #tpu.memory_space<vmem>>) dst(%dma_wait3A_162 : memref<8192xf32, #tpu.memory_space<hbm>>)
    } else {
    }
    %not3A = arith.constant true
    %not3A_146 = arith.xori %lt3A_3, %not3A : i1
    %convert_element_type3A_147 = arith.extui %not3A_146 : i1 to i32
    %cond3A_148 = arith.constant 0 : i32
    %cond3A_149 = arith.cmpi ne, %convert_element_type3A_147, %cond3A_148 : i32
    scf.if %cond3A_149 {
      %add3A_154 = arith.constant 32 : i32
      %add3A_155 = arith.addi %add3A, %add3A_154 : i32
      %mul3A_156 = arith.constant 8192 : i32
      %mul3A_157 = arith.muli %add3A_155, %mul3A_156 : i32
      %dma_wait3A_158 = arith.constant 0 : i32
      %dma_wait3A_159 = tpu.memref_slice %arg3[%dma_wait3A_158, %mul3A_157] : memref<1x1000000xf32, #tpu.memory_space<hbm>> -> memref<1x8192xf32, #tpu.memory_space<hbm>>
      %dma_wait3A_160 = tpu.memref_squeeze %dma_wait3A_159 : memref<1x8192xf32, #tpu.memory_space<hbm>> -> memref<8192xf32, #tpu.memory_space<hbm>>
      %dma_wait3A_161 = tpu.memref_slice %arg3[%dma_wait3A_158, %mul3A_157] : memref<1x1000000xf32, #tpu.memory_space<hbm>> -> memref<1x8192xf32, #tpu.memory_space<hbm>>
      %dma_wait3A_162 = tpu.memref_squeeze %dma_wait3A_161 : memref<1x8192xf32, #tpu.memory_space<hbm>> -> memref<8192xf32, #tpu.memory_space<hbm>>
      tpu.wait_dma2 semaphore(%arg15 : memref<!tpu.dma_semaphore, #tpu.memory_space<semaphore_mem>>) src(%arg11 : memref<8192xf32, #tpu.memory_space<vmem>>) dst(%dma_wait3A_162 : memref<8192xf32, #tpu.memory_space<hbm>>)
    } else {
    }
    %eq3A = arith.constant 31 : i32
    %eq3A_150 = arith.cmpi eq, %add3A, %eq3A : i32
    %convert_element_type3A_151 = arith.extui %eq3A_150 : i1 to i32
    %cond3A_152 = arith.constant 0 : i32
    %cond3A_153 = arith.cmpi ne, %convert_element_type3A_151, %cond3A_152 : i32
    scf.if %cond3A_153 {
      "tpu.region"() ({
        %run_scoped3A_157 = tpu.sem_alloc : memref<!tpu.dma_semaphore, #tpu.memory_space<semaphore_mem>>
        %dma_start3A_158 = arith.constant 0 : i32
        %dma_start3A_159 = tpu.memref_slice %arg4[%dma_start3A_158] : memref<8192xf32, #tpu.memory_space<vmem>> -> memref<576xf32, #tpu.memory_space<vmem>>
        %dma_start3A_160 = arith.constant 999424 : i32
        %dma_start3A_161 = tpu.memref_slice %arg2[%dma_start3A_160] : memref<3000000xf32, #tpu.memory_space<hbm>> -> memref<576xf32, #tpu.memory_space<hbm>>
        %dma_start3A_162 = arith.constant 0 : i32
        %dma_start3A_163 = tpu.memref_slice %arg4[%dma_start3A_162] : memref<8192xf32, #tpu.memory_space<vmem>> -> memref<576xf32, #tpu.memory_space<vmem>>
        %dma_start3A_164 = arith.constant 999424 : i32
        %dma_start3A_165 = tpu.memref_slice %arg2[%dma_start3A_164] : memref<3000000xf32, #tpu.memory_space<hbm>> -> memref<576xf32, #tpu.memory_space<hbm>>
        tpu.enqueue_dma source(%dma_start3A_165 : memref<576xf32, #tpu.memory_space<hbm>>) target(%dma_start3A_163 : memref<576xf32, #tpu.memory_space<vmem>>) target_semaphore(%run_scoped3A_157 : memref<!tpu.dma_semaphore, #tpu.memory_space<semaphore_mem>>)
        %dma_wait3A_166 = arith.constant 0 : i32
        %dma_wait3A_167 = tpu.memref_slice %arg4[%dma_wait3A_166] : memref<8192xf32, #tpu.memory_space<vmem>> -> memref<576xf32, #tpu.memory_space<vmem>>
        %dma_wait3A_168 = arith.constant 999424 : i32
        %dma_wait3A_169 = tpu.memref_slice %arg2[%dma_wait3A_168] : memref<3000000xf32, #tpu.memory_space<hbm>> -> memref<576xf32, #tpu.memory_space<hbm>>
        %dma_wait3A_170 = arith.constant 0 : i32
        %dma_wait3A_171 = tpu.memref_slice %arg4[%dma_wait3A_170] : memref<8192xf32, #tpu.memory_space<vmem>> -> memref<576xf32, #tpu.memory_space<vmem>>
        %dma_wait3A_172 = arith.constant 999424 : i32
        %dma_wait3A_173 = tpu.memref_slice %arg2[%dma_wait3A_172] : memref<3000000xf32, #tpu.memory_space<hbm>> -> memref<576xf32, #tpu.memory_space<hbm>>
        tpu.wait_dma2 semaphore(%run_scoped3A_157 : memref<!tpu.dma_semaphore, #tpu.memory_space<semaphore_mem>>) src(%dma_wait3A_173 : memref<576xf32, #tpu.memory_space<hbm>>) dst(%dma_wait3A_171 : memref<576xf32, #tpu.memory_space<vmem>>)
        tpu.yield
      }) : () -> ()
      "tpu.region"() ({
        %run_scoped3A_157 = tpu.sem_alloc : memref<!tpu.dma_semaphore, #tpu.memory_space<semaphore_mem>>
        %dma_start3A_158 = arith.constant 0 : i32
        %dma_start3A_159 = tpu.memref_slice %arg6[%dma_start3A_158] : memref<8192xf32, #tpu.memory_space<vmem>> -> memref<576xf32, #tpu.memory_space<vmem>>
        %dma_start3A_160 = arith.constant 1999424 : i32
        %dma_start3A_161 = tpu.memref_slice %arg2[%dma_start3A_160] : memref<3000000xf32, #tpu.memory_space<hbm>> -> memref<576xf32, #tpu.memory_space<hbm>>
        %dma_start3A_162 = arith.constant 0 : i32
        %dma_start3A_163 = tpu.memref_slice %arg6[%dma_start3A_162] : memref<8192xf32, #tpu.memory_space<vmem>> -> memref<576xf32, #tpu.memory_space<vmem>>
        %dma_start3A_164 = arith.constant 1999424 : i32
        %dma_start3A_165 = tpu.memref_slice %arg2[%dma_start3A_164] : memref<3000000xf32, #tpu.memory_space<hbm>> -> memref<576xf32, #tpu.memory_space<hbm>>
        tpu.enqueue_dma source(%dma_start3A_165 : memref<576xf32, #tpu.memory_space<hbm>>) target(%dma_start3A_163 : memref<576xf32, #tpu.memory_space<vmem>>) target_semaphore(%run_scoped3A_157 : memref<!tpu.dma_semaphore, #tpu.memory_space<semaphore_mem>>)
        %dma_wait3A_166 = arith.constant 0 : i32
        %dma_wait3A_167 = tpu.memref_slice %arg6[%dma_wait3A_166] : memref<8192xf32, #tpu.memory_space<vmem>> -> memref<576xf32, #tpu.memory_space<vmem>>
        %dma_wait3A_168 = arith.constant 1999424 : i32
        %dma_wait3A_169 = tpu.memref_slice %arg2[%dma_wait3A_168] : memref<3000000xf32, #tpu.memory_space<hbm>> -> memref<576xf32, #tpu.memory_space<hbm>>
        %dma_wait3A_170 = arith.constant 0 : i32
        %dma_wait3A_171 = tpu.memref_slice %arg6[%dma_wait3A_170] : memref<8192xf32, #tpu.memory_space<vmem>> -> memref<576xf32, #tpu.memory_space<vmem>>
        %dma_wait3A_172 = arith.constant 1999424 : i32
        %dma_wait3A_173 = tpu.memref_slice %arg2[%dma_wait3A_172] : memref<3000000xf32, #tpu.memory_space<hbm>> -> memref<576xf32, #tpu.memory_space<hbm>>
        tpu.wait_dma2 semaphore(%run_scoped3A_157 : memref<!tpu.dma_semaphore, #tpu.memory_space<semaphore_mem>>) src(%dma_wait3A_173 : memref<576xf32, #tpu.memory_space<hbm>>) dst(%dma_wait3A_171 : memref<576xf32, #tpu.memory_space<vmem>>)
        tpu.yield
      }) : () -> ()
      "tpu.region"() ({
        %run_scoped3A_157 = tpu.sem_alloc : memref<!tpu.dma_semaphore, #tpu.memory_space<semaphore_mem>>
        %dma_start3A_158 = arith.constant 0 : i32
        %dma_start3A_159 = tpu.memref_slice %arg8[%dma_start3A_158] : memref<8192xf32, #tpu.memory_space<vmem>> -> memref<576xf32, #tpu.memory_space<vmem>>
        %dma_start3A_160 = arith.constant 2999424 : i32
        %dma_start3A_161 = tpu.memref_slice %arg2[%dma_start3A_160] : memref<3000000xf32, #tpu.memory_space<hbm>> -> memref<576xf32, #tpu.memory_space<hbm>>
        %dma_start3A_162 = arith.constant 0 : i32
        %dma_start3A_163 = tpu.memref_slice %arg8[%dma_start3A_162] : memref<8192xf32, #tpu.memory_space<vmem>> -> memref<576xf32, #tpu.memory_space<vmem>>
        %dma_start3A_164 = arith.constant 2999424 : i32
        %dma_start3A_165 = tpu.memref_slice %arg2[%dma_start3A_164] : memref<3000000xf32, #tpu.memory_space<hbm>> -> memref<576xf32, #tpu.memory_space<hbm>>
        tpu.enqueue_dma source(%dma_start3A_165 : memref<576xf32, #tpu.memory_space<hbm>>) target(%dma_start3A_163 : memref<576xf32, #tpu.memory_space<vmem>>) target_semaphore(%run_scoped3A_157 : memref<!tpu.dma_semaphore, #tpu.memory_space<semaphore_mem>>)
        %dma_wait3A_166 = arith.constant 0 : i32
        %dma_wait3A_167 = tpu.memref_slice %arg8[%dma_wait3A_166] : memref<8192xf32, #tpu.memory_space<vmem>> -> memref<576xf32, #tpu.memory_space<vmem>>
        %dma_wait3A_168 = arith.constant 2999424 : i32
        %dma_wait3A_169 = tpu.memref_slice %arg2[%dma_wait3A_168] : memref<3000000xf32, #tpu.memory_space<hbm>> -> memref<576xf32, #tpu.memory_space<hbm>>
        %dma_wait3A_170 = arith.constant 0 : i32
        %dma_wait3A_171 = tpu.memref_slice %arg8[%dma_wait3A_170] : memref<8192xf32, #tpu.memory_space<vmem>> -> memref<576xf32, #tpu.memory_space<vmem>>
        %dma_wait3A_172 = arith.constant 2999424 : i32
        %dma_wait3A_173 = tpu.memref_slice %arg2[%dma_wait3A_172] : memref<3000000xf32, #tpu.memory_space<hbm>> -> memref<576xf32, #tpu.memory_space<hbm>>
        tpu.wait_dma2 semaphore(%run_scoped3A_157 : memref<!tpu.dma_semaphore, #tpu.memory_space<semaphore_mem>>) src(%dma_wait3A_173 : memref<576xf32, #tpu.memory_space<hbm>>) dst(%dma_wait3A_171 : memref<576xf32, #tpu.memory_space<vmem>>)
        tpu.yield
      }) : () -> ()
      %parallel_loop3A_154 = arith.constant 0 : i32
      %parallel_loop3A_155 = arith.constant 36 : i32
      %parallel_loop3A_156 = arith.constant 1 : i32
      scf.for %parallel_loop3A_157 = %parallel_loop3A_154 to %parallel_loop3A_155 step %parallel_loop3A_156  : i32 {
        %parallel_loop3A_158 = arith.constant 16 : i32
        %parallel_loop3A_159 = arith.muli %parallel_loop3A_157, %parallel_loop3A_158 : i32
        %parallel_loop3A_160 = arith.index_cast %parallel_loop3A_159 : i32 to index
        %parallel_loop3A_161 = tpu.vector_load %arg4[%parallel_loop3A_160] {strides = array<i32>} : memref<8192xf32, #tpu.memory_space<vmem>>, vector<16xf32>,
        %parallel_loop3A_162 = math.exp %parallel_loop3A_161 : vector<16xf32>
        %parallel_loop3A_163 = arith.index_cast %parallel_loop3A_159 : i32 to index
        %parallel_loop3A_164 = tpu.vector_load %arg6[%parallel_loop3A_163] {strides = array<i32>} : memref<8192xf32, #tpu.memory_space<vmem>>, vector<16xf32>,
        %parallel_loop3A_165 = math.exp %parallel_loop3A_164 : vector<16xf32>
        %parallel_loop3A_166 = arith.index_cast %parallel_loop3A_159 : i32 to index
        %parallel_loop3A_167 = tpu.vector_load %arg8[%parallel_loop3A_166] {strides = array<i32>} : memref<8192xf32, #tpu.memory_space<vmem>>, vector<16xf32>,
        %parallel_loop3A_168 = math.exp %parallel_loop3A_167 : vector<16xf32>
        %parallel_loop3A_169 = arith.mulf %parallel_loop3A_165, %parallel_loop3A_168 : vector<16xf32>
        %parallel_loop3A_170 = arith.addf %parallel_loop3A_165, %parallel_loop3A_168 : vector<16xf32>
        %parallel_loop3A_171 = arith.mulf %parallel_loop3A_162, %parallel_loop3A_170 : vector<16xf32>
        %parallel_loop3A_172 = arith.addf %parallel_loop3A_162, %parallel_loop3A_162 : vector<16xf32>
        %parallel_loop3A_173 = arith.addf %parallel_loop3A_172, %parallel_loop3A_162 : vector<16xf32>
        %parallel_loop3A_174 = arith.constant 1.000000e+00 : f32
        %parallel_loop3A_175 = vector.broadcast %parallel_loop3A_174 : f32 to vector<16xf32>
        %parallel_loop3A_176 = arith.subf %parallel_loop3A_175, %parallel_loop3A_173 : vector<16xf32>
        %parallel_loop3A_177 = arith.mulf %parallel_loop3A_169, %parallel_loop3A_176 : vector<16xf32>
        %parallel_loop3A_178 = arith.addf %parallel_loop3A_171, %parallel_loop3A_177 : vector<16xf32>
        %parallel_loop3A_179 = tpu.bitcast %parallel_loop3A_178 : vector<16xf32> -> vector<16xi32>
        %parallel_loop3A_180 = arith.constant 23 : i32
        %parallel_loop3A_181 = vector.broadcast %parallel_loop3A_180 : i32 to vector<16xi32>
        %parallel_loop3A_182 = arith.shrsi %parallel_loop3A_179, %parallel_loop3A_181 : vector<16xi32>
        %parallel_loop3A_183 = arith.constant 127 : i32
        %parallel_loop3A_184 = vector.broadcast %parallel_loop3A_183 : i32 to vector<16xi32>
        %parallel_loop3A_185 = arith.subi %parallel_loop3A_182, %parallel_loop3A_184 : vector<16xi32>
        %parallel_loop3A_186 = arith.constant 8388607 : i32
        %parallel_loop3A_187 = vector.broadcast %parallel_loop3A_186 : i32 to vector<16xi32>
        %parallel_loop3A_188 = arith.andi %parallel_loop3A_179, %parallel_loop3A_187 : vector<16xi32>
        %parallel_loop3A_189 = arith.constant 1065353216 : i32
        %parallel_loop3A_190 = vector.broadcast %parallel_loop3A_189 : i32 to vector<16xi32>
        %parallel_loop3A_191 = arith.ori %parallel_loop3A_188, %parallel_loop3A_190 : vector<16xi32>
        %parallel_loop3A_192 = tpu.bitcast %parallel_loop3A_191 : vector<16xi32> -> vector<16xf32>
        %parallel_loop3A_193 = arith.constant 1.41421354 : f32
        %parallel_loop3A_194 = vector.broadcast %parallel_loop3A_193 : f32 to vector<16xf32>
        %parallel_loop3A_195 = arith.cmpf ogt, %parallel_loop3A_192, %parallel_loop3A_194 : vector<16xf32>
        %parallel_loop3A_196 = arith.constant 5.000000e-01 : f32
        %parallel_loop3A_197 = vector.broadcast %parallel_loop3A_196 : f32 to vector<16xf32>
        %parallel_loop3A_198 = arith.mulf %parallel_loop3A_192, %parallel_loop3A_197 : vector<16xf32>
        %parallel_loop3A_199 = arith.select %parallel_loop3A_195, %parallel_loop3A_198, %parallel_loop3A_192 : vector<16xi1>, vector<16xf32>
        %parallel_loop3A_200 = arith.constant 1 : i32
        %parallel_loop3A_201 = vector.broadcast %parallel_loop3A_200 : i32 to vector<16xi32>
        %parallel_loop3A_202 = arith.addi %parallel_loop3A_185, %parallel_loop3A_201 : vector<16xi32>
        %parallel_loop3A_203 = arith.select %parallel_loop3A_195, %parallel_loop3A_202, %parallel_loop3A_185 : vector<16xi1>, vector<16xi32>
        %parallel_loop3A_204 = arith.sitofp %parallel_loop3A_203 : vector<16xi32> to vector<16xf32>
        %parallel_loop3A_205 = arith.constant 1.000000e+00 : f32
        %parallel_loop3A_206 = vector.broadcast %parallel_loop3A_205 : f32 to vector<16xf32>
        %parallel_loop3A_207 = arith.subf %parallel_loop3A_199, %parallel_loop3A_206 : vector<16xf32>
        %parallel_loop3A_208 = arith.mulf %parallel_loop3A_207, %parallel_loop3A_207 : vector<16xf32>
        %parallel_loop3A_209 = arith.constant -0.249701306 : f32
        %parallel_loop3A_210 = vector.broadcast %parallel_loop3A_209 : f32 to vector<16xf32>
        %parallel_loop3A_211 = arith.mulf %parallel_loop3A_210, %parallel_loop3A_207 : vector<16xf32>
        %parallel_loop3A_212 = arith.constant 0.333314836 : f32
        %parallel_loop3A_213 = vector.broadcast %parallel_loop3A_212 : f32 to vector<16xf32>
        %parallel_loop3A_214 = arith.addf %parallel_loop3A_213, %parallel_loop3A_211 : vector<16xf32>
        %parallel_loop3A_215 = arith.constant -0.180306226 : f32
        %parallel_loop3A_216 = vector.broadcast %parallel_loop3A_215 : f32 to vector<16xf32>
        %parallel_loop3A_217 = arith.mulf %parallel_loop3A_216, %parallel_loop3A_207 : vector<16xf32>
        %parallel_loop3A_218 = arith.constant 0.201997325 : f32
        %parallel_loop3A_219 = vector.broadcast %parallel_loop3A_218 : f32 to vector<16xf32>
        %parallel_loop3A_220 = arith.addf %parallel_loop3A_219, %parallel_loop3A_217 : vector<16xf32>
        %parallel_loop3A_221 = arith.constant 0.124857098 : f32
        %parallel_loop3A_222 = vector.broadcast %parallel_loop3A_221 : f32 to vector<16xf32>
        %parallel_loop3A_223 = arith.mulf %parallel_loop3A_208, %parallel_loop3A_222 : vector<16xf32>
        %parallel_loop3A_224 = arith.addf %parallel_loop3A_220, %parallel_loop3A_223 : vector<16xf32>
        %parallel_loop3A_225 = arith.mulf %parallel_loop3A_208, %parallel_loop3A_224 : vector<16xf32>
        %parallel_loop3A_226 = arith.addf %parallel_loop3A_214, %parallel_loop3A_225 : vector<16xf32>
        %parallel_loop3A_227 = arith.constant 0.693147182 : f32
        %parallel_loop3A_228 = vector.broadcast %parallel_loop3A_227 : f32 to vector<16xf32>
        %parallel_loop3A_229 = arith.mulf %parallel_loop3A_204, %parallel_loop3A_228 : vector<16xf32>
        %parallel_loop3A_230 = arith.addf %parallel_loop3A_207, %parallel_loop3A_229 : vector<16xf32>
        %parallel_loop3A_231 = arith.mulf %parallel_loop3A_207, %parallel_loop3A_226 : vector<16xf32>
        %parallel_loop3A_232 = arith.constant 5.000000e-01 : f32
        %parallel_loop3A_233 = vector.broadcast %parallel_loop3A_232 : f32 to vector<16xf32>
        %parallel_loop3A_234 = arith.subf %parallel_loop3A_231, %parallel_loop3A_233 : vector<16xf32>
        %parallel_loop3A_235 = arith.mulf %parallel_loop3A_208, %parallel_loop3A_234 : vector<16xf32>
        %parallel_loop3A_236 = arith.addf %parallel_loop3A_230, %parallel_loop3A_235 : vector<16xf32>
        %parallel_loop3A_237 = arith.index_cast %parallel_loop3A_159 : i32 to index
        %parallel_loop3A_238 = tpu.vector_load %arg10[%parallel_loop3A_237] {strides = array<i32>} : memref<8192xf32, #tpu.memory_space<vmem>>, vector<16xf32>,
        tpu.vector_store %arg10[%parallel_loop3A_237], %parallel_loop3A_236 {strides = array<i32>} : memref<8192xf32, #tpu.memory_space<vmem>>, vector<16xf32>,
      } {sc.loop_unroll_factor = 4 : i64, sc.parallel_access}
      %run_scoped3A = arith.constant 0 : i32
      "tpu.region"() ({
        %run_scoped3A_157 = tpu.sem_alloc : memref<!tpu.dma_semaphore, #tpu.memory_space<semaphore_mem>>
        %dma_start3A_158 = arith.constant 0 : i32
        %dma_start3A_159 = tpu.memref_slice %arg10[%dma_start3A_158] : memref<8192xf32, #tpu.memory_space<vmem>> -> memref<576xf32, #tpu.memory_space<vmem>>
        %dma_start3A_160 = arith.constant 999424 : i32
        %dma_start3A_161 = tpu.memref_slice %arg3[%run_scoped3A, %dma_start3A_160] : memref<1x1000000xf32, #tpu.memory_space<hbm>> -> memref<1x576xf32, #tpu.memory_space<hbm>>
        %dma_start3A_162 = tpu.memref_squeeze %dma_start3A_161 : memref<1x576xf32, #tpu.memory_space<hbm>> -> memref<576xf32, #tpu.memory_space<hbm>>
        %dma_start3A_163 = arith.constant 999424 : i32
        %dma_start3A_164 = tpu.memref_slice %arg3[%run_scoped3A, %dma_start3A_163] : memref<1x1000000xf32, #tpu.memory_space<hbm>> -> memref<1x576xf32, #tpu.memory_space<hbm>>
        %dma_start3A_165 = tpu.memref_squeeze %dma_start3A_164 : memref<1x576xf32, #tpu.memory_space<hbm>> -> memref<576xf32, #tpu.memory_space<hbm>>
        %dma_start3A_166 = arith.constant 0 : i32
        %dma_start3A_167 = tpu.memref_slice %arg10[%dma_start3A_166] : memref<8192xf32, #tpu.memory_space<vmem>> -> memref<576xf32, #tpu.memory_space<vmem>>
        tpu.enqueue_dma source(%dma_start3A_167 : memref<576xf32, #tpu.memory_space<vmem>>) target(%dma_start3A_165 : memref<576xf32, #tpu.memory_space<hbm>>) target_semaphore(%run_scoped3A_157 : memref<!tpu.dma_semaphore, #tpu.memory_space<semaphore_mem>>)
        %dma_wait3A_168 = arith.constant 0 : i32
        %dma_wait3A_169 = tpu.memref_slice %arg10[%dma_wait3A_168] : memref<8192xf32, #tpu.memory_space<vmem>> -> memref<576xf32, #tpu.memory_space<vmem>>
        %dma_wait3A_170 = arith.constant 999424 : i32
        %dma_wait3A_171 = tpu.memref_slice %arg3[%run_scoped3A, %dma_wait3A_170] : memref<1x1000000xf32, #tpu.memory_space<hbm>> -> memref<1x576xf32, #tpu.memory_space<hbm>>
        %dma_wait3A_172 = tpu.memref_squeeze %dma_wait3A_171 : memref<1x576xf32, #tpu.memory_space<hbm>> -> memref<576xf32, #tpu.memory_space<hbm>>
        %dma_wait3A_173 = arith.constant 999424 : i32
        %dma_wait3A_174 = tpu.memref_slice %arg3[%run_scoped3A, %dma_wait3A_173] : memref<1x1000000xf32, #tpu.memory_space<hbm>> -> memref<1x576xf32, #tpu.memory_space<hbm>>
        %dma_wait3A_175 = tpu.memref_squeeze %dma_wait3A_174 : memref<1x576xf32, #tpu.memory_space<hbm>> -> memref<576xf32, #tpu.memory_space<hbm>>
        %dma_wait3A_176 = arith.constant 0 : i32
        %dma_wait3A_177 = tpu.memref_slice %arg10[%dma_wait3A_176] : memref<8192xf32, #tpu.memory_space<vmem>> -> memref<576xf32, #tpu.memory_space<vmem>>
        tpu.wait_dma2 semaphore(%run_scoped3A_157 : memref<!tpu.dma_semaphore, #tpu.memory_space<semaphore_mem>>) src(%dma_wait3A_177 : memref<576xf32, #tpu.memory_space<vmem>>) dst(%dma_wait3A_175 : memref<576xf32, #tpu.memory_space<hbm>>)
        tpu.yield
      }) : () -> ()
    } else {
    }
    return
  }
}

</mosaic_0001>

<sc_bundles>
// kernel: _sc_eval.3.cloned.1.call-start
scs
__scs_entry_jumppad:
0x0: {  	(pc) =	sbr.rel $0x88, $3  }
0x1: {  	(tag) =	ssettag $0x0;
	lr =	simm.s32 $0x1  }
0x2: {  	[smem:$0x3FA0] =	sst lr;
	_ =	strace $0xD0000000  }
0x3: {  	_ = 	snop  }
0x4: {  	_ = 	snop  }
0x5: {  	_ = 	snop  }
0x6: {  	_ = 	snop  }
0x7: {  	_ = 	snop  }
__scs_overlays_trampoline_lowered:
0x8: {  	[smem:$0x3FAF] =	sst s0  }
0x9: {  	[smem:$0x3FB0] =	sst s1  }
0xa: {  	[smem:$0x3FB1] =	sst s2  }
0xb: {  	[smem:$0x3FB2] =	sst s3  }
0xc: {  	[smem:$0x3FB3] =	sst s4  }
0xd: {  	[smem:$0x3FB4] =	sst s5  }
0xe: {  	[smem:$0x3FB5] =	sst s6  }
0xf: {  	[smem:$0x3FB6] =	sst s7  }
0x10: {  	[smem:$0x3FB7] =	sst s8  }
0x11: {  	[smem:$0x3FB8] =	sst s9;
	s0 =	simm.s32 @!p0 $0x0  }
0x12: {  	s1 =	sld [smem:$0x3F9E];
	s0 =	simm.s32 @p0 $0x1  }
0x13: {  	[smem:$0x3FB9] =	sst s0;
	s0 =	simm.s32 @!p1 $0x0  }
0x14: {  	s2 =	sld [smem:$0x3F9D];
	s0 =	simm.s32 @p1 $0x1  }
0x15: {  	[smem:$0x3FBA] =	sst s0;
	s0 =	simm.s32 @!p2 $0x0  }
0x16: {  	s3 =	sld [smem:$0x3FDB];
	s0 =	simm.s32 @p2 $0x1  }
0x17: {  	s4 =	simm.s32 $0x1BF5;
	[smem:$0x3FBC] =	sst s0  }
0x18: {  	s0 =	sld [smem:$0x3F9F];
	_ =	swait.ge [sflag:s4], $0x0  }
0x19: {  	s7 =	sld [smem:$0x3FA0]  }
0x1a: {  	s8 =	sadd.s32 $0xFFFFE003, lr  }
0x1b: {  	s9 =	sadd.s32 $0xFFFFFEF7, lr;
	s5 =	simm.s32 $0xFFFFFFFF;
	p2 =	slt.u32 s8, $0xFFFFF086  }
0x1c: {  	p1 =	slt.u32 s9, $0xF7A;
	s5 =	simm.s32 @!p2 $0x0  }
0x1d: {  	s5 =	simm.s32 @p1 $0x1;
	p0 =	seq.s32 s7, s2  }
0x1e: {  	s7 =	smul.u32 @!p0 $0xF7A, s2;
	p2 =	seq.s32 @!p0 s5, $0x0  }
0x1f: {  	s9 =	smul.u32 $0xF7A, s1;
	s8 =	simm.s32 @!p0 $0x1BF5;
	p2 =	por !p2, p0  }
0x20: {  	[sflag:s8] =	ssyncset.s32 @!p0 $0xFFFFF086;
	s6 =	sadd.s32 @!p0 s3, s7;
	s7 =	simm.s32 @!p0 $0x108  }
0x21: {  	s3 =	sadd.s32 s3, s9;
	s6 =	sadd.s32 @!p0 $0x88, s6;
	s7 =	simm.s32 @p2 $0x1082  }
0x22: {  	[simem:s7], [sflag:s8] =	dma.local @!p0 [hbm:s6], $0xF7A  }
0x23: {  	s9 =	sor.u32 $0xD0000000, s2;
	s6 =	simm.s32 $0x108;
	_ =	swait.ge @!p0 [sflag:s8], $0x0  }
0x24: {  	s3 =	sadd.s32 $0x88, s3;
	s6 =	simm.s32 @!p1 $0x1082;
	[sflag:s4] =	ssyncset.s32 $0xFFFFF086  }
0x25: {  	[simem:s6], [sflag:s4] =	dma.local [hbm:s3], $0xF7A  }
0x26: {  	[smem:$0x3FA0] =	sst s1;
	(tag) =	ssettag s2;
	_ =	strace s9  }
0x27: {  	s1 =	sld [smem:$0x3FB0]  }
0x28: {  	s2 =	sld [smem:$0x3FB1]  }
0x29: {  	s4 =	sld [smem:$0x3FB3]  }
0x2a: {  	p0 =	seq.s32 s5, $0x0;
	s5 =	sld [smem:$0x3FB4]  }
0x2b: {  	s6 =	sld [smem:$0x3FB5]  }
0x2c: {  	s7 =	sld [smem:$0x3FB6]  }
0x2d: {  	s3 =	simm.s32 $0x108;
	s8 =	sld [smem:$0x3FB7]  }
0x2e: {  	s3 =	simm.s32 @!p0 $0x1082;
	s9 =	sld [smem:$0x3FB8]  }
0x2f: {  	lr =	sadd.s32 s0, s3;
	s0 =	sld [smem:$0x3FAF]  }
0x30: {  	s3 =	sld [smem:$0x3FB2]  }
0x31: {  	[smem:$0x3FBB] =	sst s10  }
0x32: {  	s10 =	sld [smem:$0x3FB9];
	_ =	sdelay $0x3  }
0x33: {  	p0 =	seq.s32 s10, $0x1;
	s10 =	sld [smem:$0x3FBB];
	_ =	sdelay $0x3  }
0x34: {  	[smem:$0x3FBB] =	sst s10  }
0x35: {  	s10 =	sld [smem:$0x3FBA];
	_ =	sdelay $0x3  }
0x36: {  	p1 =	seq.s32 s10, $0x1;
	s10 =	sld [smem:$0x3FBB];
	_ =	sdelay $0x3  }
0x37: {  	[smem:$0x3FBB] =	sst s10  }
0x38: {  	s10 =	sld [smem:$0x3FBC]  }
0x39: {  	_ = 	snop;
	(pc) =	sbr.ind lr, $3  }
0x3a: {  	_ = 	snop  }
0x3b: {  	_ = 	snop  }
0x3c: {  	p2 =	seq.s32 s10, $0x1;
	s10 =	sld [smem:$0x3FBB]  }
0x3d: {  	_ =	shalt  }
0x3e: {  	_ =	shalt  }
0x3f: {  	_ =	shalt  }
0x40: {  	_ =	shalt  }
0x41: {  	_ =	shalt  }
0x42: {  	_ =	shalt  }
0x43: {  	_ =	shalt  }
0x44: {  	_ =	shalt  }
0x45: {  	_ =	shalt  }
0x46: {  	_ =	shalt  }
0x47: {  	_ =	shalt  }
0x48: {  	_ =	shalt  }
0x49: {  	_ =	shalt  }
0x4a: {  	_ =	shalt  }
0x4b: {  	_ =	shalt  }
0x4c: {  	_ =	shalt  }
0x4d: {  	_ =	shalt  }
0x4e: {  	_ =	shalt  }
0x4f: {  	_ =	shalt  }
0x50: {  	_ =	shalt  }
0x51: {  	_ =	shalt  }
0x52: {  	_ =	shalt  }
0x53: {  	_ =	shalt  }
0x54: {  	_ =	shalt  }
0x55: {  	_ =	shalt  }
0x56: {  	_ =	shalt  }
0x57: {  	_ =	shalt  }
0x58: {  	_ =	shalt  }
0x59: {  	_ =	shalt  }
0x5a: {  	_ =	shalt  }
0x5b: {  	_ =	shalt  }
0x5c: {  	_ =	shalt  }
0x5d: {  	_ =	shalt  }
0x5e: {  	_ =	shalt  }
0x5f: {  	_ =	shalt  }
0x60: {  	_ =	shalt  }
0x61: {  	_ =	shalt  }
0x62: {  	_ =	shalt  }
0x63: {  	_ =	shalt  }
0x64: {  	_ =	shalt  }
0x65: {  	_ =	shalt  }
0x66: {  	_ =	shalt  }
0x67: {  	_ =	shalt  }
0x68: {  	_ =	shalt  }
0x69: {  	_ =	shalt  }
0x6a: {  	_ =	shalt  }
0x6b: {  	_ =	shalt  }
0x6c: {  	_ =	shalt  }
0x6d: {  	_ =	shalt  }
0x6e: {  	_ =	shalt  }
0x6f: {  	_ =	shalt  }
0x70: {  	_ =	shalt  }
0x71: {  	_ =	shalt  }
0x72: {  	_ =	shalt  }
0x73: {  	_ =	shalt  }
0x74: {  	_ =	shalt  }
0x75: {  	_ =	shalt  }
0x76: {  	_ =	shalt  }
0x77: {  	_ =	shalt  }
0x78: {  	_ =	shalt  }
0x79: {  	_ =	shalt  }
0x7a: {  	_ =	shalt  }
0x7b: {  	_ =	shalt  }
0x7c: {  	_ =	shalt  }
0x7d: {  	_ =	shalt  }
0x7e: {  	_ =	shalt  }
0x7f: {  	_ =	shalt  }
0x80: {  	_ =	shalt  }
0x81: {  	_ =	shalt  }
0x82: {  	_ =	shalt  }
0x83: {  	_ =	shalt  }
0x84: {  	_ =	shalt  }
0x85: {  	_ =	shalt  }
0x86: {  	_ =	shalt  }
0x87: {  	_ =	shalt  }
.Lfunc_end0:
.L_simem_size_0:
called_computation_lowered:
.L_overlay_start_0:
0x88: {  	s2 =	sld [smem:$0x3FD9]  }
0x89: {  	s3 =	sld [smem:$0x3FFE];
	_ =	sdelay $0x1  }
0x8a: {  	s1 =	srdreg.scid  }
0x8b: {  	s0 =	sand.u32 $0x1, s1  }
0x8c: {  	s18 =	sshll.u32 s0, $0xA;
	s2 =	sadd.s32 s3, s2  }
0x8d: {  	s2 =	sadd.s32 s2, s18  }
0x8e: {  	[smem:$0x3FC7] =	sst s2  }
0x8f: {  	_ = 	snop  }
0x90: {  	s2 =	sld [smem:$0x3FC9]  }
0x91: {  	s19 =	sld [smem:$0x3FD0];
	(tm) =	ssettm $0x1  }
0x92: {  	s4 =	sld [smem:$0x3FFB];
	_ =	sdelay $0x3  }
0x93: {  	_ =	strace s4  }
0x94: {  	s4 =	sld [smem:$0x3FFC];
	_ =	sdelay $0x3  }
0x95: {  	_ =	strace s4  }
0x96: {  	s4 =	sld [smem:$0x3FFD];
	_ =	sdelay $0x3  }
0x97: {  	_ =	strace s4  }
0x98: {  	_ =	strace $0x8FFFFFFF  }
0x99: {  	s20 =	sld [smem:$0x3FDB];
	_ =	sdelay $0x1  }
0x9a: {  	s5 =	simm.s32 $_scs_section_size  }
0x9b: {  	s6 =	simm.s32 $_size__tile_overlayer_lowered;
	s7 =	simm.s32 $_tile_overlayer_lowered  }
0x9c: {  	s23 =	simm.s32 $0x1BFF;
	s22 =	sshll.u32 s7, $0x1;
	s4 =	sadd.s32 s5, s20  }
0x9d: {  	s8 =	simm.s32 $0x0;
	s21 =	sshll.u32 s6, $0x1;
	s6 =	sadd.s32 s22, s4  }
0x9e: {  	[timem:s8], [sflag:s23] =	dma.local [hbm:s6], s21  }
0x9f: {  	_ =	swait.ge [sflag:s23], s21  }
0xa0: {  	s5 =	ssub.s32 $0x0, s21;
	[sflag:s23] =	ssyncset.done $0x0  }
0xa1: {  	[sflag:s23] =	ssyncadd.s32 s5;
	_ =	sdelay $0x1  }
0xa2: {  	s24 =	simm.s32 $0x1B8B  }
0xa3: {  	_ =	swait.ge [sflag:s24], $0x1  }
0xa4: {  	[sflag:s24] =	ssyncset.done $0x0  }
0xa5: {  	s25 =	simm.s32 $0x1B8E;
	[sflag:s24] =	ssyncadd.s32 $0xFFFFFFFF  }
0xa6: {  	s26 =	simm.s32 $execute0_lowered;
	[smem:$0x3FD2] =	sst s25  }
0xa7: {  	s5 =	sshll.u32 s26, $0x1;
	_ =	strace $0x80000046;
	[dreg:$0x1] =	wrdreg $0xFFFFFFFF  }
0xa8: {  	s28 =	simm.s32 $_size_execute0_lowered;
	s4 =	sadd.s32 s4, s5;
	[dreg:$0x0] =	wrdreg $0x0  }
0xa9: {  	s5 =	sshll.u32 s28, $0x1;
	[dreg:$0x2] =	wrdreg s4  }
0xaa: {  	[dreg:$0x3] =	wrdreg s5  }
0xab: {  	[dreg:$0x4] =	wrdreg $0xC0  }
0xac: {  	_ =	task [dreg:s8], $0x5FFFF  }
0xad: {  	[dreg:$0x1] =	wrdreg $0xFFFFFFFF  }
0xae: {  	[dreg:$0x0] =	wrdreg $0x60  }
0xaf: {  	[dreg:$0x2] =	wrdreg s2  }
0xb0: {  	[dreg:$0x3] =	wrdreg s19  }
0xb1: {  	[dreg:$0x4] =	wrdreg $0x9  }
0xb2: {  	_ =	task.clear_ibuf [dreg:s8], $0x5FFFF;
	_ =	strace $0x90000046  }
0xb3: {  	s29 =	simm.s32 $0x9;
	_ =	strace $0x80000048  }
0xb4: {  	_ =	swait.ge [sflag:s29], $0x1  }
0xb5: {  	[sflag:s29] =	ssyncadd.s32 $0xFFFFFFFF  }
0xb6: {  	_ =	strace $0x90000048  }
0xb7: {  	_ =	sfence  }
0xb8: {  	s30 =	sld [smem:$0x0];
	_ =	sdelay $0x2  }
0xb9: {  	s31 =	sshll.u32 s1, $0xD;
	s1 =	sshrl.u32 s1, $0x2  }
0xba: {  	s3 =	sand.u32 $0x4000, s31;
	s1 =	sadd.s32 s1, s30  }
0xbb: {  	s0 =	sor.u32 s3, s0;
	s1 =	sshll.u32 s1, $0x11  }
0xbc: {  	s0 =	sor.u32 s1, s0  }
0xbd: {  	s0 =	sadd.s32 $0x8F2B, s0  }
0xbe: {  	[sflag:s0] =	ssyncadd.remote.s32 $0x1  }
0xbf: {  	_ =	sfence.sel $0xFFFF  }
0xc0: {  	[dreg:$0x0] =	wrdreg $0xFFFFFFFF;
	(pc) =	sbr.abs _section_cstart, $3  }
0xc1: {  	[dreg:$0x1] =	wrdreg $0xFFFFFFFF  }
0xc2: {  	_ =	task.clear_ibuf [dreg:s8], $0x2FFFF;
	_ =	strace $0x9FFFFFFF  }
0xc3: {  	(tm) =	ssettm $0x7FFFFFFF  }
tec
execute0_lowered:
.L_overlay_start_1:
0x0: {  	(tag) =	ssettag $0x1  }
0x1: {  	s0 =	rddreg [dreg:$0x0];
	s1 =	srdreg.scid  }
0x2: {  	s20 =	stileid.u32;
	s4 =	rddreg [dreg:$0x1];
	s2 =	simm.s32 $0x0  }
0x3: {  	s30 =	simm.s32 $0x1;
	s31 =	simm.s32 $0xC000;
	s28 =	simm.s32 $0x4  }
0x4: {  	s29 =	simm.s32 $0x5;
	s1 =	sand.u32 $0x1, s1;
	s3 =	sshll.u32 s20, $0x1  }
0x5: {  	[smem:$0x7FF] =	sst s2;
	s24 =	sadd.s32 $0x1E800, s0;
	s25 =	sadd.s32 $0x3D048, s0  }
0x6: {  	s26 =	sadd.s32 $0x1E800, s4;
	_ =	strace $0x80000047;
	[dreg:$0x5] =	wrdreg s24  }
0x7: {  	p1 =	sgt.u32 s20, $0xC;
	s18 =	sor.u32 s1, s3;
	[dreg:$0x6] =	wrdreg s25  }
0x8: {  	s1 =	ssub.s32 $0x2, s1;
	[dreg:$0x8] =	wrdreg s26;
	s24 =	simm.s32 $0x4000  }
0x9: {  	s25 =	simm.s32 $0x8000;
	s26 =	simm.s32 $0x3;
	s13 =	sshll.u32 s18, $0xA  }
0xa: {  	s5 =	sshrl.u32 s1, $0x1;
	p0 =	sne.s32 s18, $0x1F;
	s18 =	simm.s32 $0x0  }
0xb: {  	s3 =	sadd.s32 s0, s13;
	s1 =	ssub.s32 s1, s5;
	s16 =	sor.u32 $0x8000, s13  }
0xc: {  	s17 =	sor.u32 $0x10000, s13;
	s19 =	sor.u32 $0x18000, s13;
	s13 =	sadd.s32 s4, s13  }
0xd: {  	s23 =	sadd.s32 $0x1E848, s3;
	s5 =	sadd.s32 $0x3D090, s3;
	s6 =	sadd.s32 s0, s16  }
0xe: {  	s7 =	sadd.s32 $0x26848, s3;
	s8 =	sadd.s32 $0x45090, s3;
	s9 =	sadd.s32 s0, s17  }
.Ltmp0:
0xf: {  	s10 =	sadd.s32 $0x2E848, s3;
	s11 =	sadd.s32 s0, s19;
	(pc) =	sbr.rel .LBB2_1-.Ltmp0, $4  }
0x10: {  	s12 =	sadd.s32 $0x4D090, s3;
	s16 =	sadd.s32 s4, s16;
	s17 =	sadd.s32 s4, s17  }
0x11: {  	s19 =	sadd.s32 s4, s19;
	s0 =	sadd.s32 $0x5B890, s0;
	[dreg:$0x3] =	wrdreg s23  }
0x12: {  	s14 =	sadd.s32 $0x1E848, s11;
	s15 =	sadd.s32 $0x3D090, s11;
	[dreg:$0x4] =	wrdreg s19  }
0x13: {  	v0 =	vimm.s32 $0xFFFFFF81;
	[dreg:$0x7] =	wrdreg s0;
	s23 =	smax.u32 s1, $0x1;
	s1 =	simm.s32 $0x2  }
.LBB2_14:
0x14: {  	v22 =	vshra.s32 v22, $0x17;
	v27 =	vmul.f32 v7, v7;
	v28 =	vmul.f32 $1.803062260e-01, v7  }
0x15: {  	v29 =	vmul.f32 $1.248570980e-01, v18;
	v14 =	vmul.f32 v26, v14;
	v25 =	vsub.f32 $2.019973250e-01, v25  }
0x16: {  	v8 =	vmul.f32 v8, v15;
	v23 =	vshra.s32 v23, $0x17;
	v62 =	vmul.f32 $2.497013060e-01, v7  }
0x17: {  	v2 =	vmul.f32 v24, v2;
	vm1 =	vgt.f32 v21, $1.414213540e+00;
	v63 =	vmul.f32 $5.000000000e-01, v21  }
0x18: {  	v19 =	vsub.f32 $3.333148360e-01, v19;
	v34 =	vsel vm0, $0xFFFFFF82, v0;
	v1 =	vmul.f32 v4, v1  }
0x19: {  	v41 =	vadd.f32 $-5.000000000e-01, v20;
	v44 =	vshra.s32 v12, $0x17;
	v36 =	vadd.s32 v22, v34  }
0x1a: {  	v40 =	vsel vm1, $0xFFFFFF82, v0;
	v60 =	vsub.f32 $2.019973250e-01, v28;
	v14 =	vadd.f32 $-5.000000000e-01, v14  }
0x1b: {  	v61 =	vmul.f32 $1.248570980e-01, v27;
	v8 =	vadd.f32 v8, v16;
	v32 =	vsub.f32 $3.333148360e-01, v62  }
0x1c: {  	v16 =	vsel vm1, v63, v21;
	v38 =	vadd.f32 v29, v25;
	v21 =	vcvt.s32.f32 v36  }
0x1d: {  	v2 =	vadd.f32 v2, v5;
	v1 =	vadd.f32 v1, v11;
	v33 =	vand.u32 $0x7FFFFF, v8  }
0x1e: {  	v4 =	vmul.f32 v41, v6;
	v11 =	vadd.s32 v44, v13;
	v35 =	vor.u32 $0x3F800000, v33  }
0x1f: {  	v16 =	vadd.f32 $-1.000000000e+00, v16;
	v57 =	vcvt.s32.f32 v11;
	v37 =	vmul.f32 $5.000000000e-01, v35  }
0x20: {  	v15 =	vadd.f32 v61, v60;
	v10 =	vmul.f32 v14, v10;
	vm15 =	vgt.f32 v35, $1.414213540e+00  }
0x21: {  	v21 =	vmul.f32 $6.931471820e-01, v21;
	v48 =	vmul.f32 $1.803062260e-01, v16;
	v14 =	vsel vm15, v37, v35  }
0x22: {  	v49 =	vmul.f32 v16, v16;
	v54 =	vmul.f32 $2.497013060e-01, v16;
	v39 =	vadd.f32 $-1.000000000e+00, v14  }
0x23: {  	v8 =	vshra.s32 v8, $0x17;
	v60 =	vmul.f32 $6.931471820e-01, v57;
	v15 =	vmul.f32 v15, v27  }
0x24: {  	v4 =	vadd.f32 v4, v17;
	v42 =	vmul.f32 v39, v39;
	v43 =	vmul.f32 $1.803062260e-01, v39  }
0x25: {  	v9 =	vadd.f32 v10, v9;
	v51 =	vsub.f32 $2.019973250e-01, v48;
	v52 =	vmul.f32 $1.248570980e-01, v49  }
0x26: {  	v45 =	vsel vm15, $0xFFFFFF82, v0;
	v46 =	vsub.f32 $2.019973250e-01, v43;
	v47 =	vmul.f32 $1.248570980e-01, v42  }
0x27: {  	v10 =	vmul.f32 v38, v18;
	v6 =	vadd.s32 v8, v45;
	v8 =	vadd.f32 v52, v51  }
0x28: {  	v55 =	vadd.f32 v21, v3;
	v50 =	vmul.f32 $2.497013060e-01, v39;
	v12 =	vadd.f32 v47, v46  }
0x29: {  	v56 =	vsub.f32 $3.333148360e-01, v54;
	v10 =	vadd.f32 v10, v19;
	v8 =	vmul.f32 v8, v49  }
0x2a: {  	v15 =	vadd.f32 v15, v32;
	v53 =	vsub.f32 $3.333148360e-01, v50;
	v12 =	vmul.f32 v12, v42  }
0x2b: {  	[tilespmem:s20+$0xFFFFFFF0] =	vst v1;
	v1 =	vadd.f32 v60, v7;
	v3 =	vmul.f32 v10, v3;
	v8 =	vadd.f32 v8, v56  }
0x2c: {  	v14 =	vadd.s32 v23, v40;
	v15 =	vmul.f32 v15, v7;
	v12 =	vadd.f32 v12, v53  }
0x2d: {  	v59 =	vcvt.s32.f32 v14;
	v3 =	vadd.f32 $-5.000000000e-01, v3;
	v8 =	vmul.f32 v8, v16  }
0x2e: {  	v6 =	vcvt.s32.f32 v6;
	v15 =	vadd.f32 $-5.000000000e-01, v15;
	v12 =	vmul.f32 v12, v39  }
0x2f: {  	[tilespmem:s20+$0x0] =	vst v2;
	v2 =	vmul.f32 $6.931471820e-01, v59;
	v3 =	vmul.f32 v3, v18;
	v8 =	vadd.f32 $-5.000000000e-01, v8  }
0x30: {  	v6 =	vmul.f32 $6.931471820e-01, v6;
	v62 =	vmul.f32 v15, v27;
	v58 =	vadd.f32 $-5.000000000e-01, v12  }
0x31: {  	[tilespmem:s20+$0x10] =	vst v4;
	v2 =	vadd.f32 v2, v16;
	v3 =	vadd.f32 v3, v55;
	v63 =	vmul.f32 v8, v49  }
0x32: {  	s0 =	sadd.s32 $0x40, s19;
	[tilespmem:s20+$0xFFFFFFE0] =	vst v9;
	v5 =	vadd.f32 v6, v39;
	v1 =	vadd.f32 v62, v1;
	v61 =	vmul.f32 v58, v42  }
0x33: {  	[tilespmem:s0+$0x0] =	vst v3;
	v2 =	vadd.f32 v63, v2  }
0x34: {  	[tilespmem:s0+$0xFFFFFFF0] =	vst v1;
	v5 =	vadd.f32 v61, v5  }
0x35: {  	[tilespmem:s0+$0x10] =	vst v2  }
0x36: {  	[tilespmem:s0+$0xFFFFFFE0] =	vst v5  }
0x37: {  	s0 =	rddreg [dreg:$0x8]  }
0x38: {  	[hbm4b:s0+s2] =	stream.linear.scatter [tilespmem:s31], [sflag:$0x5], $0x240, $0x38;
	[tilespmem:$0x10000] =	vst v63  }
0x39: {  	_ =	swait.ge [sflag:s29], $0x240  }
0x3a: {  	[sflag:s29] =	ssyncset.done $0x0  }
0x3b: {  	[sflag:s29] =	ssyncadd.s32 $0xFFFFFDC0  }
.LBB2_15:
0x3c: {  	s18 =	sadd.s32 $0x1, s18  }
0x3d: {  	p2 =	sne.s32 s18, s23  }
.Ltmp1:
0x3e: {  	_ = 	snop;
	(pc) =	sbr.rel @!p2 .LBB2_16-.Ltmp1, $1  }
0x3f: {  	_ =	sdelay $0x3  }
.LBB2_1:
0x40: {  	[tilespmem:s2], [sflag:$0x1] =	stream.linear.gather [hbm4b:s3+s2], $0x2000, $0x38;
	[tilespmem:$0x10000] =	vst v63  }
0x41: {  	s0 =	rddreg [dreg:$0x3]  }
0x42: {  	[tilespmem:s24], [sflag:$0x1] =	stream.linear.gather [hbm4b:s0+s2], $0x2000, $0x38;
	[tilespmem:$0x10000] =	vst v63  }
0x43: {  	_ = 	snop  }
0x44: {  	[tilespmem:s25], [sflag:$0x1] =	stream.linear.gather [hbm4b:s5+s2], $0x2000, $0x38;
	[tilespmem:$0x10000] =	vst v63  }
0x45: {  	s19 =	simm.s32 $0x2000  }
0x46: {  	[tilespmem:s19], [sflag:$0x2] =	stream.linear.gather [hbm4b:s6+s2], $0x2000, $0x38;
	[tilespmem:$0x10000] =	vst v63  }
0x47: {  	s20 =	simm.s32 $0x6000  }
0x48: {  	[tilespmem:s20], [sflag:$0x2] =	stream.linear.gather [hbm4b:s7+s2], $0x2000, $0x38;
	[tilespmem:$0x10000] =	vst v63  }
0x49: {  	s21 =	simm.s32 $0xA000  }
0x4a: {  	[tilespmem:s21], [sflag:$0x2] =	stream.linear.gather [hbm4b:s8+s2], $0x2000, $0x38;
	[tilespmem:$0x10000] =	vst v63  }
0x4b: {  	_ =	swait.ge [sflag:s30], $0x2000  }
0x4c: {  	[sflag:s30] =	ssyncset.done $0x0  }
0x4d: {  	[sflag:s30] =	ssyncadd.s32 $0xFFFFE000  }
0x4e: {  	_ =	swait.ge [sflag:s30], $0x2000  }
0x4f: {  	[sflag:s30] =	ssyncset.done $0x0  }
0x50: {  	[sflag:s30] =	ssyncadd.s32 $0xFFFFE000  }
0x51: {  	_ =	swait.ge [sflag:s30], $0x2000  }
0x52: {  	[sflag:s30] =	ssyncset.done $0x0  }
0x53: {  	s22 =	simm.s32 $0x20;
	[sflag:s30] =	ssyncadd.s32 $0xFFFFE000  }
0x54: {  	s4 =	simm.s32 $0x8020;
	v1 =	vld [tilespmem:s22+$0xFFFFFFE0]  }
0x55: {  	s19 =	simm.s32 $0x4020;
	v2 =	vld [tilespmem:s4+$0xFFFFFFE0]  }
0x56: {  	v3 =	vld [tilespmem:s19+$0xFFFFFFE0]  }
0x57: {  	v4 =	vld [tilespmem:s4+$0xFFFFFFF0]  }
0x58: {  	v5 =	vld [tilespmem:s19+$0x10]  }
0x59: {  	v8 =	vld [tilespmem:s22+$0x0];
	v1 =	vmul.f32 $1.442695020e+00, v1  }
0x5a: {  	v6 =	vld [tilespmem:s4+$0x10];
	v2 =	vmul.f32 $1.442695020e+00, v2  }
0x5b: {  	v7 =	vld [tilespmem:s22+$0xFFFFFFF0];
	(erf) = vpow2.f32 v1;
	v1 =	vmul.f32 $1.442695020e+00, v3  }
0x5c: {  	(erf) = vpow2.f32 v2  }
0x5d: {  	v3 =	vmul.f32 $1.442695020e+00, v4;
	(erf) = vpow2.f32 v1;
	v1 =	vld [tilespmem:s19+$0x0]  }
0x5e: {  	v2 =	vmul.f32 $1.442695020e+00, v5;
	v5 =	vmul.f32 $1.442695020e+00, v8  }
0x5f: {  	v4 =	vld [tilespmem:s4+$0x0];
	(erf) = vpow2.f32 v3;
	v3 =	vmul.f32 $1.442695020e+00, v6  }
0x60: {  	(erf) = vpow2.f32 v2;
	v2 =	vmul.f32 $1.442695020e+00, v7  }
0x61: {  	(erf) = vpow2.f32 v3  }
0x62: {  	(erf) = vpow2.f32 v2;
	v2 =	vld [tilespmem:s19+$0xFFFFFFF0];
	v1 =	vmul.f32 $1.442695020e+00, v1  }
0x63: {  	v3 =	vld [tilespmem:s22+$0x10]  }
0x64: {  	v4 =	vmul.f32 $1.442695020e+00, v4;
	(erf) = vpow2.f32 v5;
	v5 =	vpop (erf)  }
0x65: {  	v6 =	vpop (erf);
	(erf) = vpow2.f32 v1  }
0x66: {  	v1 =	vpop (erf);
	(erf) = vpow2.f32 v4  }
0x67: {  	v2 =	vmul.f32 $1.442695020e+00, v2  }
0x68: {  	v3 =	vmul.f32 $1.442695020e+00, v3  }
0x69: {  	v4 =	vpop (erf)  }
0x6a: {  	(erf) = vpow2.f32 v3;
	v7 =	vpop (erf)  }
0x6b: {  	(erf) = vpow2.f32 v2;
	v2 =	vpop (erf)  }
0x6c: {  	v3 =	vpop (erf)  }
0x6d: {  	v8 =	vpop (erf)  }
0x6e: {  	v9 =	vadd.f32 v8, v8;
	v11 =	vpop (erf)  }
0x6f: {  	v10 =	vadd.f32 v3, v3;
	v12 =	vpop (erf)  }
0x70: {  	s21 =	simm.s32 $0x4060;
	v9 =	vadd.f32 v9, v8;
	v13 =	vmul.f32 v12, v11;
	v11 =	vadd.f32 v12, v11  }
0x71: {  	v22 =	vld [tilespmem:s21+$0x0]  }
0x72: {  	v10 =	vadd.f32 v10, v3;
	v9 =	vsub.f32 $1.000000000e+00, v9  }
0x73: {  	v12 =	vadd.f32 v5, v5;
	v14 =	vpop (erf)  }
0x74: {  	v10 =	vsub.f32 $1.000000000e+00, v10;
	v8 =	vmul.f32 v11, v8;
	v9 =	vmul.f32 v9, v13;
	v11 =	vpop (erf)  }
0x75: {  	v13 =	vadd.f32 v14, v14;
	v15 =	vmul.f32 v4, v11;
	v4 =	vadd.f32 v4, v11  }
0x76: {  	v22 =	vmul.f32 $1.442695020e+00, v22;
	v11 =	vadd.f32 v12, v5;
	v8 =	vadd.f32 v9, v8  }
0x77: {  	v9 =	vadd.f32 v13, v14;
	v3 =	vmul.f32 v4, v3;
	v4 =	vmul.f32 v10, v15  }
0x78: {  	v12 =	vadd.f32 v6, v1;
	v10 =	vmul.f32 v2, v7;
	v2 =	vadd.f32 v2, v7  }
0x79: {  	v7 =	vand.u32 $0x7FFFFF, v8;
	v9 =	vsub.f32 $1.000000000e+00, v9;
	v3 =	vadd.f32 v4, v3  }
0x7a: {  	v11 =	vsub.f32 $1.000000000e+00, v11;
	v4 =	vor.u32 $0x3F800000, v7;
	v2 =	vmul.f32 v2, v14  }
0x7b: {  	v9 =	vmul.f32 v9, v10;
	v7 =	vmul.f32 $5.000000000e-01, v4;
	v10 =	vand.u32 $0x7FFFFF, v3  }
0x7c: {  	v5 =	vmul.f32 v12, v5;
	vm0 =	vgt.f32 v4, $1.414213540e+00;
	v10 =	vor.u32 $0x3F800000, v10  }
0x7d: {  	s20 =	simm.s32 $0x60;
	v9 =	vadd.f32 v9, v2;
	v4 =	vsel vm0, v7, v4;
	v2 =	vmul.f32 $5.000000000e-01, v10  }
0x7e: {  	v7 =	vadd.f32 $-1.000000000e+00, v4;
	v4 =	vmul.f32 v6, v1;
	vm1 =	vgt.f32 v10, $1.414213540e+00;
	v6 =	vld [tilespmem:s20+$0xFFFFFFE0]  }
0x7f: {  	v3 =	vshra.s32 v3, $0x17;
	v15 =	vsel vm1, $0xFFFFFF82, v0;
	v1 =	vsel vm1, v2, v10  }
0x80: {  	v2 =	vmul.f32 v7, v7;
	v12 =	vmul.f32 $2.497013060e-01, v7;
	v13 =	vadd.f32 $-1.000000000e+00, v1  }
0x81: {  	s22 =	simm.s32 $0x8060;
	v14 =	vmul.f32 $1.803062260e-01, v7;
	v4 =	vmul.f32 v11, v4;
	v3 =	vadd.s32 v3, v15  }
0x82: {  	v10 =	vand.u32 $0x7FFFFF, v9;
	v11 =	vld [tilespmem:s22+$0xFFFFFFE0];
	v3 =	vcvt.s32.f32 v3;
	v1 =	vmul.f32 v13, v13  }
0x83: {  	v10 =	vor.u32 $0x3F800000, v10;
	v17 =	vmul.f32 $1.803062260e-01, v13;
	v6 =	vmul.f32 $1.442695020e+00, v6  }
0x84: {  	v18 =	vld [tilespmem:s21+$0xFFFFFFE0];
	v8 =	vshra.s32 v8, $0x17;
	v16 =	vmul.f32 $1.248570980e-01, v2;
	v21 =	vmul.f32 $5.000000000e-01, v10  }
0x85: {  	v17 =	vsub.f32 $2.019973250e-01, v17;
	v19 =	vmul.f32 $1.248570980e-01, v1;
	(erf) = vpow2.f32 v6;
	v6 =	vld [tilespmem:s22+$0xFFFFFFF0]  }
0x86: {  	vm1 =	vgt.f32 v10, $1.414213540e+00;
	v4 =	vadd.f32 v4, v5;
	v20 =	vmul.f32 $2.497013060e-01, v13  }
0x87: {  	v10 =	vsel vm1, v21, v10;
	v11 =	vmul.f32 $1.442695020e+00, v11;
	v5 =	vadd.f32 v19, v17;
	v17 =	vld [tilespmem:s21+$0x10]  }
0x88: {  	v21 =	vld [tilespmem:s22+$0x10];
	v19 =	vsub.f32 $3.333148360e-01, v20;
	v20 =	vsub.f32 $3.333148360e-01, v12;
	v12 =	vsel vm0, $0xFFFFFF82, v0  }
0x89: {  	v23 =	vld [tilespmem:s20+$0xFFFFFFF0];
	(erf) = vpow2.f32 v11;
	v8 =	vadd.s32 v8, v12;
	v12 =	vmul.f32 $1.442695020e+00, v18  }
0x8a: {  	v24 =	vld [tilespmem:s20+$0x0];
	v5 =	vmul.f32 v5, v1;
	v6 =	vmul.f32 $1.442695020e+00, v6  }
0x8b: {  	v9 =	vshra.s32 v9, $0x17;
	v25 =	vcvt.s32.f32 v8;
	(erf) = vpow2.f32 v12  }
0x8c: {  	v14 =	vsub.f32 $2.019973250e-01, v14;
	v8 =	vmul.f32 $1.442695020e+00, v17;
	(erf) = vpow2.f32 v6;
	v6 =	vld [tilespmem:s22+$0x0]  }
0x8d: {  	v5 =	vadd.f32 v5, v19;
	v19 =	vadd.f32 $-1.000000000e+00, v10;
	v10 =	vmul.f32 $1.442695020e+00, v21  }
0x8e: {  	v18 =	vand.u32 $0x7FFFFF, v4;
	(erf) = vpow2.f32 v8;
	v8 =	vmul.f32 $1.442695020e+00, v23  }
0x8f: {  	v17 =	vadd.f32 v16, v14;
	v16 =	vmul.f32 $1.442695020e+00, v24;
	(erf) = vpow2.f32 v10;
	v10 =	vld [tilespmem:s21+$0xFFFFFFF0]  }
0x90: {  	v3 =	vmul.f32 $6.931471820e-01, v3;
	v18 =	vor.u32 $0x3F800000, v18;
	v14 =	vld [tilespmem:s20+$0x10];
	(erf) = vpow2.f32 v8  }
0x91: {  	vm0 =	vgt.f32 v18, $1.414213540e+00;
	(erf) = vpow2.f32 v16;
	v6 =	vmul.f32 $1.442695020e+00, v6  }
0x92: {  	v12 =	vpop (erf);
	v16 =	vsel vm0, $0xFFFFFF82, v0;
	(erf) = vpow2.f32 v22;
	v22 =	vmul.f32 $6.931471820e-01, v25  }
0x93: {  	v11 =	vsel vm1, $0xFFFFFF82, v0;
	v23 =	vpop (erf);
	(erf) = vpow2.f32 v6;
	v6 =	vmul.f32 v5, v13  }
0x94: {  	v4 =	vshra.s32 v4, $0x17;
	v21 =	vadd.f32 v12, v12;
	v10 =	vmul.f32 $1.442695020e+00, v10  }
0x95: {  	v29 =	vmul.f32 $1.803062260e-01, v19;
	v14 =	vmul.f32 $1.442695020e+00, v14;
	v4 =	vadd.s32 v4, v16;
	v16 =	vpop (erf)  }
0x96: {  	v8 =	vadd.f32 v21, v12;
	v21 =	vmul.f32 $5.000000000e-01, v18;
	v5 =	vadd.f32 v22, v7;
	v22 =	vpop (erf)  }
0x97: {  	v24 =	vcvt.s32.f32 v4;
	(erf) = vpow2.f32 v14;
	v4 =	vadd.f32 $-5.000000000e-01, v6;
	v6 =	vpop (erf)  }
0x98: {  	v29 =	vsub.f32 $2.019973250e-01, v29;
	v25 =	vadd.s32 v9, v11;
	(erf) = vpow2.f32 v10;
	v10 =	vpop (erf)  }
0x99: {  	v8 =	vsub.f32 $1.000000000e+00, v8;
	v9 =	vsel vm0, v21, v18;
	v18 =	vmul.f32 $2.497013060e-01, v19;
	v27 =	vpop (erf)  }
0x9a: {  	v21 =	vmul.f32 v10, v6;
	v26 =	vadd.f32 v10, v6;
	v6 =	vadd.f32 v27, v27  }
0x9b: {  	v25 =	vcvt.s32.f32 v25;
	v14 =	vadd.f32 $-1.000000000e+00, v9;
	v9 =	vmul.f32 $6.931471820e-01, v24;
	v11 =	vpop (erf)  }
0x9c: {  	v15 =	vmul.f32 v23, v16;
	v16 =	vadd.f32 v23, v16;
	v24 =	vadd.f32 v11, v11  }
0x9d: {  	v18 =	vsub.f32 $3.333148360e-01, v18;
	v28 =	vmul.f32 $1.803062260e-01, v14;
	v9 =	vadd.f32 v9, v14;
	v23 =	vpop (erf)  }
0x9e: {  	v61 =	vmul.f32 $2.497013060e-01, v14;
	v30 =	vadd.f32 v6, v27;
	v24 =	vadd.f32 v24, v11;
	v6 =	vpop (erf)  }
0x9f: {  	v31 =	vmul.f32 v6, v23;
	v23 =	vadd.f32 v6, v23;
	v6 =	vmul.f32 v19, v19  }
0xa0: {  	v16 =	vmul.f32 v16, v12;
	v10 =	vmul.f32 v14, v14;
	v24 =	vsub.f32 $1.000000000e+00, v24;
	v59 =	vpop (erf)  }
0xa1: {  	v12 =	vsub.f32 $1.000000000e+00, v30;
	v60 =	vadd.f32 v59, v59;
	v32 =	vmul.f32 $1.248570980e-01, v6  }
0xa2: {  	v33 =	vpop (erf);
	v23 =	vmul.f32 v23, v11;
	v24 =	vmul.f32 v24, v31;
	v11 =	vadd.f32 v3, v13  }
0xa3: {  	v3 =	vmul.f32 v22, v33;
	v13 =	vadd.f32 v22, v33;
	v29 =	vadd.f32 v32, v29  }
0xa4: {  	v22 =	vadd.f32 v24, v23;
	v23 =	vmul.f32 v26, v59;
	v24 =	vadd.f32 v60, v59  }
0xa5: {  	v13 =	vmul.f32 v13, v27;
	v3 =	vmul.f32 v12, v3;
	v26 =	vsub.f32 $2.019973250e-01, v28  }
0xa6: {  	v27 =	vmul.f32 $1.248570980e-01, v10;
	v24 =	vsub.f32 $1.000000000e+00, v24;
	v29 =	vmul.f32 v29, v6  }
0xa7: {  	v12 =	vadd.f32 v3, v13;
	v3 =	vand.u32 $0x7FFFFF, v22;
	v13 =	vmul.f32 v17, v2  }
0xa8: {  	v3 =	vor.u32 $0x3F800000, v3;
	v17 =	vmul.f32 v24, v21;
	v18 =	vadd.f32 v29, v18  }
0xa9: {  	v24 =	vmul.f32 $6.931471820e-01, v25;
	v21 =	vand.u32 $0x7FFFFF, v12;
	v13 =	vadd.f32 v13, v20  }
0xaa: {  	v20 =	vmul.f32 $5.000000000e-01, v3;
	v25 =	vadd.f32 v27, v26;
	v21 =	vor.u32 $0x3F800000, v21  }
0xab: {  	vm0 =	vgt.f32 v3, $1.414213540e+00;
	v27 =	vsub.f32 $3.333148360e-01, v61;
	vm1 =	vgt.f32 v21, $1.414213540e+00  }
0xac: {  	v23 =	vadd.f32 v17, v23;
	v17 =	vmul.f32 $5.000000000e-01, v21;
	v3 =	vsel vm0, v20, v3  }
0xad: {  	v26 =	vmul.f32 v25, v10;
	v20 =	vmul.f32 v18, v19;
	v3 =	vadd.f32 $-1.000000000e+00, v3  }
0xae: {  	v63 =	vmul.f32 v13, v7;
	v13 =	vsel vm1, $0xFFFFFF82, v0;
	v62 =	vsel vm1, v17, v21  }
0xaf: {  	v17 =	vand.u32 $0x7FFFFF, v23;
	v26 =	vadd.f32 v26, v27;
	v18 =	vmul.f32 v3, v3  }
0xb0: {  	s0 =	simm.s32 $0x40A0;
	s4 =	simm.s32 $0xA0;
	s19 =	simm.s32 $0xC020;
	v21 =	vor.u32 $0x3F800000, v17;
	v17 =	vadd.f32 v24, v19;
	v19 =	vmul.f32 $2.497013060e-01, v3  }
0xb1: {  	s22 =	simm.s32 $0x80A0;
	s20 =	simm.s32 $0xC020;
	s21 =	simm.s32 $0x4;
	v25 =	vmul.f32 $1.803062260e-01, v3;
	v7 =	vadd.f32 $-1.000000000e+00, v62;
	v24 =	vadd.f32 $-5.000000000e-01, v63  }
.LBB2_2:
0xb2: {  	v27 =	vld [tilespmem:s4+$0xFFFFFFE0];
	s21 =	sadd.s32 $0x4, s21;
	v22 =	vshra.s32 v22, $0x17;
	v28 =	vmul.f32 $1.248570980e-01, v18;
	v14 =	vmul.f32 v26, v14;
	s19 =	sadd.s32 $0x40, s19  }
0xb3: {  	v25 =	vsub.f32 $2.019973250e-01, v25;
	v26 =	vld [tilespmem:s22+$0xFFFFFFF0];
	v29 =	vmul.f32 v7, v7;
	v30 =	vmul.f32 $1.803062260e-01, v7  }
0xb4: {  	v8 =	vmul.f32 v8, v15;
	v15 =	vshra.s32 v23, $0x17;
	p2 =	slt.u32 s21, $0x1FC;
	v31 =	vld [tilespmem:s0+$0xFFFFFFE0];
	v14 =	vadd.f32 $-5.000000000e-01, v14  }
0xb5: {  	v24 =	vmul.f32 v24, v2;
	v2 =	vmovc v18;
	v23 =	vld [tilespmem:s22+$0xFFFFFFE0];
	v30 =	vsub.f32 $2.019973250e-01, v30;
	v32 =	vmul.f32 $1.248570980e-01, v29  }
0xb6: {  	vm1 =	vgt.f32 v21, $1.414213540e+00;
	v34 =	vmul.f32 $5.000000000e-01, v21;
	v18 =	vmul.f32 $2.497013060e-01, v7;
	v33 =	vld [tilespmem:s0+$0x10]  }
0xb7: {  	v8 =	vadd.f32 v8, v16;
	v27 =	vmul.f32 $1.442695020e+00, v27;
	v35 =	vld [tilespmem:s0+$0x0];
	v16 =	vadd.f32 v32, v30  }
0xb8: {  	v32 =	vsub.f32 $3.333148360e-01, v18;
	v18 =	vsub.f32 $3.333148360e-01, v19;
	v19 =	vsel vm1, v34, v21;
	v30 =	vld [tilespmem:s4+$0x0]  }
0xb9: {  	v21 =	vsel vm0, $0xFFFFFF82, v0;
	v34 =	vld [tilespmem:s4+$0xFFFFFFF0];
	(erf) = vpow2.f32 v27;
	v16 =	vmul.f32 v16, v29  }
0xba: {  	v10 =	vmul.f32 v14, v10;
	v21 =	vadd.s32 v22, v21;
	v23 =	vmul.f32 $1.442695020e+00, v23;
	v27 =	vld [tilespmem:s4+$0x10]  }
0xbb: {  	v14 =	vmul.f32 $1.442695020e+00, v31;
	v31 =	vand.u32 $0x7FFFFF, v8;
	v36 =	vcvt.s32.f32 v21;
	v22 =	vld [tilespmem:s22+$0x10]  }
0xbc: {  	v31 =	vor.u32 $0x3F800000, v31;
	v16 =	vadd.f32 v16, v32;
	v37 =	vld [tilespmem:s0+$0xFFFFFFF0];
	v35 =	vmul.f32 $1.442695020e+00, v35  }
0xbd: {  	v26 =	vmul.f32 $1.442695020e+00, v26;
	v9 =	vadd.f32 v10, v9;
	(erf) = vpow2.f32 v23  }
0xbe: {  	v21 =	vadd.f32 v28, v25;
	v10 =	vmul.f32 $1.442695020e+00, v33;
	(erf) = vpow2.f32 v14  }
0xbf: {  	v5 =	vadd.f32 v24, v5;
	v19 =	vadd.f32 $-1.000000000e+00, v19;
	(erf) = vpow2.f32 v26;
	[tilespmem:s20+$0xFFFFFFE0] =	vst v9  }
0xc0: {  	v4 =	vmul.f32 v4, v1;
	v1 =	vmovc v29;
	v9 =	vsel vm1, $0xFFFFFF82, v0;
	(erf) = vpow2.f32 v10  }
0xc1: {  	v10 =	vmul.f32 $1.442695020e+00, v34;
	v22 =	vmul.f32 $1.442695020e+00, v22;
	v14 =	vld [tilespmem:s22+$0x0];
	[tilespmem:s20+$0x0] =	vst v5;
	v5 =	vadd.f32 $-5.000000000e-01, v20  }
0xc2: {  	v4 =	vadd.f32 v4, v11;
	v24 =	vshra.s32 v8, $0x17;
	v20 =	vmul.f32 $1.442695020e+00, v30;
	v23 =	vpop (erf)  }
0xc3: {  	v11 =	vshra.s32 v12, $0x17;
	v8 =	vadd.f32 v23, v23;
	(erf) = vpow2.f32 v22  }
0xc4: {  	vm0 =	vgt.f32 v31, $1.414213540e+00;
	(erf) = vpow2.f32 v10;
	[tilespmem:s20+$0xFFFFFFF0] =	vst v4;
	v4 =	vmul.f32 v5, v6  }
0xc5: {  	v6 =	vsel vm0, $0xFFFFFF82, v0;
	v5 =	vadd.f32 v8, v23;
	(erf) = vpow2.f32 v20  }
0xc6: {  	v10 =	vmul.f32 $1.442695020e+00, v14;
	v12 =	vpop (erf);
	v14 =	vmul.f32 $5.000000000e-01, v31;
	v4 =	vadd.f32 v4, v17  }
0xc7: {  	v8 =	vsub.f32 $1.000000000e+00, v5;
	v17 =	vpop (erf);
	(erf) = vpow2.f32 v35;
	v5 =	vmul.f32 $6.931471820e-01, v36  }
0xc8: {  	v6 =	vadd.s32 v24, v6;
	v20 =	vpop (erf);
	(erf) = vpow2.f32 v10;
	v10 =	vmul.f32 v16, v7;
	[tilespmem:s20+$0x10] =	vst v4;
	s20 =	smov.u32 s19  }
0xc9: {  	v22 =	vmul.f32 $1.442695020e+00, v27;
	v16 =	vmul.f32 $1.442695020e+00, v37;
	v24 =	vpop (erf);
	v5 =	vadd.f32 v5, v3  }
0xca: {  	v25 =	vadd.s32 v15, v9;
	v6 =	vcvt.s32.f32 v6;
	v4 =	vadd.f32 $-5.000000000e-01, v10  }
0xcb: {  	v26 =	vmul.f32 $2.497013060e-01, v19;
	v9 =	vsel vm0, v14, v31;
	(erf) = vpow2.f32 v22  }
0xcc: {  	v14 =	vadd.f32 $-1.000000000e+00, v9;
	v9 =	vadd.s32 v11, v13;
	(erf) = vpow2.f32 v16;
	v10 =	vpop (erf)  }
0xcd: {  	v11 =	vcvt.s32.f32 v9;
	v13 =	vmul.f32 v10, v24;
	v24 =	vadd.f32 v10, v24;
	v27 =	vpop (erf)  }
0xce: {  	v32 =	vmul.f32 $6.931471820e-01, v6;
	v10 =	vmul.f32 v14, v14;
	v16 =	vadd.f32 v27, v27;
	v22 =	vpop (erf)  }
0xcf: {  	v30 =	vmul.f32 $1.803062260e-01, v19;
	v29 =	vmul.f32 $1.803062260e-01, v14;
	v28 =	vadd.f32 v22, v22  }
0xd0: {  	v15 =	vmul.f32 v12, v17;
	v12 =	vadd.f32 v12, v17;
	v9 =	vadd.f32 v32, v14;
	v17 =	vpop (erf)  }
0xd1: {  	v11 =	vmul.f32 $6.931471820e-01, v11;
	v31 =	vadd.f32 v16, v27;
	v33 =	vadd.f32 v28, v22;
	v6 =	vpop (erf)  }
0xd2: {  	v34 =	vmul.f32 v6, v17;
	v17 =	vadd.f32 v6, v17;
	v6 =	vmul.f32 v19, v19  }
0xd3: {  	v16 =	vmul.f32 v12, v23;
	v12 =	vsub.f32 $1.000000000e+00, v31;
	v23 =	vsub.f32 $1.000000000e+00, v33  }
0xd4: {  	v17 =	vmul.f32 v17, v22;
	v28 =	vpop (erf);
	v22 =	vsub.f32 $2.019973250e-01, v30;
	v30 =	vmul.f32 $1.248570980e-01, v6  }
0xd5: {  	v11 =	vadd.f32 v11, v7;
	v23 =	vmul.f32 v23, v34;
	v31 =	vadd.f32 v28, v28;
	v32 =	vpop (erf)  }
0xd6: {  	v7 =	vmul.f32 v20, v32;
	v20 =	vadd.f32 v20, v32;
	v30 =	vadd.f32 v30, v22  }
0xd7: {  	v22 =	vadd.f32 v23, v17;
	v17 =	vmul.f32 v24, v28;
	v23 =	vadd.f32 v31, v28  }
0xd8: {  	v24 =	vsub.f32 $3.333148360e-01, v26;
	v20 =	vmul.f32 v20, v27;
	v7 =	vmul.f32 v12, v7  }
0xd9: {  	v25 =	vcvt.s32.f32 v25;
	v26 =	vsub.f32 $2.019973250e-01, v29;
	v27 =	vmul.f32 $1.248570980e-01, v10  }
0xda: {  	v28 =	vmul.f32 $2.497013060e-01, v14;
	v29 =	vmul.f32 v30, v6;
	v23 =	vsub.f32 $1.000000000e+00, v23  }
0xdb: {  	v12 =	vadd.f32 v7, v20;
	v7 =	vand.u32 $0x7FFFFF, v22;
	v20 =	vmul.f32 v21, v2  }
0xdc: {  	v21 =	vadd.f32 v29, v24;
	v24 =	vmul.f32 $6.931471820e-01, v25;
	v13 =	vmul.f32 v23, v13  }
0xdd: {  	v7 =	vor.u32 $0x3F800000, v7;
	v23 =	vand.u32 $0x7FFFFF, v12;
	v18 =	vadd.f32 v20, v18  }
0xde: {  	v26 =	vadd.f32 v27, v26;
	v20 =	vmul.f32 $5.000000000e-01, v7;
	v25 =	vor.u32 $0x3F800000, v23  }
0xdf: {  	vm0 =	vgt.f32 v7, $1.414213540e+00;
	v23 =	vadd.f32 v13, v17;
	vm1 =	vgt.f32 v25, $1.414213540e+00  }
0xe0: {  	v26 =	vmul.f32 v26, v10;
	v13 =	vmul.f32 $5.000000000e-01, v25;
	v7 =	vsel vm0, v20, v7  }
.Ltmp2:
0xe1: {  	v27 =	vsub.f32 $3.333148360e-01, v28;
	v20 =	vmul.f32 v21, v19;
	v7 =	vadd.f32 $-1.000000000e+00, v7;
	(pc) =	sbr.rel @p2 .LBB2_2-.Ltmp2, $4  }
0xe2: {  	v29 =	vmul.f32 v18, v3;
	v28 =	vsel vm1, v13, v25;
	v13 =	vand.u32 $0x7FFFFF, v23  }
0xe3: {  	v17 =	vadd.f32 v24, v19;
	v18 =	vmul.f32 v7, v7;
	v21 =	vor.u32 $0x3F800000, v13;
	v3 =	vmovc v7  }
0xe4: {  	v26 =	vadd.f32 v26, v27;
	v19 =	vmul.f32 $2.497013060e-01, v3;
	v25 =	vmul.f32 $1.803062260e-01, v3  }
0xe5: {  	s4 =	sadd.s32 $0x40, s4;
	s0 =	sadd.s32 $0x40, s0;
	s22 =	sadd.s32 $0x40, s22;
	v24 =	vadd.f32 $-5.000000000e-01, v29;
	v13 =	vsel vm1, $0xFFFFFF82, v0;
	v7 =	vadd.f32 $-1.000000000e+00, v28  }
0xe6: {  	v22 =	vshra.s32 v22, $0x17;
	v29 =	vmul.f32 $1.248570980e-01, v18  }
0xe7: {  	v14 =	vmul.f32 v26, v14;
	v25 =	vsub.f32 $2.019973250e-01, v25;
	v8 =	vmul.f32 v8, v15  }
0xe8: {  	v23 =	vshra.s32 v23, $0x17;
	vm1 =	vgt.f32 v21, $1.414213540e+00;
	v19 =	vsub.f32 $3.333148360e-01, v19  }
0xe9: {  	v56 =	vsel vm0, $0xFFFFFF82, v0;
	v1 =	vmul.f32 v4, v1;
	v27 =	vmul.f32 v7, v7  }
0xea: {  	v4 =	vadd.f32 $-5.000000000e-01, v20;
	v28 =	vmul.f32 $1.803062260e-01, v7;
	v55 =	vmul.f32 $2.497013060e-01, v7  }
0xeb: {  	v2 =	vmul.f32 v24, v2;
	v14 =	vadd.f32 $-5.000000000e-01, v14;
	v8 =	vadd.f32 v8, v16  }
0xec: {  	v16 =	vmul.f32 $5.000000000e-01, v21;
	v15 =	vsub.f32 $2.019973250e-01, v28;
	v26 =	vmul.f32 $1.248570980e-01, v27  }
0xed: {  	v1 =	vadd.f32 v1, v11;
	v11 =	vshra.s32 v12, $0x17;
	v4 =	vmul.f32 v4, v6  }
0xee: {  	v24 =	vsub.f32 $3.333148360e-01, v55;
	v15 =	vadd.f32 v26, v15;
	v26 =	vand.u32 $0x7FFFFF, v8  }
0xef: {  	v2 =	vadd.f32 v2, v5;
	v10 =	vmul.f32 v14, v10;
	v14 =	vor.u32 $0x3F800000, v26  }
0xf0: {  	v16 =	vsel vm1, v16, v21;
	v21 =	vadd.s32 v22, v56;
	v22 =	vmul.f32 $5.000000000e-01, v14  }
0xf1: {  	v11 =	vadd.s32 v11, v13;
	v4 =	vadd.f32 v4, v17;
	vm0 =	vgt.f32 v14, $1.414213540e+00  }
0xf2: {  	v16 =	vadd.f32 $-1.000000000e+00, v16;
	v21 =	vcvt.s32.f32 v21;
	v14 =	vsel vm0, v22, v14  }
0xf3: {  	v8 =	vshra.s32 v8, $0x17;
	v15 =	vmul.f32 v15, v27;
	v5 =	vadd.f32 $-1.000000000e+00, v14  }
0xf4: {  	v9 =	vadd.f32 v10, v9;
	v17 =	vmul.f32 $1.803062260e-01, v16;
	v21 =	vmul.f32 $6.931471820e-01, v21  }
0xf5: {  	v10 =	vadd.f32 v29, v25;
	v20 =	vmul.f32 v5, v5;
	v22 =	vmul.f32 $1.803062260e-01, v5  }
0xf6: {  	v6 =	vsel vm0, $0xFFFFFF82, v0;
	v15 =	vadd.f32 v15, v24;
	v24 =	vmul.f32 v16, v16  }
0xf7: {  	v6 =	vadd.s32 v8, v6;
	v12 =	vsub.f32 $2.019973250e-01, v22;
	v22 =	vmul.f32 $1.248570980e-01, v20  }
0xf8: {  	v8 =	vsub.f32 $2.019973250e-01, v17;
	v17 =	vmul.f32 $1.248570980e-01, v24;
	v25 =	vmul.f32 $2.497013060e-01, v5  }
0xf9: {  	v10 =	vmul.f32 v10, v18;
	v14 =	vsel vm1, $0xFFFFFF82, v0;
	v12 =	vadd.f32 v22, v12  }
0xfa: {  	v8 =	vadd.f32 v17, v8;
	v22 =	vsub.f32 $3.333148360e-01, v25;
	v25 =	vmul.f32 $2.497013060e-01, v16  }
0xfb: {  	v6 =	vcvt.s32.f32 v6;
	v10 =	vadd.f32 v10, v19;
	v12 =	vmul.f32 v12, v20  }
0xfc: {  	v17 =	vadd.f32 v21, v3;
	v8 =	vmul.f32 v8, v24;
	v21 =	vsub.f32 $3.333148360e-01, v25  }
0xfd: {  	v15 =	vmul.f32 v15, v7;
	v14 =	vadd.s32 v23, v14;
	v12 =	vadd.f32 v12, v22  }
0xfe: {  	v6 =	vmul.f32 $6.931471820e-01, v6;
	v3 =	vmul.f32 v10, v3;
	v8 =	vadd.f32 v8, v21  }
0xff: {  	v15 =	vadd.f32 $-5.000000000e-01, v15;
	v10 =	vcvt.s32.f32 v11;
	v12 =	vmul.f32 v12, v5  }
0x100: {  	v3 =	vadd.f32 $-5.000000000e-01, v3;
	v8 =	vmul.f32 v8, v16;
	v5 =	vadd.f32 v6, v5  }
0x101: {  	v6 =	vmul.f32 $6.931471820e-01, v10;
	v11 =	vadd.f32 $-5.000000000e-01, v12;
	v12 =	vcvt.s32.f32 v14  }
0x102: {  	[tilespmem:s20+$0xFFFFFFF0] =	vst v1;
	v3 =	vmul.f32 v3, v18;
	v8 =	vadd.f32 $-5.000000000e-01, v8  }
0x103: {  	[tilespmem:s20+$0x0] =	vst v2;
	v1 =	vadd.f32 v6, v7;
	v6 =	vmul.f32 v15, v27;
	v2 =	vmul.f32 $6.931471820e-01, v12  }
0x104: {  	[tilespmem:s20+$0xFFFFFFE0] =	vst v9;
	v3 =	vadd.f32 v3, v17;
	v9 =	vmul.f32 v11, v20  }
0x105: {  	s0 =	sadd.s32 $0x40, s19;
	[tilespmem:s20+$0x10] =	vst v4;
	v4 =	vmul.f32 v8, v24;
	v1 =	vadd.f32 v6, v1;
	v2 =	vadd.f32 v2, v16  }
0x106: {  	[tilespmem:s0+$0x0] =	vst v3;
	v5 =	vadd.f32 v9, v5  }
0x107: {  	[tilespmem:s0+$0xFFFFFFF0] =	vst v1;
	v2 =	vadd.f32 v4, v2  }
0x108: {  	[tilespmem:s0+$0xFFFFFFE0] =	vst v5  }
0x109: {  	[tilespmem:s0+$0x10] =	vst v2  }
0x10a: {  	[tilespmem:s2], [sflag:$0x1] =	stream.linear.gather [hbm4b:s9+s2], $0x2000, $0x38;
	[tilespmem:$0x10000] =	vst v63  }
0x10b: {  	_ = 	snop  }
0x10c: {  	[tilespmem:s24], [sflag:$0x1] =	stream.linear.gather [hbm4b:s10+s2], $0x2000, $0x38;
	[tilespmem:$0x10000] =	vst v63  }
0x10d: {  	_ = 	snop  }
0x10e: {  	[tilespmem:s25], [sflag:$0x1] =	stream.linear.gather [hbm4b:s12+s2], $0x2000, $0x38;
	[tilespmem:$0x10000] =	vst v63  }
0x10f: {  	_ = 	snop  }
0x110: {  	[hbm4b:s13+s2] =	stream.linear.scatter [tilespmem:s31], [sflag:$0x3], $0x2000, $0x38;
	[tilespmem:$0x10000] =	vst v63  }
0x111: {  	_ =	swait.ge [sflag:s1], $0x2000  }
0x112: {  	[sflag:s1] =	ssyncset.done $0x0  }
0x113: {  	[sflag:s1] =	ssyncadd.s32 $0xFFFFE000  }
0x114: {  	_ =	swait.ge [sflag:s1], $0x2000  }
0x115: {  	[sflag:s1] =	ssyncset.done $0x0  }
0x116: {  	[sflag:s1] =	ssyncadd.s32 $0xFFFFE000  }
0x117: {  	_ =	swait.ge [sflag:s1], $0x2000  }
0x118: {  	[sflag:s1] =	ssyncset.done $0x0  }
0x119: {  	s21 =	simm.s32 $0x2020;
	[sflag:s1] =	ssyncadd.s32 $0xFFFFE000  }
0x11a: {  	s4 =	simm.s32 $0xA020;
	v1 =	vld [tilespmem:s21+$0xFFFFFFE0]  }
0x11b: {  	s22 =	simm.s32 $0x6020;
	v2 =	vld [tilespmem:s4+$0xFFFFFFE0]  }
0x11c: {  	v3 =	vld [tilespmem:s22+$0xFFFFFFE0]  }
0x11d: {  	v4 =	vld [tilespmem:s4+$0xFFFFFFF0]  }
0x11e: {  	v5 =	vld [tilespmem:s22+$0x10]  }
0x11f: {  	v8 =	vld [tilespmem:s21+$0x0];
	v1 =	vmul.f32 $1.442695020e+00, v1  }
0x120: {  	v6 =	vld [tilespmem:s4+$0x10];
	v2 =	vmul.f32 $1.442695020e+00, v2  }
0x121: {  	v7 =	vld [tilespmem:s21+$0xFFFFFFF0];
	(erf) = vpow2.f32 v1;
	v1 =	vmul.f32 $1.442695020e+00, v3  }
0x122: {  	(erf) = vpow2.f32 v2  }
0x123: {  	v3 =	vmul.f32 $1.442695020e+00, v4;
	(erf) = vpow2.f32 v1;
	v1 =	vld [tilespmem:s22+$0x0]  }
0x124: {  	v2 =	vmul.f32 $1.442695020e+00, v5;
	v5 =	vmul.f32 $1.442695020e+00, v8  }
0x125: {  	v4 =	vld [tilespmem:s4+$0x0];
	(erf) = vpow2.f32 v3;
	v3 =	vmul.f32 $1.442695020e+00, v6  }
0x126: {  	(erf) = vpow2.f32 v2;
	v2 =	vmul.f32 $1.442695020e+00, v7  }
0x127: {  	(erf) = vpow2.f32 v3  }
0x128: {  	(erf) = vpow2.f32 v2;
	v2 =	vld [tilespmem:s22+$0xFFFFFFF0];
	v1 =	vmul.f32 $1.442695020e+00, v1  }
0x129: {  	v3 =	vld [tilespmem:s21+$0x10]  }
0x12a: {  	v4 =	vmul.f32 $1.442695020e+00, v4;
	(erf) = vpow2.f32 v5;
	v5 =	vpop (erf)  }
0x12b: {  	v6 =	vpop (erf);
	(erf) = vpow2.f32 v1  }
0x12c: {  	v1 =	vpop (erf);
	(erf) = vpow2.f32 v4  }
0x12d: {  	v2 =	vmul.f32 $1.442695020e+00, v2  }
0x12e: {  	v3 =	vmul.f32 $1.442695020e+00, v3  }
0x12f: {  	v4 =	vpop (erf)  }
0x130: {  	(erf) = vpow2.f32 v3;
	v7 =	vpop (erf)  }
0x131: {  	(erf) = vpow2.f32 v2;
	v2 =	vpop (erf)  }
0x132: {  	v3 =	vpop (erf)  }
0x133: {  	v8 =	vpop (erf)  }
0x134: {  	v9 =	vadd.f32 v8, v8;
	v11 =	vpop (erf)  }
0x135: {  	v10 =	vadd.f32 v3, v3;
	v12 =	vpop (erf)  }
0x136: {  	s21 =	simm.s32 $0x6060;
	v9 =	vadd.f32 v9, v8;
	v13 =	vmul.f32 v12, v11;
	v11 =	vadd.f32 v12, v11  }
0x137: {  	v22 =	vld [tilespmem:s21+$0x0]  }
0x138: {  	v10 =	vadd.f32 v10, v3;
	v9 =	vsub.f32 $1.000000000e+00, v9  }
0x139: {  	v12 =	vadd.f32 v5, v5;
	v14 =	vpop (erf)  }
0x13a: {  	v10 =	vsub.f32 $1.000000000e+00, v10;
	v8 =	vmul.f32 v11, v8;
	v9 =	vmul.f32 v9, v13;
	v11 =	vpop (erf)  }
0x13b: {  	v13 =	vadd.f32 v14, v14;
	v15 =	vmul.f32 v4, v11;
	v4 =	vadd.f32 v4, v11  }
0x13c: {  	v22 =	vmul.f32 $1.442695020e+00, v22;
	v11 =	vadd.f32 v12, v5;
	v8 =	vadd.f32 v9, v8  }
0x13d: {  	v9 =	vadd.f32 v13, v14;
	v3 =	vmul.f32 v4, v3;
	v4 =	vmul.f32 v10, v15  }
0x13e: {  	v12 =	vadd.f32 v6, v1;
	v10 =	vmul.f32 v2, v7;
	v2 =	vadd.f32 v2, v7  }
0x13f: {  	v7 =	vand.u32 $0x7FFFFF, v8;
	v9 =	vsub.f32 $1.000000000e+00, v9;
	v3 =	vadd.f32 v4, v3  }
0x140: {  	v11 =	vsub.f32 $1.000000000e+00, v11;
	v4 =	vor.u32 $0x3F800000, v7;
	v2 =	vmul.f32 v2, v14  }
0x141: {  	v9 =	vmul.f32 v9, v10;
	v7 =	vmul.f32 $5.000000000e-01, v4;
	v10 =	vand.u32 $0x7FFFFF, v3  }
0x142: {  	v5 =	vmul.f32 v12, v5;
	vm0 =	vgt.f32 v4, $1.414213540e+00;
	v10 =	vor.u32 $0x3F800000, v10  }
0x143: {  	s20 =	simm.s32 $0x2060;
	v9 =	vadd.f32 v9, v2;
	v4 =	vsel vm0, v7, v4;
	v2 =	vmul.f32 $5.000000000e-01, v10  }
0x144: {  	v7 =	vadd.f32 $-1.000000000e+00, v4;
	v4 =	vmul.f32 v6, v1;
	vm1 =	vgt.f32 v10, $1.414213540e+00;
	v6 =	vld [tilespmem:s20+$0xFFFFFFE0]  }
0x145: {  	v3 =	vshra.s32 v3, $0x17;
	v15 =	vsel vm1, $0xFFFFFF82, v0;
	v1 =	vsel vm1, v2, v10  }
0x146: {  	v2 =	vmul.f32 v7, v7;
	v12 =	vmul.f32 $2.497013060e-01, v7;
	v13 =	vadd.f32 $-1.000000000e+00, v1  }
0x147: {  	s22 =	simm.s32 $0xA060;
	v14 =	vmul.f32 $1.803062260e-01, v7;
	v4 =	vmul.f32 v11, v4;
	v3 =	vadd.s32 v3, v15  }
0x148: {  	v10 =	vand.u32 $0x7FFFFF, v9;
	v11 =	vld [tilespmem:s22+$0xFFFFFFE0];
	v3 =	vcvt.s32.f32 v3;
	v1 =	vmul.f32 v13, v13  }
0x149: {  	v10 =	vor.u32 $0x3F800000, v10;
	v17 =	vmul.f32 $1.803062260e-01, v13;
	v6 =	vmul.f32 $1.442695020e+00, v6  }
0x14a: {  	v18 =	vld [tilespmem:s21+$0xFFFFFFE0];
	v8 =	vshra.s32 v8, $0x17;
	v16 =	vmul.f32 $1.248570980e-01, v2;
	v21 =	vmul.f32 $5.000000000e-01, v10  }
0x14b: {  	v17 =	vsub.f32 $2.019973250e-01, v17;
	v19 =	vmul.f32 $1.248570980e-01, v1;
	(erf) = vpow2.f32 v6;
	v6 =	vld [tilespmem:s22+$0xFFFFFFF0]  }
0x14c: {  	vm1 =	vgt.f32 v10, $1.414213540e+00;
	v4 =	vadd.f32 v4, v5;
	v20 =	vmul.f32 $2.497013060e-01, v13  }
0x14d: {  	v10 =	vsel vm1, v21, v10;
	v11 =	vmul.f32 $1.442695020e+00, v11;
	v5 =	vadd.f32 v19, v17;
	v17 =	vld [tilespmem:s21+$0x10]  }
0x14e: {  	v21 =	vld [tilespmem:s22+$0x10];
	v19 =	vsub.f32 $3.333148360e-01, v20;
	v20 =	vsub.f32 $3.333148360e-01, v12;
	v12 =	vsel vm0, $0xFFFFFF82, v0  }
0x14f: {  	v23 =	vld [tilespmem:s20+$0xFFFFFFF0];
	(erf) = vpow2.f32 v11;
	v8 =	vadd.s32 v8, v12;
	v12 =	vmul.f32 $1.442695020e+00, v18  }
0x150: {  	v24 =	vld [tilespmem:s20+$0x0];
	v5 =	vmul.f32 v5, v1;
	v6 =	vmul.f32 $1.442695020e+00, v6  }
0x151: {  	v9 =	vshra.s32 v9, $0x17;
	v25 =	vcvt.s32.f32 v8;
	(erf) = vpow2.f32 v12  }
0x152: {  	v14 =	vsub.f32 $2.019973250e-01, v14;
	v8 =	vmul.f32 $1.442695020e+00, v17;
	(erf) = vpow2.f32 v6;
	v6 =	vld [tilespmem:s22+$0x0]  }
0x153: {  	v5 =	vadd.f32 v5, v19;
	v19 =	vadd.f32 $-1.000000000e+00, v10;
	v10 =	vmul.f32 $1.442695020e+00, v21  }
0x154: {  	v18 =	vand.u32 $0x7FFFFF, v4;
	(erf) = vpow2.f32 v8;
	v8 =	vmul.f32 $1.442695020e+00, v23  }
0x155: {  	v17 =	vadd.f32 v16, v14;
	v16 =	vmul.f32 $1.442695020e+00, v24;
	(erf) = vpow2.f32 v10;
	v10 =	vld [tilespmem:s21+$0xFFFFFFF0]  }
0x156: {  	v3 =	vmul.f32 $6.931471820e-01, v3;
	v18 =	vor.u32 $0x3F800000, v18;
	v14 =	vld [tilespmem:s20+$0x10];
	(erf) = vpow2.f32 v8  }
0x157: {  	vm0 =	vgt.f32 v18, $1.414213540e+00;
	(erf) = vpow2.f32 v16;
	v6 =	vmul.f32 $1.442695020e+00, v6  }
0x158: {  	v12 =	vpop (erf);
	v16 =	vsel vm0, $0xFFFFFF82, v0;
	(erf) = vpow2.f32 v22;
	v22 =	vmul.f32 $6.931471820e-01, v25  }
0x159: {  	v11 =	vsel vm1, $0xFFFFFF82, v0;
	v23 =	vpop (erf);
	(erf) = vpow2.f32 v6;
	v6 =	vmul.f32 v5, v13  }
0x15a: {  	v4 =	vshra.s32 v4, $0x17;
	v21 =	vadd.f32 v12, v12;
	v10 =	vmul.f32 $1.442695020e+00, v10  }
0x15b: {  	v58 =	vmul.f32 $1.803062260e-01, v19;
	v14 =	vmul.f32 $1.442695020e+00, v14;
	v4 =	vadd.s32 v4, v16;
	v16 =	vpop (erf)  }
0x15c: {  	v8 =	vadd.f32 v21, v12;
	v21 =	vmul.f32 $5.000000000e-01, v18;
	v5 =	vadd.f32 v22, v7;
	v22 =	vpop (erf)  }
0x15d: {  	v24 =	vcvt.s32.f32 v4;
	(erf) = vpow2.f32 v14;
	v4 =	vadd.f32 $-5.000000000e-01, v6;
	v6 =	vpop (erf)  }
0x15e: {  	v29 =	vsub.f32 $2.019973250e-01, v58;
	v25 =	vadd.s32 v9, v11;
	(erf) = vpow2.f32 v10;
	v10 =	vpop (erf)  }
0x15f: {  	v8 =	vsub.f32 $1.000000000e+00, v8;
	v9 =	vsel vm0, v21, v18;
	v18 =	vmul.f32 $2.497013060e-01, v19;
	v27 =	vpop (erf)  }
0x160: {  	v21 =	vmul.f32 v10, v6;
	v26 =	vadd.f32 v10, v6;
	v6 =	vadd.f32 v27, v27  }
0x161: {  	v25 =	vcvt.s32.f32 v25;
	v14 =	vadd.f32 $-1.000000000e+00, v9;
	v9 =	vmul.f32 $6.931471820e-01, v24;
	v11 =	vpop (erf)  }
0x162: {  	v15 =	vmul.f32 v23, v16;
	v16 =	vadd.f32 v23, v16;
	v24 =	vadd.f32 v11, v11  }
0x163: {  	v18 =	vsub.f32 $3.333148360e-01, v18;
	v57 =	vmul.f32 $1.803062260e-01, v14;
	v9 =	vadd.f32 v9, v14;
	v23 =	vpop (erf)  }
0x164: {  	v61 =	vmul.f32 $2.497013060e-01, v14;
	v30 =	vadd.f32 v6, v27;
	v24 =	vadd.f32 v24, v11;
	v6 =	vpop (erf)  }
0x165: {  	v31 =	vmul.f32 v6, v23;
	v23 =	vadd.f32 v6, v23;
	v6 =	vmul.f32 v19, v19  }
0x166: {  	v16 =	vmul.f32 v16, v12;
	v10 =	vmul.f32 v14, v14;
	v24 =	vsub.f32 $1.000000000e+00, v24;
	v59 =	vpop (erf)  }
0x167: {  	v12 =	vsub.f32 $1.000000000e+00, v30;
	v60 =	vadd.f32 v59, v59;
	v32 =	vmul.f32 $1.248570980e-01, v6  }
0x168: {  	v33 =	vpop (erf);
	v23 =	vmul.f32 v23, v11;
	v24 =	vmul.f32 v24, v31;
	v11 =	vadd.f32 v3, v13  }
0x169: {  	v3 =	vmul.f32 v22, v33;
	v13 =	vadd.f32 v22, v33;
	v29 =	vadd.f32 v32, v29  }
0x16a: {  	v22 =	vadd.f32 v24, v23;
	v23 =	vmul.f32 v26, v59;
	v24 =	vadd.f32 v60, v59  }
0x16b: {  	v13 =	vmul.f32 v13, v27;
	v3 =	vmul.f32 v12, v3;
	v26 =	vsub.f32 $2.019973250e-01, v57  }
0x16c: {  	v27 =	vmul.f32 $1.248570980e-01, v10;
	v24 =	vsub.f32 $1.000000000e+00, v24;
	v29 =	vmul.f32 v29, v6  }
0x16d: {  	v12 =	vadd.f32 v3, v13;
	v3 =	vand.u32 $0x7FFFFF, v22;
	v13 =	vmul.f32 v17, v2  }
0x16e: {  	v3 =	vor.u32 $0x3F800000, v3;
	v17 =	vmul.f32 v24, v21;
	v18 =	vadd.f32 v29, v18  }
0x16f: {  	v24 =	vmul.f32 $6.931471820e-01, v25;
	v21 =	vand.u32 $0x7FFFFF, v12;
	v13 =	vadd.f32 v13, v20  }
0x170: {  	v20 =	vmul.f32 $5.000000000e-01, v3;
	v25 =	vadd.f32 v27, v26;
	v21 =	vor.u32 $0x3F800000, v21  }
0x171: {  	vm0 =	vgt.f32 v3, $1.414213540e+00;
	v27 =	vsub.f32 $3.333148360e-01, v61;
	vm1 =	vgt.f32 v21, $1.414213540e+00  }
0x172: {  	v23 =	vadd.f32 v17, v23;
	v17 =	vmul.f32 $5.000000000e-01, v21;
	v3 =	vsel vm0, v20, v3  }
0x173: {  	v26 =	vmul.f32 v25, v10;
	v20 =	vmul.f32 v18, v19;
	v3 =	vadd.f32 $-1.000000000e+00, v3  }
0x174: {  	v63 =	vmul.f32 v13, v7;
	v13 =	vsel vm1, $0xFFFFFF82, v0;
	v62 =	vsel vm1, v17, v21  }
0x175: {  	v17 =	vand.u32 $0x7FFFFF, v23;
	v26 =	vadd.f32 v26, v27;
	v18 =	vmul.f32 v3, v3  }
0x176: {  	s19 =	simm.s32 $0xE020;
	s0 =	simm.s32 $0x60A0;
	s4 =	simm.s32 $0x20A0;
	v21 =	vor.u32 $0x3F800000, v17;
	v17 =	vadd.f32 v24, v19;
	v19 =	vmul.f32 $2.497013060e-01, v3  }
0x177: {  	s22 =	simm.s32 $0xA0A0;
	s20 =	simm.s32 $0xE020;
	s21 =	simm.s32 $0x4;
	v25 =	vmul.f32 $1.803062260e-01, v3;
	v7 =	vadd.f32 $-1.000000000e+00, v62;
	v24 =	vadd.f32 $-5.000000000e-01, v63  }
.LBB2_4:
0x178: {  	v27 =	vld [tilespmem:s4+$0xFFFFFFE0];
	s21 =	sadd.s32 $0x4, s21;
	v22 =	vshra.s32 v22, $0x17;
	v28 =	vmul.f32 $1.248570980e-01, v18;
	v14 =	vmul.f32 v26, v14;
	s19 =	sadd.s32 $0x40, s19  }
0x179: {  	v25 =	vsub.f32 $2.019973250e-01, v25;
	v26 =	vld [tilespmem:s22+$0xFFFFFFF0];
	v29 =	vmul.f32 v7, v7;
	v30 =	vmul.f32 $1.803062260e-01, v7  }
0x17a: {  	v8 =	vmul.f32 v8, v15;
	v15 =	vshra.s32 v23, $0x17;
	p2 =	slt.u32 s21, $0x1FC;
	v31 =	vld [tilespmem:s0+$0xFFFFFFE0];
	v14 =	vadd.f32 $-5.000000000e-01, v14  }
0x17b: {  	v24 =	vmul.f32 v24, v2;
	v2 =	vmovc v18;
	v23 =	vld [tilespmem:s22+$0xFFFFFFE0];
	v30 =	vsub.f32 $2.019973250e-01, v30;
	v32 =	vmul.f32 $1.248570980e-01, v29  }
0x17c: {  	vm1 =	vgt.f32 v21, $1.414213540e+00;
	v34 =	vmul.f32 $5.000000000e-01, v21;
	v18 =	vmul.f32 $2.497013060e-01, v7;
	v33 =	vld [tilespmem:s0+$0x10]  }
0x17d: {  	v8 =	vadd.f32 v8, v16;
	v27 =	vmul.f32 $1.442695020e+00, v27;
	v35 =	vld [tilespmem:s0+$0x0];
	v16 =	vadd.f32 v32, v30  }
0x17e: {  	v32 =	vsub.f32 $3.333148360e-01, v18;
	v18 =	vsub.f32 $3.333148360e-01, v19;
	v19 =	vsel vm1, v34, v21;
	v30 =	vld [tilespmem:s4+$0x0]  }
0x17f: {  	v21 =	vsel vm0, $0xFFFFFF82, v0;
	v34 =	vld [tilespmem:s4+$0xFFFFFFF0];
	(erf) = vpow2.f32 v27;
	v16 =	vmul.f32 v16, v29  }
0x180: {  	v10 =	vmul.f32 v14, v10;
	v21 =	vadd.s32 v22, v21;
	v23 =	vmul.f32 $1.442695020e+00, v23;
	v27 =	vld [tilespmem:s4+$0x10]  }
0x181: {  	v14 =	vmul.f32 $1.442695020e+00, v31;
	v31 =	vand.u32 $0x7FFFFF, v8;
	v36 =	vcvt.s32.f32 v21;
	v22 =	vld [tilespmem:s22+$0x10]  }
0x182: {  	v31 =	vor.u32 $0x3F800000, v31;
	v16 =	vadd.f32 v16, v32;
	v37 =	vld [tilespmem:s0+$0xFFFFFFF0];
	v35 =	vmul.f32 $1.442695020e+00, v35  }
0x183: {  	v26 =	vmul.f32 $1.442695020e+00, v26;
	v9 =	vadd.f32 v10, v9;
	(erf) = vpow2.f32 v23  }
0x184: {  	v21 =	vadd.f32 v28, v25;
	v10 =	vmul.f32 $1.442695020e+00, v33;
	(erf) = vpow2.f32 v14  }
0x185: {  	v5 =	vadd.f32 v24, v5;
	v19 =	vadd.f32 $-1.000000000e+00, v19;
	(erf) = vpow2.f32 v26;
	[tilespmem:s20+$0xFFFFFFE0] =	vst v9  }
0x186: {  	v4 =	vmul.f32 v4, v1;
	v1 =	vmovc v29;
	v9 =	vsel vm1, $0xFFFFFF82, v0;
	(erf) = vpow2.f32 v10  }
0x187: {  	v10 =	vmul.f32 $1.442695020e+00, v34;
	v22 =	vmul.f32 $1.442695020e+00, v22;
	v14 =	vld [tilespmem:s22+$0x0];
	[tilespmem:s20+$0x0] =	vst v5;
	v5 =	vadd.f32 $-5.000000000e-01, v20  }
0x188: {  	v4 =	vadd.f32 v4, v11;
	v24 =	vshra.s32 v8, $0x17;
	v20 =	vmul.f32 $1.442695020e+00, v30;
	v23 =	vpop (erf)  }
0x189: {  	v11 =	vshra.s32 v12, $0x17;
	v8 =	vadd.f32 v23, v23;
	(erf) = vpow2.f32 v22  }
0x18a: {  	vm0 =	vgt.f32 v31, $1.414213540e+00;
	(erf) = vpow2.f32 v10;
	[tilespmem:s20+$0xFFFFFFF0] =	vst v4;
	v4 =	vmul.f32 v5, v6  }
0x18b: {  	v6 =	vsel vm0, $0xFFFFFF82, v0;
	v5 =	vadd.f32 v8, v23;
	(erf) = vpow2.f32 v20  }
0x18c: {  	v10 =	vmul.f32 $1.442695020e+00, v14;
	v12 =	vpop (erf);
	v14 =	vmul.f32 $5.000000000e-01, v31;
	v4 =	vadd.f32 v4, v17  }
0x18d: {  	v8 =	vsub.f32 $1.000000000e+00, v5;
	v17 =	vpop (erf);
	(erf) = vpow2.f32 v35;
	v5 =	vmul.f32 $6.931471820e-01, v36  }
0x18e: {  	v6 =	vadd.s32 v24, v6;
	v20 =	vpop (erf);
	(erf) = vpow2.f32 v10;
	v10 =	vmul.f32 v16, v7;
	[tilespmem:s20+$0x10] =	vst v4;
	s20 =	smov.u32 s19  }
0x18f: {  	v22 =	vmul.f32 $1.442695020e+00, v27;
	v16 =	vmul.f32 $1.442695020e+00, v37;
	v24 =	vpop (erf);
	v5 =	vadd.f32 v5, v3  }
0x190: {  	v25 =	vadd.s32 v15, v9;
	v6 =	vcvt.s32.f32 v6;
	v4 =	vadd.f32 $-5.000000000e-01, v10  }
0x191: {  	v26 =	vmul.f32 $2.497013060e-01, v19;
	v9 =	vsel vm0, v14, v31;
	(erf) = vpow2.f32 v22  }
0x192: {  	v14 =	vadd.f32 $-1.000000000e+00, v9;
	v9 =	vadd.s32 v11, v13;
	(erf) = vpow2.f32 v16;
	v10 =	vpop (erf)  }
0x193: {  	v11 =	vcvt.s32.f32 v9;
	v13 =	vmul.f32 v10, v24;
	v24 =	vadd.f32 v10, v24;
	v27 =	vpop (erf)  }
0x194: {  	v32 =	vmul.f32 $6.931471820e-01, v6;
	v10 =	vmul.f32 v14, v14;
	v16 =	vadd.f32 v27, v27;
	v22 =	vpop (erf)  }
0x195: {  	v30 =	vmul.f32 $1.803062260e-01, v19;
	v29 =	vmul.f32 $1.803062260e-01, v14;
	v28 =	vadd.f32 v22, v22  }
0x196: {  	v15 =	vmul.f32 v12, v17;
	v12 =	vadd.f32 v12, v17;
	v9 =	vadd.f32 v32, v14;
	v17 =	vpop (erf)  }
0x197: {  	v11 =	vmul.f32 $6.931471820e-01, v11;
	v31 =	vadd.f32 v16, v27;
	v33 =	vadd.f32 v28, v22;
	v6 =	vpop (erf)  }
0x198: {  	v34 =	vmul.f32 v6, v17;
	v17 =	vadd.f32 v6, v17;
	v6 =	vmul.f32 v19, v19  }
0x199: {  	v16 =	vmul.f32 v12, v23;
	v12 =	vsub.f32 $1.000000000e+00, v31;
	v23 =	vsub.f32 $1.000000000e+00, v33  }
0x19a: {  	v17 =	vmul.f32 v17, v22;
	v28 =	vpop (erf);
	v22 =	vsub.f32 $2.019973250e-01, v30;
	v30 =	vmul.f32 $1.248570980e-01, v6  }
0x19b: {  	v11 =	vadd.f32 v11, v7;
	v23 =	vmul.f32 v23, v34;
	v31 =	vadd.f32 v28, v28;
	v32 =	vpop (erf)  }
0x19c: {  	v7 =	vmul.f32 v20, v32;
	v20 =	vadd.f32 v20, v32;
	v30 =	vadd.f32 v30, v22  }
0x19d: {  	v22 =	vadd.f32 v23, v17;
	v17 =	vmul.f32 v24, v28;
	v23 =	vadd.f32 v31, v28  }
0x19e: {  	v24 =	vsub.f32 $3.333148360e-01, v26;
	v20 =	vmul.f32 v20, v27;
	v7 =	vmul.f32 v12, v7  }
0x19f: {  	v25 =	vcvt.s32.f32 v25;
	v26 =	vsub.f32 $2.019973250e-01, v29;
	v27 =	vmul.f32 $1.248570980e-01, v10  }
0x1a0: {  	v28 =	vmul.f32 $2.497013060e-01, v14;
	v29 =	vmul.f32 v30, v6;
	v23 =	vsub.f32 $1.000000000e+00, v23  }
0x1a1: {  	v12 =	vadd.f32 v7, v20;
	v7 =	vand.u32 $0x7FFFFF, v22;
	v20 =	vmul.f32 v21, v2  }
0x1a2: {  	v21 =	vadd.f32 v29, v24;
	v24 =	vmul.f32 $6.931471820e-01, v25;
	v13 =	vmul.f32 v23, v13  }
0x1a3: {  	v7 =	vor.u32 $0x3F800000, v7;
	v23 =	vand.u32 $0x7FFFFF, v12;
	v18 =	vadd.f32 v20, v18  }
0x1a4: {  	v26 =	vadd.f32 v27, v26;
	v20 =	vmul.f32 $5.000000000e-01, v7;
	v25 =	vor.u32 $0x3F800000, v23  }
0x1a5: {  	vm0 =	vgt.f32 v7, $1.414213540e+00;
	v23 =	vadd.f32 v13, v17;
	vm1 =	vgt.f32 v25, $1.414213540e+00  }
0x1a6: {  	v26 =	vmul.f32 v26, v10;
	v13 =	vmul.f32 $5.000000000e-01, v25;
	v7 =	vsel vm0, v20, v7  }
.Ltmp3:
0x1a7: {  	v27 =	vsub.f32 $3.333148360e-01, v28;
	v20 =	vmul.f32 v21, v19;
	v7 =	vadd.f32 $-1.000000000e+00, v7;
	(pc) =	sbr.rel @p2 .LBB2_4-.Ltmp3, $4  }
0x1a8: {  	v29 =	vmul.f32 v18, v3;
	v28 =	vsel vm1, v13, v25;
	v13 =	vand.u32 $0x7FFFFF, v23  }
0x1a9: {  	v17 =	vadd.f32 v24, v19;
	v18 =	vmul.f32 v7, v7;
	v21 =	vor.u32 $0x3F800000, v13;
	v3 =	vmovc v7  }
0x1aa: {  	v26 =	vadd.f32 v26, v27;
	v19 =	vmul.f32 $2.497013060e-01, v3;
	v25 =	vmul.f32 $1.803062260e-01, v3  }
0x1ab: {  	s4 =	sadd.s32 $0x40, s4;
	s0 =	sadd.s32 $0x40, s0;
	s22 =	sadd.s32 $0x40, s22;
	v24 =	vadd.f32 $-5.000000000e-01, v29;
	v13 =	vsel vm1, $0xFFFFFF82, v0;
	v7 =	vadd.f32 $-1.000000000e+00, v28  }
0x1ac: {  	v22 =	vshra.s32 v22, $0x17;
	v29 =	vmul.f32 $1.248570980e-01, v18  }
0x1ad: {  	v14 =	vmul.f32 v26, v14;
	v25 =	vsub.f32 $2.019973250e-01, v25;
	v8 =	vmul.f32 v8, v15  }
0x1ae: {  	v23 =	vshra.s32 v23, $0x17;
	vm1 =	vgt.f32 v21, $1.414213540e+00;
	v19 =	vsub.f32 $3.333148360e-01, v19  }
0x1af: {  	v56 =	vsel vm0, $0xFFFFFF82, v0;
	v1 =	vmul.f32 v4, v1;
	v27 =	vmul.f32 v7, v7  }
0x1b0: {  	v4 =	vadd.f32 $-5.000000000e-01, v20;
	v28 =	vmul.f32 $1.803062260e-01, v7;
	v55 =	vmul.f32 $2.497013060e-01, v7  }
0x1b1: {  	v2 =	vmul.f32 v24, v2;
	v14 =	vadd.f32 $-5.000000000e-01, v14;
	v8 =	vadd.f32 v8, v16  }
0x1b2: {  	v16 =	vmul.f32 $5.000000000e-01, v21;
	v15 =	vsub.f32 $2.019973250e-01, v28;
	v26 =	vmul.f32 $1.248570980e-01, v27  }
0x1b3: {  	v1 =	vadd.f32 v1, v11;
	v11 =	vshra.s32 v12, $0x17;
	v4 =	vmul.f32 v4, v6  }
0x1b4: {  	v24 =	vsub.f32 $3.333148360e-01, v55;
	v15 =	vadd.f32 v26, v15;
	v26 =	vand.u32 $0x7FFFFF, v8  }
0x1b5: {  	v2 =	vadd.f32 v2, v5;
	v10 =	vmul.f32 v14, v10;
	v14 =	vor.u32 $0x3F800000, v26  }
0x1b6: {  	v16 =	vsel vm1, v16, v21;
	v21 =	vadd.s32 v22, v56;
	v22 =	vmul.f32 $5.000000000e-01, v14  }
0x1b7: {  	v11 =	vadd.s32 v11, v13;
	v4 =	vadd.f32 v4, v17;
	vm0 =	vgt.f32 v14, $1.414213540e+00  }
0x1b8: {  	v16 =	vadd.f32 $-1.000000000e+00, v16;
	v21 =	vcvt.s32.f32 v21;
	v14 =	vsel vm0, v22, v14  }
0x1b9: {  	v8 =	vshra.s32 v8, $0x17;
	v15 =	vmul.f32 v15, v27;
	v5 =	vadd.f32 $-1.000000000e+00, v14  }
0x1ba: {  	v9 =	vadd.f32 v10, v9;
	v17 =	vmul.f32 $1.803062260e-01, v16;
	v21 =	vmul.f32 $6.931471820e-01, v21  }
0x1bb: {  	v10 =	vadd.f32 v29, v25;
	v20 =	vmul.f32 v5, v5;
	v22 =	vmul.f32 $1.803062260e-01, v5  }
0x1bc: {  	v6 =	vsel vm0, $0xFFFFFF82, v0;
	v15 =	vadd.f32 v15, v24;
	v24 =	vmul.f32 v16, v16  }
0x1bd: {  	v6 =	vadd.s32 v8, v6;
	v12 =	vsub.f32 $2.019973250e-01, v22;
	v22 =	vmul.f32 $1.248570980e-01, v20  }
0x1be: {  	v8 =	vsub.f32 $2.019973250e-01, v17;
	v17 =	vmul.f32 $1.248570980e-01, v24;
	v25 =	vmul.f32 $2.497013060e-01, v5  }
0x1bf: {  	v10 =	vmul.f32 v10, v18;
	v14 =	vsel vm1, $0xFFFFFF82, v0;
	v12 =	vadd.f32 v22, v12  }
0x1c0: {  	v8 =	vadd.f32 v17, v8;
	v22 =	vsub.f32 $3.333148360e-01, v25;
	v25 =	vmul.f32 $2.497013060e-01, v16  }
0x1c1: {  	v6 =	vcvt.s32.f32 v6;
	v10 =	vadd.f32 v10, v19;
	v12 =	vmul.f32 v12, v20  }
0x1c2: {  	v17 =	vadd.f32 v21, v3;
	v8 =	vmul.f32 v8, v24;
	v21 =	vsub.f32 $3.333148360e-01, v25  }
0x1c3: {  	v15 =	vmul.f32 v15, v7;
	v14 =	vadd.s32 v23, v14;
	v12 =	vadd.f32 v12, v22  }
0x1c4: {  	v6 =	vmul.f32 $6.931471820e-01, v6;
	v3 =	vmul.f32 v10, v3;
	v8 =	vadd.f32 v8, v21  }
0x1c5: {  	v15 =	vadd.f32 $-5.000000000e-01, v15;
	v10 =	vcvt.s32.f32 v11;
	v12 =	vmul.f32 v12, v5  }
0x1c6: {  	v3 =	vadd.f32 $-5.000000000e-01, v3;
	v8 =	vmul.f32 v8, v16;
	v5 =	vadd.f32 v6, v5  }
0x1c7: {  	v6 =	vmul.f32 $6.931471820e-01, v10;
	v11 =	vadd.f32 $-5.000000000e-01, v12;
	v12 =	vcvt.s32.f32 v14  }
0x1c8: {  	[tilespmem:s20+$0xFFFFFFF0] =	vst v1;
	v3 =	vmul.f32 v3, v18;
	v8 =	vadd.f32 $-5.000000000e-01, v8  }
0x1c9: {  	[tilespmem:s20+$0x0] =	vst v2;
	v1 =	vadd.f32 v6, v7;
	v6 =	vmul.f32 v15, v27;
	v2 =	vmul.f32 $6.931471820e-01, v12  }
0x1ca: {  	[tilespmem:s20+$0xFFFFFFE0] =	vst v9;
	v3 =	vadd.f32 v3, v17;
	v9 =	vmul.f32 v11, v20  }
0x1cb: {  	s0 =	sadd.s32 $0x40, s19;
	[tilespmem:s20+$0x10] =	vst v4;
	v4 =	vmul.f32 v8, v24;
	v1 =	vadd.f32 v6, v1;
	v2 =	vadd.f32 v2, v16  }
0x1cc: {  	[tilespmem:s0+$0x0] =	vst v3;
	v5 =	vadd.f32 v9, v5  }
0x1cd: {  	[tilespmem:s0+$0xFFFFFFF0] =	vst v1;
	v2 =	vadd.f32 v4, v2  }
0x1ce: {  	[tilespmem:s0+$0xFFFFFFE0] =	vst v5  }
0x1cf: {  	s4 =	simm.s32 @!p1 $0x2000;
	[tilespmem:s0+$0x10] =	vst v2;
	s0 =	simm.s32 @!p1 $0x0  }
0x1d0: {  	[tilespmem:s4], [sflag:$0x2] =	stream.linear.gather @!p1 [hbm4b:s11+s0], $0x2000, $0x38;
	[tilespmem:$0x10000] =	vst v63  }
0x1d1: {  	s4 =	simm.s32 @!p1 $0x6000  }
0x1d2: {  	[tilespmem:s4], [sflag:$0x2] =	stream.linear.gather @!p1 [hbm4b:s14+s0], $0x2000, $0x38;
	[tilespmem:$0x10000] =	vst v63  }
0x1d3: {  	s4 =	simm.s32 @!p1 $0xA000  }
0x1d4: {  	[tilespmem:s4], [sflag:$0x2] =	stream.linear.gather @!p1 [hbm4b:s15+s0], $0x2000, $0x38;
	[tilespmem:$0x10000] =	vst v63  }
0x1d5: {  	s19 =	simm.s32 $0xE000  }
0x1d6: {  	[hbm4b:s16+s2] =	stream.linear.scatter [tilespmem:s19], [sflag:$0x4], $0x2000, $0x38;
	[tilespmem:$0x10000] =	vst v63  }
0x1d7: {  	_ =	swait.ge [sflag:s30], $0x2000  }
0x1d8: {  	[sflag:s30] =	ssyncset.done $0x0  }
0x1d9: {  	[sflag:s30] =	ssyncadd.s32 $0xFFFFE000  }
0x1da: {  	_ =	swait.ge [sflag:s30], $0x2000  }
0x1db: {  	[sflag:s30] =	ssyncset.done $0x0  }
0x1dc: {  	[sflag:s30] =	ssyncadd.s32 $0xFFFFE000  }
0x1dd: {  	_ =	swait.ge [sflag:s30], $0x2000  }
0x1de: {  	[sflag:s30] =	ssyncset.done $0x0  }
0x1df: {  	[sflag:s30] =	ssyncadd.s32 $0xFFFFE000  }
0x1e0: {  	_ =	swait.ge [sflag:s26], $0x2000  }
0x1e1: {  	[sflag:s26] =	ssyncset.done $0x0  }
0x1e2: {  	s20 =	simm.s32 $0x20;
	[sflag:s26] =	ssyncadd.s32 $0xFFFFE000  }
0x1e3: {  	s21 =	simm.s32 $0x8020;
	v1 =	vld [tilespmem:s20+$0xFFFFFFE0]  }
0x1e4: {  	s22 =	simm.s32 $0x4020;
	v2 =	vld [tilespmem:s21+$0xFFFFFFE0]  }
0x1e5: {  	v3 =	vld [tilespmem:s22+$0xFFFFFFE0]  }
0x1e6: {  	v4 =	vld [tilespmem:s21+$0xFFFFFFF0]  }
0x1e7: {  	v5 =	vld [tilespmem:s22+$0x10]  }
0x1e8: {  	v8 =	vld [tilespmem:s20+$0x0];
	v1 =	vmul.f32 $1.442695020e+00, v1  }
0x1e9: {  	v6 =	vld [tilespmem:s21+$0x10];
	v2 =	vmul.f32 $1.442695020e+00, v2  }
0x1ea: {  	v7 =	vld [tilespmem:s20+$0xFFFFFFF0];
	(erf) = vpow2.f32 v1;
	v1 =	vmul.f32 $1.442695020e+00, v3  }
0x1eb: {  	(erf) = vpow2.f32 v2  }
0x1ec: {  	v3 =	vmul.f32 $1.442695020e+00, v4;
	(erf) = vpow2.f32 v1;
	v1 =	vld [tilespmem:s22+$0x0]  }
0x1ed: {  	v2 =	vmul.f32 $1.442695020e+00, v5;
	v5 =	vmul.f32 $1.442695020e+00, v8  }
0x1ee: {  	v4 =	vld [tilespmem:s21+$0x0];
	(erf) = vpow2.f32 v3;
	v3 =	vmul.f32 $1.442695020e+00, v6  }
0x1ef: {  	(erf) = vpow2.f32 v2;
	v2 =	vmul.f32 $1.442695020e+00, v7  }
0x1f0: {  	(erf) = vpow2.f32 v3  }
0x1f1: {  	(erf) = vpow2.f32 v2;
	v2 =	vld [tilespmem:s22+$0xFFFFFFF0];
	v1 =	vmul.f32 $1.442695020e+00, v1  }
0x1f2: {  	v3 =	vld [tilespmem:s20+$0x10]  }
0x1f3: {  	v4 =	vmul.f32 $1.442695020e+00, v4;
	(erf) = vpow2.f32 v5;
	v5 =	vpop (erf)  }
0x1f4: {  	v6 =	vpop (erf);
	(erf) = vpow2.f32 v1  }
0x1f5: {  	v1 =	vpop (erf);
	(erf) = vpow2.f32 v4  }
0x1f6: {  	v2 =	vmul.f32 $1.442695020e+00, v2  }
0x1f7: {  	v3 =	vmul.f32 $1.442695020e+00, v3  }
0x1f8: {  	v4 =	vpop (erf)  }
0x1f9: {  	(erf) = vpow2.f32 v3;
	v7 =	vpop (erf)  }
0x1fa: {  	(erf) = vpow2.f32 v2;
	v2 =	vpop (erf)  }
0x1fb: {  	v3 =	vpop (erf)  }
0x1fc: {  	v8 =	vpop (erf)  }
0x1fd: {  	v9 =	vadd.f32 v8, v8;
	v11 =	vpop (erf)  }
0x1fe: {  	v10 =	vadd.f32 v3, v3;
	v12 =	vpop (erf)  }
0x1ff: {  	s21 =	simm.s32 $0x4060;
	v9 =	vadd.f32 v9, v8;
	v13 =	vmul.f32 v12, v11;
	v11 =	vadd.f32 v12, v11  }
0x200: {  	v22 =	vld [tilespmem:s21+$0x0]  }
0x201: {  	v10 =	vadd.f32 v10, v3;
	v9 =	vsub.f32 $1.000000000e+00, v9  }
0x202: {  	v12 =	vadd.f32 v5, v5;
	v14 =	vpop (erf)  }
0x203: {  	v10 =	vsub.f32 $1.000000000e+00, v10;
	v8 =	vmul.f32 v11, v8;
	v9 =	vmul.f32 v9, v13;
	v11 =	vpop (erf)  }
0x204: {  	v13 =	vadd.f32 v14, v14;
	v15 =	vmul.f32 v4, v11;
	v4 =	vadd.f32 v4, v11  }
0x205: {  	v22 =	vmul.f32 $1.442695020e+00, v22;
	v11 =	vadd.f32 v12, v5;
	v8 =	vadd.f32 v9, v8  }
0x206: {  	v9 =	vadd.f32 v13, v14;
	v3 =	vmul.f32 v4, v3;
	v4 =	vmul.f32 v10, v15  }
0x207: {  	v12 =	vadd.f32 v6, v1;
	v10 =	vmul.f32 v2, v7;
	v2 =	vadd.f32 v2, v7  }
0x208: {  	v7 =	vand.u32 $0x7FFFFF, v8;
	v9 =	vsub.f32 $1.000000000e+00, v9;
	v3 =	vadd.f32 v4, v3  }
0x209: {  	v11 =	vsub.f32 $1.000000000e+00, v11;
	v4 =	vor.u32 $0x3F800000, v7;
	v2 =	vmul.f32 v2, v14  }
0x20a: {  	v9 =	vmul.f32 v9, v10;
	v7 =	vmul.f32 $5.000000000e-01, v4;
	v10 =	vand.u32 $0x7FFFFF, v3  }
0x20b: {  	v5 =	vmul.f32 v12, v5;
	vm0 =	vgt.f32 v4, $1.414213540e+00;
	v10 =	vor.u32 $0x3F800000, v10  }
0x20c: {  	s20 =	simm.s32 $0x60;
	v9 =	vadd.f32 v9, v2;
	v4 =	vsel vm0, v7, v4;
	v2 =	vmul.f32 $5.000000000e-01, v10  }
0x20d: {  	v7 =	vadd.f32 $-1.000000000e+00, v4;
	v4 =	vmul.f32 v6, v1;
	vm1 =	vgt.f32 v10, $1.414213540e+00;
	v6 =	vld [tilespmem:s20+$0xFFFFFFE0]  }
0x20e: {  	v3 =	vshra.s32 v3, $0x17;
	v15 =	vsel vm1, $0xFFFFFF82, v0;
	v1 =	vsel vm1, v2, v10  }
0x20f: {  	v2 =	vmul.f32 v7, v7;
	v12 =	vmul.f32 $2.497013060e-01, v7;
	v13 =	vadd.f32 $-1.000000000e+00, v1  }
0x210: {  	s22 =	simm.s32 $0x8060;
	v14 =	vmul.f32 $1.803062260e-01, v7;
	v4 =	vmul.f32 v11, v4;
	v3 =	vadd.s32 v3, v15  }
0x211: {  	v10 =	vand.u32 $0x7FFFFF, v9;
	v11 =	vld [tilespmem:s22+$0xFFFFFFE0];
	v3 =	vcvt.s32.f32 v3;
	v1 =	vmul.f32 v13, v13  }
0x212: {  	v10 =	vor.u32 $0x3F800000, v10;
	v17 =	vmul.f32 $1.803062260e-01, v13;
	v6 =	vmul.f32 $1.442695020e+00, v6  }
0x213: {  	v18 =	vld [tilespmem:s21+$0xFFFFFFE0];
	v8 =	vshra.s32 v8, $0x17;
	v16 =	vmul.f32 $1.248570980e-01, v2;
	v21 =	vmul.f32 $5.000000000e-01, v10  }
0x214: {  	v17 =	vsub.f32 $2.019973250e-01, v17;
	v19 =	vmul.f32 $1.248570980e-01, v1;
	(erf) = vpow2.f32 v6;
	v6 =	vld [tilespmem:s22+$0xFFFFFFF0]  }
0x215: {  	vm1 =	vgt.f32 v10, $1.414213540e+00;
	v4 =	vadd.f32 v4, v5;
	v20 =	vmul.f32 $2.497013060e-01, v13  }
0x216: {  	v10 =	vsel vm1, v21, v10;
	v11 =	vmul.f32 $1.442695020e+00, v11;
	v5 =	vadd.f32 v19, v17;
	v17 =	vld [tilespmem:s21+$0x10]  }
0x217: {  	v21 =	vld [tilespmem:s22+$0x10];
	v19 =	vsub.f32 $3.333148360e-01, v20;
	v20 =	vsub.f32 $3.333148360e-01, v12;
	v12 =	vsel vm0, $0xFFFFFF82, v0  }
0x218: {  	v23 =	vld [tilespmem:s20+$0xFFFFFFF0];
	(erf) = vpow2.f32 v11;
	v8 =	vadd.s32 v8, v12;
	v12 =	vmul.f32 $1.442695020e+00, v18  }
0x219: {  	v24 =	vld [tilespmem:s20+$0x0];
	v5 =	vmul.f32 v5, v1;
	v6 =	vmul.f32 $1.442695020e+00, v6  }
0x21a: {  	v9 =	vshra.s32 v9, $0x17;
	v25 =	vcvt.s32.f32 v8;
	(erf) = vpow2.f32 v12  }
0x21b: {  	v14 =	vsub.f32 $2.019973250e-01, v14;
	v8 =	vmul.f32 $1.442695020e+00, v17;
	(erf) = vpow2.f32 v6;
	v6 =	vld [tilespmem:s22+$0x0]  }
0x21c: {  	v5 =	vadd.f32 v5, v19;
	v19 =	vadd.f32 $-1.000000000e+00, v10;
	v10 =	vmul.f32 $1.442695020e+00, v21  }
0x21d: {  	v18 =	vand.u32 $0x7FFFFF, v4;
	(erf) = vpow2.f32 v8;
	v8 =	vmul.f32 $1.442695020e+00, v23  }
0x21e: {  	v17 =	vadd.f32 v16, v14;
	v16 =	vmul.f32 $1.442695020e+00, v24;
	(erf) = vpow2.f32 v10;
	v10 =	vld [tilespmem:s21+$0xFFFFFFF0]  }
0x21f: {  	v3 =	vmul.f32 $6.931471820e-01, v3;
	v18 =	vor.u32 $0x3F800000, v18;
	v14 =	vld [tilespmem:s20+$0x10];
	(erf) = vpow2.f32 v8  }
0x220: {  	vm0 =	vgt.f32 v18, $1.414213540e+00;
	(erf) = vpow2.f32 v16;
	v6 =	vmul.f32 $1.442695020e+00, v6  }
0x221: {  	v12 =	vpop (erf);
	v16 =	vsel vm0, $0xFFFFFF82, v0;
	(erf) = vpow2.f32 v22;
	v22 =	vmul.f32 $6.931471820e-01, v25  }
0x222: {  	v11 =	vsel vm1, $0xFFFFFF82, v0;
	v23 =	vpop (erf);
	(erf) = vpow2.f32 v6;
	v6 =	vmul.f32 v5, v13  }
0x223: {  	v4 =	vshra.s32 v4, $0x17;
	v21 =	vadd.f32 v12, v12;
	v10 =	vmul.f32 $1.442695020e+00, v10  }
0x224: {  	v58 =	vmul.f32 $1.803062260e-01, v19;
	v14 =	vmul.f32 $1.442695020e+00, v14;
	v4 =	vadd.s32 v4, v16;
	v16 =	vpop (erf)  }
0x225: {  	v8 =	vadd.f32 v21, v12;
	v21 =	vmul.f32 $5.000000000e-01, v18;
	v5 =	vadd.f32 v22, v7;
	v22 =	vpop (erf)  }
0x226: {  	v24 =	vcvt.s32.f32 v4;
	(erf) = vpow2.f32 v14;
	v4 =	vadd.f32 $-5.000000000e-01, v6;
	v6 =	vpop (erf)  }
0x227: {  	v29 =	vsub.f32 $2.019973250e-01, v58;
	v25 =	vadd.s32 v9, v11;
	(erf) = vpow2.f32 v10;
	v10 =	vpop (erf)  }
0x228: {  	v8 =	vsub.f32 $1.000000000e+00, v8;
	v9 =	vsel vm0, v21, v18;
	v18 =	vmul.f32 $2.497013060e-01, v19;
	v27 =	vpop (erf)  }
0x229: {  	v21 =	vmul.f32 v10, v6;
	v26 =	vadd.f32 v10, v6;
	v6 =	vadd.f32 v27, v27  }
0x22a: {  	v25 =	vcvt.s32.f32 v25;
	v14 =	vadd.f32 $-1.000000000e+00, v9;
	v9 =	vmul.f32 $6.931471820e-01, v24;
	v11 =	vpop (erf)  }
0x22b: {  	v15 =	vmul.f32 v23, v16;
	v16 =	vadd.f32 v23, v16;
	v24 =	vadd.f32 v11, v11  }
0x22c: {  	v18 =	vsub.f32 $3.333148360e-01, v18;
	v57 =	vmul.f32 $1.803062260e-01, v14;
	v9 =	vadd.f32 v9, v14;
	v23 =	vpop (erf)  }
0x22d: {  	v61 =	vmul.f32 $2.497013060e-01, v14;
	v30 =	vadd.f32 v6, v27;
	v24 =	vadd.f32 v24, v11;
	v6 =	vpop (erf)  }
0x22e: {  	v31 =	vmul.f32 v6, v23;
	v23 =	vadd.f32 v6, v23;
	v6 =	vmul.f32 v19, v19  }
0x22f: {  	v16 =	vmul.f32 v16, v12;
	v10 =	vmul.f32 v14, v14;
	v24 =	vsub.f32 $1.000000000e+00, v24;
	v59 =	vpop (erf)  }
0x230: {  	v12 =	vsub.f32 $1.000000000e+00, v30;
	v60 =	vadd.f32 v59, v59;
	v32 =	vmul.f32 $1.248570980e-01, v6  }
0x231: {  	v33 =	vpop (erf);
	v23 =	vmul.f32 v23, v11;
	v24 =	vmul.f32 v24, v31;
	v11 =	vadd.f32 v3, v13  }
0x232: {  	v3 =	vmul.f32 v22, v33;
	v13 =	vadd.f32 v22, v33;
	v29 =	vadd.f32 v32, v29  }
0x233: {  	v22 =	vadd.f32 v24, v23;
	v23 =	vmul.f32 v26, v59;
	v24 =	vadd.f32 v60, v59  }
0x234: {  	v13 =	vmul.f32 v13, v27;
	v3 =	vmul.f32 v12, v3;
	v26 =	vsub.f32 $2.019973250e-01, v57  }
0x235: {  	v27 =	vmul.f32 $1.248570980e-01, v10;
	v24 =	vsub.f32 $1.000000000e+00, v24;
	v29 =	vmul.f32 v29, v6  }
0x236: {  	v12 =	vadd.f32 v3, v13;
	v3 =	vand.u32 $0x7FFFFF, v22;
	v13 =	vmul.f32 v17, v2  }
0x237: {  	v3 =	vor.u32 $0x3F800000, v3;
	v17 =	vmul.f32 v24, v21;
	v18 =	vadd.f32 v29, v18  }
0x238: {  	v24 =	vmul.f32 $6.931471820e-01, v25;
	v21 =	vand.u32 $0x7FFFFF, v12;
	v13 =	vadd.f32 v13, v20  }
0x239: {  	v20 =	vmul.f32 $5.000000000e-01, v3;
	v25 =	vadd.f32 v27, v26;
	v21 =	vor.u32 $0x3F800000, v21  }
0x23a: {  	vm0 =	vgt.f32 v3, $1.414213540e+00;
	v27 =	vsub.f32 $3.333148360e-01, v61;
	vm1 =	vgt.f32 v21, $1.414213540e+00  }
0x23b: {  	v23 =	vadd.f32 v17, v23;
	v17 =	vmul.f32 $5.000000000e-01, v21;
	v3 =	vsel vm0, v20, v3  }
0x23c: {  	v26 =	vmul.f32 v25, v10;
	v20 =	vmul.f32 v18, v19;
	v3 =	vadd.f32 $-1.000000000e+00, v3  }
0x23d: {  	v63 =	vmul.f32 v13, v7;
	v13 =	vsel vm1, $0xFFFFFF82, v0;
	v62 =	vsel vm1, v17, v21  }
0x23e: {  	v17 =	vand.u32 $0x7FFFFF, v23;
	v26 =	vadd.f32 v26, v27;
	v18 =	vmul.f32 v3, v3  }
0x23f: {  	s0 =	simm.s32 $0x40A0;
	s4 =	simm.s32 $0xA0;
	s19 =	simm.s32 $0xC020;
	v21 =	vor.u32 $0x3F800000, v17;
	v17 =	vadd.f32 v24, v19;
	v19 =	vmul.f32 $2.497013060e-01, v3  }
0x240: {  	s22 =	simm.s32 $0x80A0;
	s20 =	simm.s32 $0xC020;
	s21 =	simm.s32 $0x4;
	v25 =	vmul.f32 $1.803062260e-01, v3;
	v7 =	vadd.f32 $-1.000000000e+00, v62;
	v24 =	vadd.f32 $-5.000000000e-01, v63  }
.LBB2_6:
0x241: {  	v27 =	vld [tilespmem:s4+$0xFFFFFFE0];
	s21 =	sadd.s32 $0x4, s21;
	v22 =	vshra.s32 v22, $0x17;
	v28 =	vmul.f32 $1.248570980e-01, v18;
	v14 =	vmul.f32 v26, v14;
	s19 =	sadd.s32 $0x40, s19  }
0x242: {  	v25 =	vsub.f32 $2.019973250e-01, v25;
	v26 =	vld [tilespmem:s22+$0xFFFFFFF0];
	v29 =	vmul.f32 v7, v7;
	v30 =	vmul.f32 $1.803062260e-01, v7  }
0x243: {  	v8 =	vmul.f32 v8, v15;
	v15 =	vshra.s32 v23, $0x17;
	p2 =	slt.u32 s21, $0x1FC;
	v31 =	vld [tilespmem:s0+$0xFFFFFFE0];
	v14 =	vadd.f32 $-5.000000000e-01, v14  }
0x244: {  	v24 =	vmul.f32 v24, v2;
	v2 =	vmovc v18;
	v23 =	vld [tilespmem:s22+$0xFFFFFFE0];
	v30 =	vsub.f32 $2.019973250e-01, v30;
	v32 =	vmul.f32 $1.248570980e-01, v29  }
0x245: {  	vm1 =	vgt.f32 v21, $1.414213540e+00;
	v34 =	vmul.f32 $5.000000000e-01, v21;
	v18 =	vmul.f32 $2.497013060e-01, v7;
	v33 =	vld [tilespmem:s0+$0x10]  }
0x246: {  	v8 =	vadd.f32 v8, v16;
	v27 =	vmul.f32 $1.442695020e+00, v27;
	v35 =	vld [tilespmem:s0+$0x0];
	v16 =	vadd.f32 v32, v30  }
0x247: {  	v32 =	vsub.f32 $3.333148360e-01, v18;
	v18 =	vsub.f32 $3.333148360e-01, v19;
	v19 =	vsel vm1, v34, v21;
	v30 =	vld [tilespmem:s4+$0x0]  }
0x248: {  	v21 =	vsel vm0, $0xFFFFFF82, v0;
	v34 =	vld [tilespmem:s4+$0xFFFFFFF0];
	(erf) = vpow2.f32 v27;
	v16 =	vmul.f32 v16, v29  }
0x249: {  	v10 =	vmul.f32 v14, v10;
	v21 =	vadd.s32 v22, v21;
	v23 =	vmul.f32 $1.442695020e+00, v23;
	v27 =	vld [tilespmem:s4+$0x10]  }
0x24a: {  	v14 =	vmul.f32 $1.442695020e+00, v31;
	v31 =	vand.u32 $0x7FFFFF, v8;
	v36 =	vcvt.s32.f32 v21;
	v22 =	vld [tilespmem:s22+$0x10]  }
0x24b: {  	v31 =	vor.u32 $0x3F800000, v31;
	v16 =	vadd.f32 v16, v32;
	v37 =	vld [tilespmem:s0+$0xFFFFFFF0];
	v35 =	vmul.f32 $1.442695020e+00, v35  }
0x24c: {  	v26 =	vmul.f32 $1.442695020e+00, v26;
	v9 =	vadd.f32 v10, v9;
	(erf) = vpow2.f32 v23  }
0x24d: {  	v21 =	vadd.f32 v28, v25;
	v10 =	vmul.f32 $1.442695020e+00, v33;
	(erf) = vpow2.f32 v14  }
0x24e: {  	v5 =	vadd.f32 v24, v5;
	v19 =	vadd.f32 $-1.000000000e+00, v19;
	(erf) = vpow2.f32 v26;
	[tilespmem:s20+$0xFFFFFFE0] =	vst v9  }
0x24f: {  	v4 =	vmul.f32 v4, v1;
	v1 =	vmovc v29;
	v9 =	vsel vm1, $0xFFFFFF82, v0;
	(erf) = vpow2.f32 v10  }
0x250: {  	v10 =	vmul.f32 $1.442695020e+00, v34;
	v22 =	vmul.f32 $1.442695020e+00, v22;
	v14 =	vld [tilespmem:s22+$0x0];
	[tilespmem:s20+$0x0] =	vst v5;
	v5 =	vadd.f32 $-5.000000000e-01, v20  }
0x251: {  	v4 =	vadd.f32 v4, v11;
	v24 =	vshra.s32 v8, $0x17;
	v20 =	vmul.f32 $1.442695020e+00, v30;
	v23 =	vpop (erf)  }
0x252: {  	v11 =	vshra.s32 v12, $0x17;
	v8 =	vadd.f32 v23, v23;
	(erf) = vpow2.f32 v22  }
0x253: {  	vm0 =	vgt.f32 v31, $1.414213540e+00;
	(erf) = vpow2.f32 v10;
	[tilespmem:s20+$0xFFFFFFF0] =	vst v4;
	v4 =	vmul.f32 v5, v6  }
0x254: {  	v6 =	vsel vm0, $0xFFFFFF82, v0;
	v5 =	vadd.f32 v8, v23;
	(erf) = vpow2.f32 v20  }
0x255: {  	v10 =	vmul.f32 $1.442695020e+00, v14;
	v12 =	vpop (erf);
	v14 =	vmul.f32 $5.000000000e-01, v31;
	v4 =	vadd.f32 v4, v17  }
0x256: {  	v8 =	vsub.f32 $1.000000000e+00, v5;
	v17 =	vpop (erf);
	(erf) = vpow2.f32 v35;
	v5 =	vmul.f32 $6.931471820e-01, v36  }
0x257: {  	v6 =	vadd.s32 v24, v6;
	v20 =	vpop (erf);
	(erf) = vpow2.f32 v10;
	v10 =	vmul.f32 v16, v7;
	[tilespmem:s20+$0x10] =	vst v4;
	s20 =	smov.u32 s19  }
0x258: {  	v22 =	vmul.f32 $1.442695020e+00, v27;
	v16 =	vmul.f32 $1.442695020e+00, v37;
	v24 =	vpop (erf);
	v5 =	vadd.f32 v5, v3  }
0x259: {  	v25 =	vadd.s32 v15, v9;
	v6 =	vcvt.s32.f32 v6;
	v4 =	vadd.f32 $-5.000000000e-01, v10  }
0x25a: {  	v26 =	vmul.f32 $2.497013060e-01, v19;
	v9 =	vsel vm0, v14, v31;
	(erf) = vpow2.f32 v22  }
0x25b: {  	v14 =	vadd.f32 $-1.000000000e+00, v9;
	v9 =	vadd.s32 v11, v13;
	(erf) = vpow2.f32 v16;
	v10 =	vpop (erf)  }
0x25c: {  	v11 =	vcvt.s32.f32 v9;
	v13 =	vmul.f32 v10, v24;
	v24 =	vadd.f32 v10, v24;
	v27 =	vpop (erf)  }
0x25d: {  	v32 =	vmul.f32 $6.931471820e-01, v6;
	v10 =	vmul.f32 v14, v14;
	v16 =	vadd.f32 v27, v27;
	v22 =	vpop (erf)  }
0x25e: {  	v30 =	vmul.f32 $1.803062260e-01, v19;
	v29 =	vmul.f32 $1.803062260e-01, v14;
	v28 =	vadd.f32 v22, v22  }
0x25f: {  	v15 =	vmul.f32 v12, v17;
	v12 =	vadd.f32 v12, v17;
	v9 =	vadd.f32 v32, v14;
	v17 =	vpop (erf)  }
0x260: {  	v11 =	vmul.f32 $6.931471820e-01, v11;
	v31 =	vadd.f32 v16, v27;
	v33 =	vadd.f32 v28, v22;
	v6 =	vpop (erf)  }
0x261: {  	v34 =	vmul.f32 v6, v17;
	v17 =	vadd.f32 v6, v17;
	v6 =	vmul.f32 v19, v19  }
0x262: {  	v16 =	vmul.f32 v12, v23;
	v12 =	vsub.f32 $1.000000000e+00, v31;
	v23 =	vsub.f32 $1.000000000e+00, v33  }
0x263: {  	v17 =	vmul.f32 v17, v22;
	v28 =	vpop (erf);
	v22 =	vsub.f32 $2.019973250e-01, v30;
	v30 =	vmul.f32 $1.248570980e-01, v6  }
0x264: {  	v11 =	vadd.f32 v11, v7;
	v23 =	vmul.f32 v23, v34;
	v31 =	vadd.f32 v28, v28;
	v32 =	vpop (erf)  }
0x265: {  	v7 =	vmul.f32 v20, v32;
	v20 =	vadd.f32 v20, v32;
	v30 =	vadd.f32 v30, v22  }
0x266: {  	v22 =	vadd.f32 v23, v17;
	v17 =	vmul.f32 v24, v28;
	v23 =	vadd.f32 v31, v28  }
0x267: {  	v24 =	vsub.f32 $3.333148360e-01, v26;
	v20 =	vmul.f32 v20, v27;
	v7 =	vmul.f32 v12, v7  }
0x268: {  	v25 =	vcvt.s32.f32 v25;
	v26 =	vsub.f32 $2.019973250e-01, v29;
	v27 =	vmul.f32 $1.248570980e-01, v10  }
0x269: {  	v28 =	vmul.f32 $2.497013060e-01, v14;
	v29 =	vmul.f32 v30, v6;
	v23 =	vsub.f32 $1.000000000e+00, v23  }
0x26a: {  	v12 =	vadd.f32 v7, v20;
	v7 =	vand.u32 $0x7FFFFF, v22;
	v20 =	vmul.f32 v21, v2  }
0x26b: {  	v21 =	vadd.f32 v29, v24;
	v24 =	vmul.f32 $6.931471820e-01, v25;
	v13 =	vmul.f32 v23, v13  }
0x26c: {  	v7 =	vor.u32 $0x3F800000, v7;
	v23 =	vand.u32 $0x7FFFFF, v12;
	v18 =	vadd.f32 v20, v18  }
0x26d: {  	v26 =	vadd.f32 v27, v26;
	v20 =	vmul.f32 $5.000000000e-01, v7;
	v25 =	vor.u32 $0x3F800000, v23  }
0x26e: {  	vm0 =	vgt.f32 v7, $1.414213540e+00;
	v23 =	vadd.f32 v13, v17;
	vm1 =	vgt.f32 v25, $1.414213540e+00  }
0x26f: {  	v26 =	vmul.f32 v26, v10;
	v13 =	vmul.f32 $5.000000000e-01, v25;
	v7 =	vsel vm0, v20, v7  }
.Ltmp4:
0x270: {  	v27 =	vsub.f32 $3.333148360e-01, v28;
	v20 =	vmul.f32 v21, v19;
	v7 =	vadd.f32 $-1.000000000e+00, v7;
	(pc) =	sbr.rel @p2 .LBB2_6-.Ltmp4, $4  }
0x271: {  	v29 =	vmul.f32 v18, v3;
	v28 =	vsel vm1, v13, v25;
	v13 =	vand.u32 $0x7FFFFF, v23  }
0x272: {  	v17 =	vadd.f32 v24, v19;
	v18 =	vmul.f32 v7, v7;
	v21 =	vor.u32 $0x3F800000, v13;
	v3 =	vmovc v7  }
0x273: {  	v26 =	vadd.f32 v26, v27;
	v19 =	vmul.f32 $2.497013060e-01, v3;
	v25 =	vmul.f32 $1.803062260e-01, v3  }
0x274: {  	s4 =	sadd.s32 $0x40, s4;
	s0 =	sadd.s32 $0x40, s0;
	s22 =	sadd.s32 $0x40, s22;
	v24 =	vadd.f32 $-5.000000000e-01, v29;
	v13 =	vsel vm1, $0xFFFFFF82, v0;
	v7 =	vadd.f32 $-1.000000000e+00, v28  }
0x275: {  	v22 =	vshra.s32 v22, $0x17;
	v29 =	vmul.f32 $1.248570980e-01, v18;
	v14 =	vmul.f32 v26, v14  }
0x276: {  	v25 =	vsub.f32 $2.019973250e-01, v25;
	v8 =	vmul.f32 v8, v15;
	v23 =	vshra.s32 v23, $0x17  }
0x277: {  	vm1 =	vgt.f32 v21, $1.414213540e+00;
	v63 =	vmul.f32 $5.000000000e-01, v21;
	v19 =	vsub.f32 $3.333148360e-01, v19  }
0x278: {  	v34 =	vsel vm0, $0xFFFFFF82, v0;
	v1 =	vmul.f32 v4, v1;
	v41 =	vadd.f32 $-5.000000000e-01, v20  }
0x279: {  	v44 =	vshra.s32 v12, $0x17;
	v27 =	vmul.f32 v7, v7;
	v28 =	vmul.f32 $1.803062260e-01, v7  }
0x27a: {  	v62 =	vmul.f32 $2.497013060e-01, v7;
	v2 =	vmul.f32 v24, v2;
	v36 =	vadd.s32 v22, v34  }
0x27b: {  	v40 =	vsel vm1, $0xFFFFFF82, v0;
	v14 =	vadd.f32 $-5.000000000e-01, v14;
	v8 =	vadd.f32 v8, v16  }
0x27c: {  	v16 =	vsel vm1, v63, v21;
	v38 =	vadd.f32 v29, v25;
	v21 =	vcvt.s32.f32 v36  }
0x27d: {  	v1 =	vadd.f32 v1, v11;
	v4 =	vmul.f32 v41, v6;
	v11 =	vadd.s32 v44, v13  }
0x27e: {  	v60 =	vsub.f32 $2.019973250e-01, v28;
	v61 =	vmul.f32 $1.248570980e-01, v27;
	v33 =	vand.u32 $0x7FFFFF, v8  }
0x27f: {  	v32 =	vsub.f32 $3.333148360e-01, v62;
	v16 =	vadd.f32 $-1.000000000e+00, v16;
	v35 =	vor.u32 $0x3F800000, v33  }
0x280: {  	v2 =	vadd.f32 v2, v5;
	v57 =	vcvt.s32.f32 v11;
	v37 =	vmul.f32 $5.000000000e-01, v35  }
0x281: {  	v10 =	vmul.f32 v14, v10;
	v8 =	vshra.s32 v8, $0x17;
	vm15 =	vgt.f32 v35, $1.414213540e+00  }
0x282: {  	v4 =	vadd.f32 v4, v17;
	v21 =	vmul.f32 $6.931471820e-01, v21;
	v14 =	vsel vm15, v37, v35  }
0x283: {  	v48 =	vmul.f32 $1.803062260e-01, v16;
	v49 =	vmul.f32 v16, v16;
	v39 =	vadd.f32 $-1.000000000e+00, v14  }
0x284: {  	v15 =	vadd.f32 v61, v60;
	v54 =	vmul.f32 $2.497013060e-01, v16;
	v60 =	vmul.f32 $6.931471820e-01, v57  }
0x285: {  	v9 =	vadd.f32 v10, v9;
	v42 =	vmul.f32 v39, v39;
	v43 =	vmul.f32 $1.803062260e-01, v39  }
0x286: {  	v10 =	vmul.f32 v38, v18;
	v51 =	vsub.f32 $2.019973250e-01, v48;
	v52 =	vmul.f32 $1.248570980e-01, v49  }
0x287: {  	v45 =	vsel vm15, $0xFFFFFF82, v0;
	v46 =	vsub.f32 $2.019973250e-01, v43;
	v47 =	vmul.f32 $1.248570980e-01, v42  }
0x288: {  	v55 =	vadd.f32 v21, v3;
	v6 =	vadd.s32 v8, v45;
	v8 =	vadd.f32 v52, v51  }
0x289: {  	v15 =	vmul.f32 v15, v27;
	v50 =	vmul.f32 $2.497013060e-01, v39;
	v12 =	vadd.f32 v47, v46  }
0x28a: {  	v56 =	vsub.f32 $3.333148360e-01, v54;
	v10 =	vadd.f32 v10, v19;
	v8 =	vmul.f32 v8, v49  }
0x28b: {  	v15 =	vadd.f32 v15, v32;
	v53 =	vsub.f32 $3.333148360e-01, v50;
	v12 =	vmul.f32 v12, v42  }
0x28c: {  	[tilespmem:s20+$0xFFFFFFF0] =	vst v1;
	v1 =	vadd.f32 v60, v7;
	v3 =	vmul.f32 v10, v3;
	v8 =	vadd.f32 v8, v56  }
0x28d: {  	v14 =	vadd.s32 v23, v40;
	v15 =	vmul.f32 v15, v7;
	v12 =	vadd.f32 v12, v53  }
0x28e: {  	v59 =	vcvt.s32.f32 v14;
	v3 =	vadd.f32 $-5.000000000e-01, v3;
	v8 =	vmul.f32 v8, v16  }
0x28f: {  	v6 =	vcvt.s32.f32 v6;
	v15 =	vadd.f32 $-5.000000000e-01, v15;
	v12 =	vmul.f32 v12, v39  }
0x290: {  	[tilespmem:s20+$0x0] =	vst v2;
	v2 =	vmul.f32 $6.931471820e-01, v59;
	v3 =	vmul.f32 v3, v18;
	v8 =	vadd.f32 $-5.000000000e-01, v8  }
0x291: {  	v6 =	vmul.f32 $6.931471820e-01, v6;
	v62 =	vmul.f32 v15, v27;
	v58 =	vadd.f32 $-5.000000000e-01, v12  }
0x292: {  	[tilespmem:s20+$0x10] =	vst v4;
	v2 =	vadd.f32 v2, v16;
	v3 =	vadd.f32 v3, v55;
	v63 =	vmul.f32 v8, v49  }
0x293: {  	s0 =	sadd.s32 $0x40, s19;
	[tilespmem:s20+$0xFFFFFFE0] =	vst v9;
	v5 =	vadd.f32 v6, v39;
	v1 =	vadd.f32 v62, v1;
	v61 =	vmul.f32 v58, v42  }
.Ltmp5:
0x294: {  	[tilespmem:s0+$0x0] =	vst v3;
	v2 =	vadd.f32 v63, v2;
	(pc) =	sbr.rel @p1 .LBB2_11-.Ltmp5, $4  }
0x295: {  	[tilespmem:s0+$0xFFFFFFF0] =	vst v1;
	v5 =	vadd.f32 v61, v5  }
0x296: {  	[tilespmem:s0+$0x10] =	vst v2  }
0x297: {  	[tilespmem:s0+$0xFFFFFFE0] =	vst v5  }
0x298: {  	[hbm4b:s17+s2] =	stream.linear.scatter [tilespmem:s31], [sflag:$0x3], $0x2000, $0x38;
	[tilespmem:$0x10000] =	vst v63  }
0x299: {  	_ =	swait.ge [sflag:s1], $0x2000  }
0x29a: {  	[sflag:s1] =	ssyncset.done $0x0  }
0x29b: {  	[sflag:s1] =	ssyncadd.s32 $0xFFFFE000  }
0x29c: {  	_ =	swait.ge [sflag:s1], $0x2000  }
0x29d: {  	[sflag:s1] =	ssyncset.done $0x0  }
0x29e: {  	[sflag:s1] =	ssyncadd.s32 $0xFFFFE000  }
0x29f: {  	_ =	swait.ge [sflag:s1], $0x2000  }
0x2a0: {  	[sflag:s1] =	ssyncset.done $0x0  }
0x2a1: {  	[sflag:s1] =	ssyncadd.s32 $0xFFFFE000  }
0x2a2: {  	_ =	swait.ge [sflag:s28], $0x2000  }
0x2a3: {  	[sflag:s28] =	ssyncset.done $0x0  }
0x2a4: {  	s0 =	simm.s32 $0x2020;
	[sflag:s28] =	ssyncadd.s32 $0xFFFFE000  }
0x2a5: {  	s4 =	simm.s32 $0xA020;
	v1 =	vld [tilespmem:s0+$0xFFFFFFE0]  }
0x2a6: {  	s19 =	simm.s32 $0x6020;
	v2 =	vld [tilespmem:s4+$0xFFFFFFE0]  }
0x2a7: {  	v3 =	vld [tilespmem:s19+$0xFFFFFFE0]  }
0x2a8: {  	v4 =	vld [tilespmem:s4+$0xFFFFFFF0]  }
0x2a9: {  	v5 =	vld [tilespmem:s19+$0x10]  }
0x2aa: {  	v8 =	vld [tilespmem:s0+$0x0];
	v1 =	vmul.f32 $1.442695020e+00, v1  }
0x2ab: {  	v6 =	vld [tilespmem:s4+$0x10];
	v2 =	vmul.f32 $1.442695020e+00, v2  }
0x2ac: {  	v7 =	vld [tilespmem:s0+$0xFFFFFFF0];
	(erf) = vpow2.f32 v1;
	v1 =	vmul.f32 $1.442695020e+00, v3  }
0x2ad: {  	(erf) = vpow2.f32 v2  }
0x2ae: {  	v3 =	vmul.f32 $1.442695020e+00, v4;
	(erf) = vpow2.f32 v1;
	v1 =	vld [tilespmem:s19+$0x0]  }
0x2af: {  	v2 =	vmul.f32 $1.442695020e+00, v5;
	v5 =	vmul.f32 $1.442695020e+00, v8  }
0x2b0: {  	v4 =	vld [tilespmem:s4+$0x0];
	(erf) = vpow2.f32 v3;
	v3 =	vmul.f32 $1.442695020e+00, v6  }
0x2b1: {  	(erf) = vpow2.f32 v2;
	v2 =	vmul.f32 $1.442695020e+00, v7  }
0x2b2: {  	(erf) = vpow2.f32 v3  }
0x2b3: {  	(erf) = vpow2.f32 v2;
	v2 =	vld [tilespmem:s19+$0xFFFFFFF0];
	v1 =	vmul.f32 $1.442695020e+00, v1  }
0x2b4: {  	v3 =	vld [tilespmem:s0+$0x10]  }
0x2b5: {  	v4 =	vmul.f32 $1.442695020e+00, v4;
	(erf) = vpow2.f32 v5;
	v5 =	vpop (erf)  }
0x2b6: {  	v6 =	vpop (erf);
	(erf) = vpow2.f32 v1  }
0x2b7: {  	v1 =	vpop (erf);
	(erf) = vpow2.f32 v4  }
0x2b8: {  	v2 =	vmul.f32 $1.442695020e+00, v2  }
0x2b9: {  	v3 =	vmul.f32 $1.442695020e+00, v3  }
0x2ba: {  	v4 =	vpop (erf)  }
0x2bb: {  	(erf) = vpow2.f32 v3;
	v7 =	vpop (erf)  }
0x2bc: {  	(erf) = vpow2.f32 v2;
	v2 =	vpop (erf)  }
0x2bd: {  	v3 =	vpop (erf)  }
0x2be: {  	v8 =	vpop (erf)  }
0x2bf: {  	v9 =	vadd.f32 v8, v8;
	v11 =	vpop (erf)  }
0x2c0: {  	v10 =	vadd.f32 v3, v3;
	v12 =	vpop (erf)  }
0x2c1: {  	s21 =	simm.s32 $0x6060;
	v9 =	vadd.f32 v9, v8;
	v13 =	vmul.f32 v12, v11;
	v11 =	vadd.f32 v12, v11  }
0x2c2: {  	v22 =	vld [tilespmem:s21+$0x0]  }
0x2c3: {  	v10 =	vadd.f32 v10, v3;
	v9 =	vsub.f32 $1.000000000e+00, v9  }
0x2c4: {  	v12 =	vadd.f32 v5, v5;
	v14 =	vpop (erf)  }
0x2c5: {  	v10 =	vsub.f32 $1.000000000e+00, v10;
	v8 =	vmul.f32 v11, v8;
	v9 =	vmul.f32 v9, v13;
	v11 =	vpop (erf)  }
0x2c6: {  	v13 =	vadd.f32 v14, v14;
	v15 =	vmul.f32 v4, v11;
	v4 =	vadd.f32 v4, v11  }
0x2c7: {  	v22 =	vmul.f32 $1.442695020e+00, v22;
	v11 =	vadd.f32 v12, v5;
	v8 =	vadd.f32 v9, v8  }
0x2c8: {  	v9 =	vadd.f32 v13, v14;
	v3 =	vmul.f32 v4, v3;
	v4 =	vmul.f32 v10, v15  }
0x2c9: {  	v12 =	vadd.f32 v6, v1;
	v10 =	vmul.f32 v2, v7;
	v2 =	vadd.f32 v2, v7  }
0x2ca: {  	v7 =	vand.u32 $0x7FFFFF, v8;
	v9 =	vsub.f32 $1.000000000e+00, v9;
	v3 =	vadd.f32 v4, v3  }
0x2cb: {  	v11 =	vsub.f32 $1.000000000e+00, v11;
	v4 =	vor.u32 $0x3F800000, v7;
	v2 =	vmul.f32 v2, v14  }
0x2cc: {  	v9 =	vmul.f32 v9, v10;
	v7 =	vmul.f32 $5.000000000e-01, v4;
	v10 =	vand.u32 $0x7FFFFF, v3  }
0x2cd: {  	v5 =	vmul.f32 v12, v5;
	vm0 =	vgt.f32 v4, $1.414213540e+00;
	v10 =	vor.u32 $0x3F800000, v10  }
0x2ce: {  	s20 =	simm.s32 $0x2060;
	v9 =	vadd.f32 v9, v2;
	v4 =	vsel vm0, v7, v4;
	v2 =	vmul.f32 $5.000000000e-01, v10  }
0x2cf: {  	v7 =	vadd.f32 $-1.000000000e+00, v4;
	v4 =	vmul.f32 v6, v1;
	vm1 =	vgt.f32 v10, $1.414213540e+00;
	v6 =	vld [tilespmem:s20+$0xFFFFFFE0]  }
0x2d0: {  	v3 =	vshra.s32 v3, $0x17;
	v15 =	vsel vm1, $0xFFFFFF82, v0;
	v1 =	vsel vm1, v2, v10  }
0x2d1: {  	v2 =	vmul.f32 v7, v7;
	v12 =	vmul.f32 $2.497013060e-01, v7;
	v13 =	vadd.f32 $-1.000000000e+00, v1  }
0x2d2: {  	s22 =	simm.s32 $0xA060;
	v14 =	vmul.f32 $1.803062260e-01, v7;
	v4 =	vmul.f32 v11, v4;
	v3 =	vadd.s32 v3, v15  }
0x2d3: {  	v10 =	vand.u32 $0x7FFFFF, v9;
	v11 =	vld [tilespmem:s22+$0xFFFFFFE0];
	v3 =	vcvt.s32.f32 v3;
	v1 =	vmul.f32 v13, v13  }
0x2d4: {  	v10 =	vor.u32 $0x3F800000, v10;
	v17 =	vmul.f32 $1.803062260e-01, v13;
	v6 =	vmul.f32 $1.442695020e+00, v6  }
0x2d5: {  	v18 =	vld [tilespmem:s21+$0xFFFFFFE0];
	v8 =	vshra.s32 v8, $0x17;
	v16 =	vmul.f32 $1.248570980e-01, v2;
	v21 =	vmul.f32 $5.000000000e-01, v10  }
0x2d6: {  	v17 =	vsub.f32 $2.019973250e-01, v17;
	v19 =	vmul.f32 $1.248570980e-01, v1;
	(erf) = vpow2.f32 v6;
	v6 =	vld [tilespmem:s22+$0xFFFFFFF0]  }
0x2d7: {  	vm1 =	vgt.f32 v10, $1.414213540e+00;
	v4 =	vadd.f32 v4, v5;
	v20 =	vmul.f32 $2.497013060e-01, v13  }
0x2d8: {  	v10 =	vsel vm1, v21, v10;
	v11 =	vmul.f32 $1.442695020e+00, v11;
	v5 =	vadd.f32 v19, v17;
	v17 =	vld [tilespmem:s21+$0x10]  }
0x2d9: {  	v21 =	vld [tilespmem:s22+$0x10];
	v19 =	vsub.f32 $3.333148360e-01, v20;
	v20 =	vsub.f32 $3.333148360e-01, v12;
	v12 =	vsel vm0, $0xFFFFFF82, v0  }
0x2da: {  	v23 =	vld [tilespmem:s20+$0xFFFFFFF0];
	(erf) = vpow2.f32 v11;
	v8 =	vadd.s32 v8, v12;
	v12 =	vmul.f32 $1.442695020e+00, v18  }
0x2db: {  	v24 =	vld [tilespmem:s20+$0x0];
	v5 =	vmul.f32 v5, v1;
	v6 =	vmul.f32 $1.442695020e+00, v6  }
0x2dc: {  	v9 =	vshra.s32 v9, $0x17;
	v25 =	vcvt.s32.f32 v8;
	(erf) = vpow2.f32 v12  }
0x2dd: {  	v14 =	vsub.f32 $2.019973250e-01, v14;
	v8 =	vmul.f32 $1.442695020e+00, v17;
	(erf) = vpow2.f32 v6;
	v6 =	vld [tilespmem:s22+$0x0]  }
0x2de: {  	v5 =	vadd.f32 v5, v19;
	v19 =	vadd.f32 $-1.000000000e+00, v10;
	v10 =	vmul.f32 $1.442695020e+00, v21  }
0x2df: {  	v18 =	vand.u32 $0x7FFFFF, v4;
	(erf) = vpow2.f32 v8;
	v8 =	vmul.f32 $1.442695020e+00, v23  }
0x2e0: {  	v17 =	vadd.f32 v16, v14;
	v16 =	vmul.f32 $1.442695020e+00, v24;
	(erf) = vpow2.f32 v10;
	v10 =	vld [tilespmem:s21+$0xFFFFFFF0]  }
0x2e1: {  	v3 =	vmul.f32 $6.931471820e-01, v3;
	v18 =	vor.u32 $0x3F800000, v18;
	v14 =	vld [tilespmem:s20+$0x10];
	(erf) = vpow2.f32 v8  }
0x2e2: {  	vm0 =	vgt.f32 v18, $1.414213540e+00;
	(erf) = vpow2.f32 v16;
	v6 =	vmul.f32 $1.442695020e+00, v6  }
0x2e3: {  	v12 =	vpop (erf);
	v16 =	vsel vm0, $0xFFFFFF82, v0;
	(erf) = vpow2.f32 v22;
	v22 =	vmul.f32 $6.931471820e-01, v25  }
0x2e4: {  	v11 =	vsel vm1, $0xFFFFFF82, v0;
	v23 =	vpop (erf);
	(erf) = vpow2.f32 v6;
	v6 =	vmul.f32 v5, v13  }
0x2e5: {  	v4 =	vshra.s32 v4, $0x17;
	v21 =	vadd.f32 v12, v12;
	v10 =	vmul.f32 $1.442695020e+00, v10  }
0x2e6: {  	v29 =	vmul.f32 $1.803062260e-01, v19;
	v14 =	vmul.f32 $1.442695020e+00, v14;
	v4 =	vadd.s32 v4, v16;
	v16 =	vpop (erf)  }
0x2e7: {  	v8 =	vadd.f32 v21, v12;
	v21 =	vmul.f32 $5.000000000e-01, v18;
	v5 =	vadd.f32 v22, v7;
	v22 =	vpop (erf)  }
0x2e8: {  	v24 =	vcvt.s32.f32 v4;
	(erf) = vpow2.f32 v14;
	v4 =	vadd.f32 $-5.000000000e-01, v6;
	v6 =	vpop (erf)  }
0x2e9: {  	v29 =	vsub.f32 $2.019973250e-01, v29;
	v25 =	vadd.s32 v9, v11;
	(erf) = vpow2.f32 v10;
	v10 =	vpop (erf)  }
0x2ea: {  	v8 =	vsub.f32 $1.000000000e+00, v8;
	v9 =	vsel vm0, v21, v18;
	v18 =	vmul.f32 $2.497013060e-01, v19;
	v27 =	vpop (erf)  }
0x2eb: {  	v21 =	vmul.f32 v10, v6;
	v26 =	vadd.f32 v10, v6;
	v6 =	vadd.f32 v27, v27  }
0x2ec: {  	v25 =	vcvt.s32.f32 v25;
	v14 =	vadd.f32 $-1.000000000e+00, v9;
	v9 =	vmul.f32 $6.931471820e-01, v24;
	v11 =	vpop (erf)  }
0x2ed: {  	v15 =	vmul.f32 v23, v16;
	v16 =	vadd.f32 v23, v16;
	v24 =	vadd.f32 v11, v11  }
0x2ee: {  	v18 =	vsub.f32 $3.333148360e-01, v18;
	v28 =	vmul.f32 $1.803062260e-01, v14;
	v9 =	vadd.f32 v9, v14;
	v23 =	vpop (erf)  }
0x2ef: {  	v61 =	vmul.f32 $2.497013060e-01, v14;
	v30 =	vadd.f32 v6, v27;
	v24 =	vadd.f32 v24, v11;
	v6 =	vpop (erf)  }
0x2f0: {  	v31 =	vmul.f32 v6, v23;
	v23 =	vadd.f32 v6, v23;
	v6 =	vmul.f32 v19, v19  }
0x2f1: {  	v16 =	vmul.f32 v16, v12;
	v10 =	vmul.f32 v14, v14;
	v24 =	vsub.f32 $1.000000000e+00, v24;
	v59 =	vpop (erf)  }
0x2f2: {  	v12 =	vsub.f32 $1.000000000e+00, v30;
	v60 =	vadd.f32 v59, v59;
	v32 =	vmul.f32 $1.248570980e-01, v6  }
0x2f3: {  	v33 =	vpop (erf);
	v23 =	vmul.f32 v23, v11;
	v24 =	vmul.f32 v24, v31;
	v11 =	vadd.f32 v3, v13  }
0x2f4: {  	v3 =	vmul.f32 v22, v33;
	v13 =	vadd.f32 v22, v33;
	v29 =	vadd.f32 v32, v29  }
0x2f5: {  	v22 =	vadd.f32 v24, v23;
	v23 =	vmul.f32 v26, v59;
	v24 =	vadd.f32 v60, v59  }
0x2f6: {  	v13 =	vmul.f32 v13, v27;
	v3 =	vmul.f32 v12, v3;
	v26 =	vsub.f32 $2.019973250e-01, v28  }
0x2f7: {  	v27 =	vmul.f32 $1.248570980e-01, v10;
	v24 =	vsub.f32 $1.000000000e+00, v24;
	v29 =	vmul.f32 v29, v6  }
0x2f8: {  	v12 =	vadd.f32 v3, v13;
	v3 =	vand.u32 $0x7FFFFF, v22;
	v13 =	vmul.f32 v17, v2  }
0x2f9: {  	v3 =	vor.u32 $0x3F800000, v3;
	v17 =	vmul.f32 v24, v21;
	v18 =	vadd.f32 v29, v18  }
0x2fa: {  	v24 =	vmul.f32 $6.931471820e-01, v25;
	v21 =	vand.u32 $0x7FFFFF, v12;
	v13 =	vadd.f32 v13, v20  }
0x2fb: {  	v20 =	vmul.f32 $5.000000000e-01, v3;
	v25 =	vadd.f32 v27, v26;
	v21 =	vor.u32 $0x3F800000, v21  }
0x2fc: {  	vm0 =	vgt.f32 v3, $1.414213540e+00;
	v27 =	vsub.f32 $3.333148360e-01, v61;
	vm1 =	vgt.f32 v21, $1.414213540e+00  }
0x2fd: {  	v23 =	vadd.f32 v17, v23;
	v17 =	vmul.f32 $5.000000000e-01, v21;
	v3 =	vsel vm0, v20, v3  }
0x2fe: {  	v26 =	vmul.f32 v25, v10;
	v20 =	vmul.f32 v18, v19;
	v3 =	vadd.f32 $-1.000000000e+00, v3  }
0x2ff: {  	v63 =	vmul.f32 v13, v7;
	v13 =	vsel vm1, $0xFFFFFF82, v0;
	v62 =	vsel vm1, v17, v21  }
0x300: {  	v17 =	vand.u32 $0x7FFFFF, v23;
	v26 =	vadd.f32 v26, v27;
	v18 =	vmul.f32 v3, v3  }
0x301: {  	s4 =	simm.s32 $0x20A0;
	s0 =	simm.s32 $0x60A0;
	s19 =	simm.s32 $0xE020;
	v21 =	vor.u32 $0x3F800000, v17;
	v17 =	vadd.f32 v24, v19;
	v19 =	vmul.f32 $2.497013060e-01, v3  }
0x302: {  	s22 =	simm.s32 $0xA0A0;
	s20 =	simm.s32 $0xE020;
	s21 =	simm.s32 $0x4;
	v25 =	vmul.f32 $1.803062260e-01, v3;
	v7 =	vadd.f32 $-1.000000000e+00, v62;
	v24 =	vadd.f32 $-5.000000000e-01, v63  }
.LBB2_9:
0x303: {  	v27 =	vld [tilespmem:s4+$0xFFFFFFE0];
	s21 =	sadd.s32 $0x4, s21;
	v22 =	vshra.s32 v22, $0x17;
	v28 =	vmul.f32 $1.248570980e-01, v18;
	v14 =	vmul.f32 v26, v14;
	s19 =	sadd.s32 $0x40, s19  }
0x304: {  	v25 =	vsub.f32 $2.019973250e-01, v25;
	v26 =	vld [tilespmem:s22+$0xFFFFFFF0];
	v29 =	vmul.f32 v7, v7;
	v30 =	vmul.f32 $1.803062260e-01, v7  }
0x305: {  	v8 =	vmul.f32 v8, v15;
	v15 =	vshra.s32 v23, $0x17;
	p2 =	slt.u32 s21, $0x1FC;
	v31 =	vld [tilespmem:s0+$0xFFFFFFE0];
	v14 =	vadd.f32 $-5.000000000e-01, v14  }
0x306: {  	v24 =	vmul.f32 v24, v2;
	v2 =	vmovc v18;
	v23 =	vld [tilespmem:s22+$0xFFFFFFE0];
	v30 =	vsub.f32 $2.019973250e-01, v30;
	v32 =	vmul.f32 $1.248570980e-01, v29  }
0x307: {  	vm1 =	vgt.f32 v21, $1.414213540e+00;
	v34 =	vmul.f32 $5.000000000e-01, v21;
	v18 =	vmul.f32 $2.497013060e-01, v7;
	v33 =	vld [tilespmem:s0+$0x10]  }
0x308: {  	v8 =	vadd.f32 v8, v16;
	v27 =	vmul.f32 $1.442695020e+00, v27;
	v35 =	vld [tilespmem:s0+$0x0];
	v16 =	vadd.f32 v32, v30  }
0x309: {  	v32 =	vsub.f32 $3.333148360e-01, v18;
	v18 =	vsub.f32 $3.333148360e-01, v19;
	v19 =	vsel vm1, v34, v21;
	v30 =	vld [tilespmem:s4+$0x0]  }
0x30a: {  	v21 =	vsel vm0, $0xFFFFFF82, v0;
	v34 =	vld [tilespmem:s4+$0xFFFFFFF0];
	(erf) = vpow2.f32 v27;
	v16 =	vmul.f32 v16, v29  }
0x30b: {  	v10 =	vmul.f32 v14, v10;
	v21 =	vadd.s32 v22, v21;
	v23 =	vmul.f32 $1.442695020e+00, v23;
	v27 =	vld [tilespmem:s4+$0x10]  }
0x30c: {  	v14 =	vmul.f32 $1.442695020e+00, v31;
	v31 =	vand.u32 $0x7FFFFF, v8;
	v36 =	vcvt.s32.f32 v21;
	v22 =	vld [tilespmem:s22+$0x10]  }
0x30d: {  	v31 =	vor.u32 $0x3F800000, v31;
	v16 =	vadd.f32 v16, v32;
	v37 =	vld [tilespmem:s0+$0xFFFFFFF0];
	v35 =	vmul.f32 $1.442695020e+00, v35  }
0x30e: {  	v26 =	vmul.f32 $1.442695020e+00, v26;
	v9 =	vadd.f32 v10, v9;
	(erf) = vpow2.f32 v23  }
0x30f: {  	v21 =	vadd.f32 v28, v25;
	v10 =	vmul.f32 $1.442695020e+00, v33;
	(erf) = vpow2.f32 v14  }
0x310: {  	v5 =	vadd.f32 v24, v5;
	v19 =	vadd.f32 $-1.000000000e+00, v19;
	(erf) = vpow2.f32 v26;
	[tilespmem:s20+$0xFFFFFFE0] =	vst v9  }
0x311: {  	v4 =	vmul.f32 v4, v1;
	v1 =	vmovc v29;
	v9 =	vsel vm1, $0xFFFFFF82, v0;
	(erf) = vpow2.f32 v10  }
0x312: {  	v10 =	vmul.f32 $1.442695020e+00, v34;
	v22 =	vmul.f32 $1.442695020e+00, v22;
	v14 =	vld [tilespmem:s22+$0x0];
	[tilespmem:s20+$0x0] =	vst v5;
	v5 =	vadd.f32 $-5.000000000e-01, v20  }
0x313: {  	v4 =	vadd.f32 v4, v11;
	v24 =	vshra.s32 v8, $0x17;
	v20 =	vmul.f32 $1.442695020e+00, v30;
	v23 =	vpop (erf)  }
0x314: {  	v11 =	vshra.s32 v12, $0x17;
	v8 =	vadd.f32 v23, v23;
	(erf) = vpow2.f32 v22  }
0x315: {  	vm0 =	vgt.f32 v31, $1.414213540e+00;
	(erf) = vpow2.f32 v10;
	[tilespmem:s20+$0xFFFFFFF0] =	vst v4;
	v4 =	vmul.f32 v5, v6  }
0x316: {  	v6 =	vsel vm0, $0xFFFFFF82, v0;
	v5 =	vadd.f32 v8, v23;
	(erf) = vpow2.f32 v20  }
0x317: {  	v10 =	vmul.f32 $1.442695020e+00, v14;
	v12 =	vpop (erf);
	v14 =	vmul.f32 $5.000000000e-01, v31;
	v4 =	vadd.f32 v4, v17  }
0x318: {  	v8 =	vsub.f32 $1.000000000e+00, v5;
	v17 =	vpop (erf);
	(erf) = vpow2.f32 v35;
	v5 =	vmul.f32 $6.931471820e-01, v36  }
0x319: {  	v6 =	vadd.s32 v24, v6;
	v20 =	vpop (erf);
	(erf) = vpow2.f32 v10;
	v10 =	vmul.f32 v16, v7;
	[tilespmem:s20+$0x10] =	vst v4;
	s20 =	smov.u32 s19  }
0x31a: {  	v22 =	vmul.f32 $1.442695020e+00, v27;
	v16 =	vmul.f32 $1.442695020e+00, v37;
	v24 =	vpop (erf);
	v5 =	vadd.f32 v5, v3  }
0x31b: {  	v25 =	vadd.s32 v15, v9;
	v6 =	vcvt.s32.f32 v6;
	v4 =	vadd.f32 $-5.000000000e-01, v10  }
0x31c: {  	v26 =	vmul.f32 $2.497013060e-01, v19;
	v9 =	vsel vm0, v14, v31;
	(erf) = vpow2.f32 v22  }
0x31d: {  	v14 =	vadd.f32 $-1.000000000e+00, v9;
	v9 =	vadd.s32 v11, v13;
	(erf) = vpow2.f32 v16;
	v10 =	vpop (erf)  }
0x31e: {  	v11 =	vcvt.s32.f32 v9;
	v13 =	vmul.f32 v10, v24;
	v24 =	vadd.f32 v10, v24;
	v27 =	vpop (erf)  }
0x31f: {  	v32 =	vmul.f32 $6.931471820e-01, v6;
	v10 =	vmul.f32 v14, v14;
	v16 =	vadd.f32 v27, v27;
	v22 =	vpop (erf)  }
0x320: {  	v30 =	vmul.f32 $1.803062260e-01, v19;
	v29 =	vmul.f32 $1.803062260e-01, v14;
	v28 =	vadd.f32 v22, v22  }
0x321: {  	v15 =	vmul.f32 v12, v17;
	v12 =	vadd.f32 v12, v17;
	v9 =	vadd.f32 v32, v14;
	v17 =	vpop (erf)  }
0x322: {  	v11 =	vmul.f32 $6.931471820e-01, v11;
	v31 =	vadd.f32 v16, v27;
	v33 =	vadd.f32 v28, v22;
	v6 =	vpop (erf)  }
0x323: {  	v34 =	vmul.f32 v6, v17;
	v17 =	vadd.f32 v6, v17;
	v6 =	vmul.f32 v19, v19  }
0x324: {  	v16 =	vmul.f32 v12, v23;
	v12 =	vsub.f32 $1.000000000e+00, v31;
	v23 =	vsub.f32 $1.000000000e+00, v33  }
0x325: {  	v17 =	vmul.f32 v17, v22;
	v28 =	vpop (erf);
	v22 =	vsub.f32 $2.019973250e-01, v30;
	v30 =	vmul.f32 $1.248570980e-01, v6  }
0x326: {  	v11 =	vadd.f32 v11, v7;
	v23 =	vmul.f32 v23, v34;
	v31 =	vadd.f32 v28, v28;
	v32 =	vpop (erf)  }
0x327: {  	v7 =	vmul.f32 v20, v32;
	v20 =	vadd.f32 v20, v32;
	v30 =	vadd.f32 v30, v22  }
0x328: {  	v22 =	vadd.f32 v23, v17;
	v17 =	vmul.f32 v24, v28;
	v23 =	vadd.f32 v31, v28  }
0x329: {  	v24 =	vsub.f32 $3.333148360e-01, v26;
	v20 =	vmul.f32 v20, v27;
	v7 =	vmul.f32 v12, v7  }
0x32a: {  	v25 =	vcvt.s32.f32 v25;
	v26 =	vsub.f32 $2.019973250e-01, v29;
	v27 =	vmul.f32 $1.248570980e-01, v10  }
0x32b: {  	v28 =	vmul.f32 $2.497013060e-01, v14;
	v29 =	vmul.f32 v30, v6;
	v23 =	vsub.f32 $1.000000000e+00, v23  }
0x32c: {  	v12 =	vadd.f32 v7, v20;
	v7 =	vand.u32 $0x7FFFFF, v22;
	v20 =	vmul.f32 v21, v2  }
0x32d: {  	v21 =	vadd.f32 v29, v24;
	v24 =	vmul.f32 $6.931471820e-01, v25;
	v13 =	vmul.f32 v23, v13  }
0x32e: {  	v7 =	vor.u32 $0x3F800000, v7;
	v23 =	vand.u32 $0x7FFFFF, v12;
	v18 =	vadd.f32 v20, v18  }
0x32f: {  	v26 =	vadd.f32 v27, v26;
	v20 =	vmul.f32 $5.000000000e-01, v7;
	v25 =	vor.u32 $0x3F800000, v23  }
0x330: {  	vm0 =	vgt.f32 v7, $1.414213540e+00;
	v23 =	vadd.f32 v13, v17;
	vm1 =	vgt.f32 v25, $1.414213540e+00  }
0x331: {  	v26 =	vmul.f32 v26, v10;
	v13 =	vmul.f32 $5.000000000e-01, v25;
	v7 =	vsel vm0, v20, v7  }
.Ltmp6:
0x332: {  	v27 =	vsub.f32 $3.333148360e-01, v28;
	v20 =	vmul.f32 v21, v19;
	v7 =	vadd.f32 $-1.000000000e+00, v7;
	(pc) =	sbr.rel @p2 .LBB2_9-.Ltmp6, $4  }
0x333: {  	v29 =	vmul.f32 v18, v3;
	v28 =	vsel vm1, v13, v25;
	v13 =	vand.u32 $0x7FFFFF, v23  }
0x334: {  	v17 =	vadd.f32 v24, v19;
	v18 =	vmul.f32 v7, v7;
	v21 =	vor.u32 $0x3F800000, v13;
	v3 =	vmovc v7  }
0x335: {  	v26 =	vadd.f32 v26, v27;
	v19 =	vmul.f32 $2.497013060e-01, v3;
	v25 =	vmul.f32 $1.803062260e-01, v3  }
0x336: {  	s4 =	sadd.s32 $0x40, s4;
	s0 =	sadd.s32 $0x40, s0;
	s22 =	sadd.s32 $0x40, s22;
	v24 =	vadd.f32 $-5.000000000e-01, v29;
	v13 =	vsel vm1, $0xFFFFFF82, v0;
	v7 =	vadd.f32 $-1.000000000e+00, v28  }
0x337: {  	v22 =	vshra.s32 v22, $0x17;
	v29 =	vmul.f32 $1.248570980e-01, v18;
	v14 =	vmul.f32 v26, v14  }
0x338: {  	v25 =	vsub.f32 $2.019973250e-01, v25;
	v8 =	vmul.f32 v8, v15;
	v23 =	vshra.s32 v23, $0x17  }
0x339: {  	vm1 =	vgt.f32 v21, $1.414213540e+00;
	v63 =	vmul.f32 $5.000000000e-01, v21;
	v19 =	vsub.f32 $3.333148360e-01, v19  }
0x33a: {  	v34 =	vsel vm0, $0xFFFFFF82, v0;
	v1 =	vmul.f32 v4, v1;
	v41 =	vadd.f32 $-5.000000000e-01, v20  }
0x33b: {  	v44 =	vshra.s32 v12, $0x17;
	v27 =	vmul.f32 v7, v7;
	v28 =	vmul.f32 $1.803062260e-01, v7  }
0x33c: {  	v62 =	vmul.f32 $2.497013060e-01, v7;
	v2 =	vmul.f32 v24, v2;
	v36 =	vadd.s32 v22, v34  }
0x33d: {  	v40 =	vsel vm1, $0xFFFFFF82, v0;
	v14 =	vadd.f32 $-5.000000000e-01, v14;
	v8 =	vadd.f32 v8, v16  }
0x33e: {  	v16 =	vsel vm1, v63, v21;
	v38 =	vadd.f32 v29, v25;
	v21 =	vcvt.s32.f32 v36  }
0x33f: {  	v1 =	vadd.f32 v1, v11;
	v4 =	vmul.f32 v41, v6;
	v11 =	vadd.s32 v44, v13  }
0x340: {  	v60 =	vsub.f32 $2.019973250e-01, v28;
	v61 =	vmul.f32 $1.248570980e-01, v27;
	v33 =	vand.u32 $0x7FFFFF, v8  }
0x341: {  	v32 =	vsub.f32 $3.333148360e-01, v62;
	v16 =	vadd.f32 $-1.000000000e+00, v16;
	v35 =	vor.u32 $0x3F800000, v33  }
0x342: {  	v2 =	vadd.f32 v2, v5;
	v57 =	vcvt.s32.f32 v11;
	v37 =	vmul.f32 $5.000000000e-01, v35  }
0x343: {  	v10 =	vmul.f32 v14, v10;
	v8 =	vshra.s32 v8, $0x17;
	vm15 =	vgt.f32 v35, $1.414213540e+00  }
0x344: {  	v4 =	vadd.f32 v4, v17;
	v21 =	vmul.f32 $6.931471820e-01, v21;
	v14 =	vsel vm15, v37, v35  }
0x345: {  	v48 =	vmul.f32 $1.803062260e-01, v16;
	v49 =	vmul.f32 v16, v16;
	v39 =	vadd.f32 $-1.000000000e+00, v14  }
0x346: {  	v15 =	vadd.f32 v61, v60;
	v54 =	vmul.f32 $2.497013060e-01, v16;
	v60 =	vmul.f32 $6.931471820e-01, v57  }
0x347: {  	v9 =	vadd.f32 v10, v9;
	v42 =	vmul.f32 v39, v39;
	v43 =	vmul.f32 $1.803062260e-01, v39  }
0x348: {  	v10 =	vmul.f32 v38, v18;
	v51 =	vsub.f32 $2.019973250e-01, v48;
	v52 =	vmul.f32 $1.248570980e-01, v49  }
0x349: {  	v45 =	vsel vm15, $0xFFFFFF82, v0;
	v46 =	vsub.f32 $2.019973250e-01, v43;
	v47 =	vmul.f32 $1.248570980e-01, v42  }
0x34a: {  	v55 =	vadd.f32 v21, v3;
	v6 =	vadd.s32 v8, v45;
	v8 =	vadd.f32 v52, v51  }
0x34b: {  	v15 =	vmul.f32 v15, v27;
	v50 =	vmul.f32 $2.497013060e-01, v39;
	v12 =	vadd.f32 v47, v46  }
0x34c: {  	v56 =	vsub.f32 $3.333148360e-01, v54;
	v10 =	vadd.f32 v10, v19;
	v8 =	vmul.f32 v8, v49  }
0x34d: {  	v15 =	vadd.f32 v15, v32;
	v53 =	vsub.f32 $3.333148360e-01, v50;
	v12 =	vmul.f32 v12, v42  }
0x34e: {  	[tilespmem:s20+$0xFFFFFFF0] =	vst v1;
	v1 =	vadd.f32 v60, v7;
	v3 =	vmul.f32 v10, v3;
	v8 =	vadd.f32 v8, v56  }
0x34f: {  	v14 =	vadd.s32 v23, v40;
	v15 =	vmul.f32 v15, v7;
	v12 =	vadd.f32 v12, v53  }
0x350: {  	v59 =	vcvt.s32.f32 v14;
	v3 =	vadd.f32 $-5.000000000e-01, v3;
	v8 =	vmul.f32 v8, v16  }
0x351: {  	v6 =	vcvt.s32.f32 v6;
	v15 =	vadd.f32 $-5.000000000e-01, v15;
	v12 =	vmul.f32 v12, v39  }
0x352: {  	[tilespmem:s20+$0x0] =	vst v2;
	v2 =	vmul.f32 $6.931471820e-01, v59;
	v3 =	vmul.f32 v3, v18;
	v8 =	vadd.f32 $-5.000000000e-01, v8  }
0x353: {  	v6 =	vmul.f32 $6.931471820e-01, v6;
	v62 =	vmul.f32 v15, v27;
	v58 =	vadd.f32 $-5.000000000e-01, v12  }
0x354: {  	[tilespmem:s20+$0x10] =	vst v4;
	v2 =	vadd.f32 v2, v16;
	v3 =	vadd.f32 v3, v55;
	v63 =	vmul.f32 v8, v49  }
0x355: {  	s0 =	sadd.s32 $0x40, s19;
	[tilespmem:s20+$0xFFFFFFE0] =	vst v9;
	v5 =	vadd.f32 v6, v39;
	v1 =	vadd.f32 v62, v1;
	v61 =	vmul.f32 v58, v42  }
0x356: {  	[tilespmem:s0+$0x0] =	vst v3;
	v2 =	vadd.f32 v63, v2  }
0x357: {  	[tilespmem:s0+$0xFFFFFFF0] =	vst v1;
	v5 =	vadd.f32 v61, v5  }
0x358: {  	[tilespmem:s0+$0x10] =	vst v2  }
0x359: {  	[tilespmem:s0+$0xFFFFFFE0] =	vst v5  }
0x35a: {  	s4 =	simm.s32 $0xE000;
	s0 =	rddreg [dreg:$0x4]  }
0x35b: {  	[hbm4b:s0+s2] =	stream.linear.scatter [tilespmem:s4], [sflag:$0x4], $0x2000, $0x38;
	[tilespmem:$0x10000] =	vst v63  }
.LBB2_11:
0x35c: {  	_ =	swait.ge [sflag:s26], $0x2000  }
.Ltmp7:
0x35d: {  	[sflag:s26] =	ssyncset.done $0x0;
	(pc) =	sbr.rel @p0 .LBB2_15-.Ltmp7, $4  }
0x35e: {  	[sflag:s26] =	ssyncadd.s32 $0xFFFFE000  }
0x35f: {  	_ =	swait.ge [sflag:s28], $0x2000  }
0x360: {  	[sflag:s28] =	ssyncset.done $0x0  }
0x361: {  	[sflag:s28] =	ssyncadd.s32 $0xFFFFE000  }
0x362: {  	s0 =	rddreg [dreg:$0x5]  }
0x363: {  	[tilespmem:s2], [sflag:$0x5] =	stream.linear.gather [hbm4b:s0+s2], $0x240, $0x38;
	[tilespmem:$0x10000] =	vst v63  }
0x364: {  	_ =	swait.ge [sflag:s29], $0x240  }
0x365: {  	[sflag:s29] =	ssyncset.done $0x0  }
0x366: {  	s20 =	rddreg [dreg:$0x6];
	[sflag:s29] =	ssyncadd.s32 $0xFFFFFDC0  }
0x367: {  	[tilespmem:s24], [sflag:$0x5] =	stream.linear.gather [hbm4b:s20+s2], $0x240, $0x38;
	[tilespmem:$0x10000] =	vst v63  }
0x368: {  	_ =	swait.ge [sflag:s29], $0x240  }
0x369: {  	[sflag:s29] =	ssyncset.done $0x0  }
0x36a: {  	s21 =	rddreg [dreg:$0x7];
	[sflag:s29] =	ssyncadd.s32 $0xFFFFFDC0  }
0x36b: {  	[tilespmem:s25], [sflag:$0x5] =	stream.linear.gather [hbm4b:s21+s2], $0x240, $0x38;
	[tilespmem:$0x10000] =	vst v63  }
0x36c: {  	_ =	swait.ge [sflag:s29], $0x240  }
0x36d: {  	[sflag:s29] =	ssyncset.done $0x0  }
0x36e: {  	s22 =	simm.s32 $0x20;
	[sflag:s29] =	ssyncadd.s32 $0xFFFFFDC0  }
0x36f: {  	s4 =	simm.s32 $0x8020;
	v1 =	vld [tilespmem:s22+$0xFFFFFFE0]  }
0x370: {  	s19 =	simm.s32 $0x4020;
	v2 =	vld [tilespmem:s4+$0xFFFFFFE0]  }
0x371: {  	v3 =	vld [tilespmem:s19+$0xFFFFFFE0]  }
0x372: {  	v4 =	vld [tilespmem:s4+$0xFFFFFFF0]  }
0x373: {  	v5 =	vld [tilespmem:s19+$0x10]  }
0x374: {  	v8 =	vld [tilespmem:s22+$0x0];
	v1 =	vmul.f32 $1.442695020e+00, v1  }
0x375: {  	v6 =	vld [tilespmem:s4+$0x10];
	v2 =	vmul.f32 $1.442695020e+00, v2  }
0x376: {  	v7 =	vld [tilespmem:s22+$0xFFFFFFF0];
	(erf) = vpow2.f32 v1;
	v1 =	vmul.f32 $1.442695020e+00, v3  }
0x377: {  	(erf) = vpow2.f32 v2  }
0x378: {  	v3 =	vmul.f32 $1.442695020e+00, v4;
	(erf) = vpow2.f32 v1;
	v1 =	vld [tilespmem:s19+$0x0]  }
0x379: {  	v2 =	vmul.f32 $1.442695020e+00, v5;
	v5 =	vmul.f32 $1.442695020e+00, v8  }
0x37a: {  	v4 =	vld [tilespmem:s4+$0x0];
	(erf) = vpow2.f32 v3;
	v3 =	vmul.f32 $1.442695020e+00, v6  }
0x37b: {  	(erf) = vpow2.f32 v2;
	v2 =	vmul.f32 $1.442695020e+00, v7  }
0x37c: {  	(erf) = vpow2.f32 v3  }
0x37d: {  	(erf) = vpow2.f32 v2;
	v2 =	vld [tilespmem:s19+$0xFFFFFFF0];
	v1 =	vmul.f32 $1.442695020e+00, v1  }
0x37e: {  	v3 =	vld [tilespmem:s22+$0x10]  }
0x37f: {  	v4 =	vmul.f32 $1.442695020e+00, v4;
	(erf) = vpow2.f32 v5;
	v5 =	vpop (erf)  }
0x380: {  	v6 =	vpop (erf);
	(erf) = vpow2.f32 v1  }
0x381: {  	v1 =	vpop (erf);
	(erf) = vpow2.f32 v4  }
0x382: {  	v2 =	vmul.f32 $1.442695020e+00, v2  }
0x383: {  	v3 =	vmul.f32 $1.442695020e+00, v3  }
0x384: {  	v4 =	vpop (erf)  }
0x385: {  	(erf) = vpow2.f32 v3;
	v7 =	vpop (erf)  }
0x386: {  	(erf) = vpow2.f32 v2;
	v2 =	vpop (erf)  }
0x387: {  	v3 =	vpop (erf)  }
0x388: {  	v8 =	vpop (erf)  }
0x389: {  	v9 =	vadd.f32 v8, v8;
	v11 =	vpop (erf)  }
0x38a: {  	v10 =	vadd.f32 v3, v3;
	v12 =	vpop (erf)  }
0x38b: {  	s21 =	simm.s32 $0x4060;
	v9 =	vadd.f32 v9, v8;
	v13 =	vmul.f32 v12, v11;
	v11 =	vadd.f32 v12, v11  }
0x38c: {  	v22 =	vld [tilespmem:s21+$0x0]  }
0x38d: {  	v10 =	vadd.f32 v10, v3;
	v9 =	vsub.f32 $1.000000000e+00, v9  }
0x38e: {  	v12 =	vadd.f32 v5, v5;
	v14 =	vpop (erf)  }
0x38f: {  	v10 =	vsub.f32 $1.000000000e+00, v10;
	v8 =	vmul.f32 v11, v8;
	v9 =	vmul.f32 v9, v13;
	v11 =	vpop (erf)  }
0x390: {  	v13 =	vadd.f32 v14, v14;
	v15 =	vmul.f32 v4, v11;
	v4 =	vadd.f32 v4, v11  }
0x391: {  	v22 =	vmul.f32 $1.442695020e+00, v22;
	v11 =	vadd.f32 v12, v5;
	v8 =	vadd.f32 v9, v8  }
0x392: {  	v9 =	vadd.f32 v13, v14;
	v3 =	vmul.f32 v4, v3;
	v4 =	vmul.f32 v10, v15  }
0x393: {  	v12 =	vadd.f32 v6, v1;
	v10 =	vmul.f32 v2, v7;
	v2 =	vadd.f32 v2, v7  }
0x394: {  	v7 =	vand.u32 $0x7FFFFF, v8;
	v9 =	vsub.f32 $1.000000000e+00, v9;
	v3 =	vadd.f32 v4, v3  }
0x395: {  	v11 =	vsub.f32 $1.000000000e+00, v11;
	v4 =	vor.u32 $0x3F800000, v7;
	v2 =	vmul.f32 v2, v14  }
0x396: {  	v9 =	vmul.f32 v9, v10;
	v7 =	vmul.f32 $5.000000000e-01, v4;
	v10 =	vand.u32 $0x7FFFFF, v3  }
0x397: {  	v5 =	vmul.f32 v12, v5;
	vm0 =	vgt.f32 v4, $1.414213540e+00;
	v10 =	vor.u32 $0x3F800000, v10  }
0x398: {  	s20 =	simm.s32 $0x60;
	v9 =	vadd.f32 v9, v2;
	v4 =	vsel vm0, v7, v4;
	v2 =	vmul.f32 $5.000000000e-01, v10  }
0x399: {  	v7 =	vadd.f32 $-1.000000000e+00, v4;
	v4 =	vmul.f32 v6, v1;
	vm1 =	vgt.f32 v10, $1.414213540e+00;
	v6 =	vld [tilespmem:s20+$0xFFFFFFE0]  }
0x39a: {  	v3 =	vshra.s32 v3, $0x17;
	v15 =	vsel vm1, $0xFFFFFF82, v0;
	v1 =	vsel vm1, v2, v10  }
0x39b: {  	v2 =	vmul.f32 v7, v7;
	v12 =	vmul.f32 $2.497013060e-01, v7;
	v13 =	vadd.f32 $-1.000000000e+00, v1  }
0x39c: {  	s22 =	simm.s32 $0x8060;
	v14 =	vmul.f32 $1.803062260e-01, v7;
	v4 =	vmul.f32 v11, v4;
	v3 =	vadd.s32 v3, v15  }
0x39d: {  	v10 =	vand.u32 $0x7FFFFF, v9;
	v11 =	vld [tilespmem:s22+$0xFFFFFFE0];
	v3 =	vcvt.s32.f32 v3;
	v1 =	vmul.f32 v13, v13  }
0x39e: {  	v10 =	vor.u32 $0x3F800000, v10;
	v17 =	vmul.f32 $1.803062260e-01, v13;
	v6 =	vmul.f32 $1.442695020e+00, v6  }
0x39f: {  	v18 =	vld [tilespmem:s21+$0xFFFFFFE0];
	v8 =	vshra.s32 v8, $0x17;
	v16 =	vmul.f32 $1.248570980e-01, v2;
	v21 =	vmul.f32 $5.000000000e-01, v10  }
0x3a0: {  	v17 =	vsub.f32 $2.019973250e-01, v17;
	v19 =	vmul.f32 $1.248570980e-01, v1;
	(erf) = vpow2.f32 v6;
	v6 =	vld [tilespmem:s22+$0xFFFFFFF0]  }
0x3a1: {  	vm1 =	vgt.f32 v10, $1.414213540e+00;
	v4 =	vadd.f32 v4, v5;
	v20 =	vmul.f32 $2.497013060e-01, v13  }
0x3a2: {  	v10 =	vsel vm1, v21, v10;
	v11 =	vmul.f32 $1.442695020e+00, v11;
	v5 =	vadd.f32 v19, v17;
	v17 =	vld [tilespmem:s21+$0x10]  }
0x3a3: {  	v21 =	vld [tilespmem:s22+$0x10];
	v19 =	vsub.f32 $3.333148360e-01, v20;
	v20 =	vsub.f32 $3.333148360e-01, v12;
	v12 =	vsel vm0, $0xFFFFFF82, v0  }
0x3a4: {  	v23 =	vld [tilespmem:s20+$0xFFFFFFF0];
	(erf) = vpow2.f32 v11;
	v8 =	vadd.s32 v8, v12;
	v12 =	vmul.f32 $1.442695020e+00, v18  }
0x3a5: {  	v24 =	vld [tilespmem:s20+$0x0];
	v5 =	vmul.f32 v5, v1;
	v6 =	vmul.f32 $1.442695020e+00, v6  }
0x3a6: {  	v9 =	vshra.s32 v9, $0x17;
	v25 =	vcvt.s32.f32 v8;
	(erf) = vpow2.f32 v12  }
0x3a7: {  	v14 =	vsub.f32 $2.019973250e-01, v14;
	v8 =	vmul.f32 $1.442695020e+00, v17;
	(erf) = vpow2.f32 v6;
	v6 =	vld [tilespmem:s22+$0x0]  }
0x3a8: {  	v5 =	vadd.f32 v5, v19;
	v19 =	vadd.f32 $-1.000000000e+00, v10;
	v10 =	vmul.f32 $1.442695020e+00, v21  }
0x3a9: {  	v18 =	vand.u32 $0x7FFFFF, v4;
	(erf) = vpow2.f32 v8;
	v8 =	vmul.f32 $1.442695020e+00, v23  }
0x3aa: {  	v17 =	vadd.f32 v16, v14;
	v16 =	vmul.f32 $1.442695020e+00, v24;
	(erf) = vpow2.f32 v10;
	v10 =	vld [tilespmem:s21+$0xFFFFFFF0]  }
0x3ab: {  	v3 =	vmul.f32 $6.931471820e-01, v3;
	v18 =	vor.u32 $0x3F800000, v18;
	v14 =	vld [tilespmem:s20+$0x10];
	(erf) = vpow2.f32 v8  }
0x3ac: {  	vm0 =	vgt.f32 v18, $1.414213540e+00;
	(erf) = vpow2.f32 v16;
	v6 =	vmul.f32 $1.442695020e+00, v6  }
0x3ad: {  	v12 =	vpop (erf);
	v16 =	vsel vm0, $0xFFFFFF82, v0;
	(erf) = vpow2.f32 v22;
	v22 =	vmul.f32 $6.931471820e-01, v25  }
0x3ae: {  	v11 =	vsel vm1, $0xFFFFFF82, v0;
	v23 =	vpop (erf);
	(erf) = vpow2.f32 v6;
	v6 =	vmul.f32 v5, v13  }
0x3af: {  	v4 =	vshra.s32 v4, $0x17;
	v21 =	vadd.f32 v12, v12;
	v10 =	vmul.f32 $1.442695020e+00, v10  }
0x3b0: {  	v29 =	vmul.f32 $1.803062260e-01, v19;
	v14 =	vmul.f32 $1.442695020e+00, v14;
	v4 =	vadd.s32 v4, v16;
	v16 =	vpop (erf)  }
0x3b1: {  	v8 =	vadd.f32 v21, v12;
	v21 =	vmul.f32 $5.000000000e-01, v18;
	v5 =	vadd.f32 v22, v7;
	v22 =	vpop (erf)  }
0x3b2: {  	v24 =	vcvt.s32.f32 v4;
	(erf) = vpow2.f32 v14;
	v4 =	vadd.f32 $-5.000000000e-01, v6;
	v6 =	vpop (erf)  }
0x3b3: {  	v29 =	vsub.f32 $2.019973250e-01, v29;
	v25 =	vadd.s32 v9, v11;
	(erf) = vpow2.f32 v10;
	v10 =	vpop (erf)  }
0x3b4: {  	v8 =	vsub.f32 $1.000000000e+00, v8;
	v9 =	vsel vm0, v21, v18;
	v18 =	vmul.f32 $2.497013060e-01, v19;
	v27 =	vpop (erf)  }
0x3b5: {  	v21 =	vmul.f32 v10, v6;
	v26 =	vadd.f32 v10, v6;
	v6 =	vadd.f32 v27, v27  }
0x3b6: {  	v25 =	vcvt.s32.f32 v25;
	v14 =	vadd.f32 $-1.000000000e+00, v9;
	v9 =	vmul.f32 $6.931471820e-01, v24;
	v11 =	vpop (erf)  }
0x3b7: {  	v15 =	vmul.f32 v23, v16;
	v16 =	vadd.f32 v23, v16;
	v24 =	vadd.f32 v11, v11  }
0x3b8: {  	v18 =	vsub.f32 $3.333148360e-01, v18;
	v28 =	vmul.f32 $1.803062260e-01, v14;
	v9 =	vadd.f32 v9, v14;
	v23 =	vpop (erf)  }
0x3b9: {  	v61 =	vmul.f32 $2.497013060e-01, v14;
	v30 =	vadd.f32 v6, v27;
	v24 =	vadd.f32 v24, v11;
	v6 =	vpop (erf)  }
0x3ba: {  	v31 =	vmul.f32 v6, v23;
	v23 =	vadd.f32 v6, v23;
	v6 =	vmul.f32 v19, v19  }
0x3bb: {  	v16 =	vmul.f32 v16, v12;
	v10 =	vmul.f32 v14, v14;
	v24 =	vsub.f32 $1.000000000e+00, v24;
	v59 =	vpop (erf)  }
0x3bc: {  	v12 =	vsub.f32 $1.000000000e+00, v30;
	v60 =	vadd.f32 v59, v59;
	v32 =	vmul.f32 $1.248570980e-01, v6  }
0x3bd: {  	v33 =	vpop (erf);
	v23 =	vmul.f32 v23, v11;
	v24 =	vmul.f32 v24, v31;
	v11 =	vadd.f32 v3, v13  }
0x3be: {  	v3 =	vmul.f32 v22, v33;
	v13 =	vadd.f32 v22, v33;
	v29 =	vadd.f32 v32, v29  }
0x3bf: {  	v22 =	vadd.f32 v24, v23;
	v23 =	vmul.f32 v26, v59;
	v24 =	vadd.f32 v60, v59  }
0x3c0: {  	v13 =	vmul.f32 v13, v27;
	v3 =	vmul.f32 v12, v3;
	v26 =	vsub.f32 $2.019973250e-01, v28  }
0x3c1: {  	v27 =	vmul.f32 $1.248570980e-01, v10;
	v24 =	vsub.f32 $1.000000000e+00, v24;
	v29 =	vmul.f32 v29, v6  }
0x3c2: {  	v12 =	vadd.f32 v3, v13;
	v3 =	vand.u32 $0x7FFFFF, v22;
	v13 =	vmul.f32 v17, v2  }
0x3c3: {  	v3 =	vor.u32 $0x3F800000, v3;
	v17 =	vmul.f32 v24, v21;
	v18 =	vadd.f32 v29, v18  }
0x3c4: {  	v24 =	vmul.f32 $6.931471820e-01, v25;
	v21 =	vand.u32 $0x7FFFFF, v12;
	v13 =	vadd.f32 v13, v20  }
0x3c5: {  	v20 =	vmul.f32 $5.000000000e-01, v3;
	v25 =	vadd.f32 v27, v26;
	v21 =	vor.u32 $0x3F800000, v21  }
0x3c6: {  	vm0 =	vgt.f32 v3, $1.414213540e+00;
	v27 =	vsub.f32 $3.333148360e-01, v61;
	vm1 =	vgt.f32 v21, $1.414213540e+00  }
0x3c7: {  	v23 =	vadd.f32 v17, v23;
	v17 =	vmul.f32 $5.000000000e-01, v21;
	v3 =	vsel vm0, v20, v3  }
0x3c8: {  	v26 =	vmul.f32 v25, v10;
	v20 =	vmul.f32 v18, v19;
	v3 =	vadd.f32 $-1.000000000e+00, v3  }
0x3c9: {  	v63 =	vmul.f32 v13, v7;
	v13 =	vsel vm1, $0xFFFFFF82, v0;
	v62 =	vsel vm1, v17, v21  }
0x3ca: {  	v17 =	vand.u32 $0x7FFFFF, v23;
	v26 =	vadd.f32 v26, v27;
	v18 =	vmul.f32 v3, v3  }
0x3cb: {  	s0 =	simm.s32 $0x40A0;
	s4 =	simm.s32 $0xA0;
	s19 =	simm.s32 $0xC020;
	v21 =	vor.u32 $0x3F800000, v17;
	v17 =	vadd.f32 v24, v19;
	v19 =	vmul.f32 $2.497013060e-01, v3  }
0x3cc: {  	s22 =	simm.s32 $0x80A0;
	s20 =	simm.s32 $0xC020;
	s21 =	simm.s32 $0x4;
	v25 =	vmul.f32 $1.803062260e-01, v3;
	v7 =	vadd.f32 $-1.000000000e+00, v62;
	v24 =	vadd.f32 $-5.000000000e-01, v63  }
.LBB2_13:
0x3cd: {  	v27 =	vld [tilespmem:s4+$0xFFFFFFE0];
	s21 =	sadd.s32 $0x4, s21;
	v22 =	vshra.s32 v22, $0x17;
	v28 =	vmul.f32 $1.248570980e-01, v18;
	v14 =	vmul.f32 v26, v14;
	s19 =	sadd.s32 $0x40, s19  }
0x3ce: {  	v29 =	vmul.f32 v7, v7;
	v30 =	vmul.f32 $1.803062260e-01, v7;
	v25 =	vsub.f32 $2.019973250e-01, v25;
	v26 =	vld [tilespmem:s22+$0xFFFFFFF0];
	p2 =	slt.u32 s21, $0x20  }
0x3cf: {  	v8 =	vmul.f32 v8, v15;
	v15 =	vshra.s32 v23, $0x17;
	v31 =	vld [tilespmem:s0+$0xFFFFFFE0];
	v14 =	vadd.f32 $-5.000000000e-01, v14  }
0x3d0: {  	v24 =	vmul.f32 v24, v2;
	v2 =	vmovc v18;
	v30 =	vsub.f32 $2.019973250e-01, v30;
	v32 =	vmul.f32 $1.248570980e-01, v29;
	v23 =	vld [tilespmem:s22+$0xFFFFFFE0]  }
0x3d1: {  	v18 =	vmul.f32 $2.497013060e-01, v7;
	vm1 =	vgt.f32 v21, $1.414213540e+00;
	v34 =	vmul.f32 $5.000000000e-01, v21;
	v33 =	vld [tilespmem:s0+$0x10]  }
0x3d2: {  	v8 =	vadd.f32 v8, v16;
	v16 =	vadd.f32 v32, v30;
	v27 =	vmul.f32 $1.442695020e+00, v27;
	v35 =	vld [tilespmem:s0+$0x0]  }
0x3d3: {  	v32 =	vsub.f32 $3.333148360e-01, v18;
	v18 =	vsub.f32 $3.333148360e-01, v19;
	v19 =	vsel vm1, v34, v21;
	v30 =	vld [tilespmem:s4+$0x0]  }
0x3d4: {  	v21 =	vsel vm0, $0xFFFFFF82, v0;
	v16 =	vmul.f32 v16, v29;
	v34 =	vld [tilespmem:s4+$0xFFFFFFF0];
	(erf) = vpow2.f32 v27  }
0x3d5: {  	v10 =	vmul.f32 v14, v10;
	v21 =	vadd.s32 v22, v21;
	v23 =	vmul.f32 $1.442695020e+00, v23;
	v27 =	vld [tilespmem:s4+$0x10]  }
0x3d6: {  	v36 =	vcvt.s32.f32 v21;
	v14 =	vmul.f32 $1.442695020e+00, v31;
	v31 =	vand.u32 $0x7FFFFF, v8;
	v22 =	vld [tilespmem:s22+$0x10]  }
0x3d7: {  	v31 =	vor.u32 $0x3F800000, v31;
	v16 =	vadd.f32 v16, v32;
	v37 =	vld [tilespmem:s0+$0xFFFFFFF0];
	v35 =	vmul.f32 $1.442695020e+00, v35  }
0x3d8: {  	v26 =	vmul.f32 $1.442695020e+00, v26;
	v9 =	vadd.f32 v10, v9;
	(erf) = vpow2.f32 v23  }
0x3d9: {  	v21 =	vadd.f32 v28, v25;
	v10 =	vmul.f32 $1.442695020e+00, v33;
	(erf) = vpow2.f32 v14  }
0x3da: {  	v5 =	vadd.f32 v24, v5;
	v19 =	vadd.f32 $-1.000000000e+00, v19;
	(erf) = vpow2.f32 v26;
	[tilespmem:s20+$0xFFFFFFE0] =	vst v9  }
0x3db: {  	v4 =	vmul.f32 v4, v1;
	v1 =	vmovc v29;
	v9 =	vsel vm1, $0xFFFFFF82, v0;
	(erf) = vpow2.f32 v10  }
0x3dc: {  	v10 =	vmul.f32 $1.442695020e+00, v34;
	v22 =	vmul.f32 $1.442695020e+00, v22;
	v14 =	vld [tilespmem:s22+$0x0];
	[tilespmem:s20+$0x0] =	vst v5;
	v5 =	vadd.f32 $-5.000000000e-01, v20  }
0x3dd: {  	v4 =	vadd.f32 v4, v11;
	v24 =	vshra.s32 v8, $0x17;
	v20 =	vmul.f32 $1.442695020e+00, v30;
	v23 =	vpop (erf)  }
0x3de: {  	v11 =	vshra.s32 v12, $0x17;
	v8 =	vadd.f32 v23, v23;
	(erf) = vpow2.f32 v22  }
0x3df: {  	vm0 =	vgt.f32 v31, $1.414213540e+00;
	(erf) = vpow2.f32 v10;
	[tilespmem:s20+$0xFFFFFFF0] =	vst v4;
	v4 =	vmul.f32 v5, v6  }
0x3e0: {  	v6 =	vsel vm0, $0xFFFFFF82, v0;
	v5 =	vadd.f32 v8, v23;
	(erf) = vpow2.f32 v20  }
0x3e1: {  	v10 =	vmul.f32 $1.442695020e+00, v14;
	v12 =	vpop (erf);
	v14 =	vmul.f32 $5.000000000e-01, v31;
	v4 =	vadd.f32 v4, v17  }
0x3e2: {  	v8 =	vsub.f32 $1.000000000e+00, v5;
	v17 =	vpop (erf);
	(erf) = vpow2.f32 v35;
	v5 =	vmul.f32 $6.931471820e-01, v36  }
0x3e3: {  	v6 =	vadd.s32 v24, v6;
	v20 =	vpop (erf);
	(erf) = vpow2.f32 v10;
	v10 =	vmul.f32 v16, v7;
	[tilespmem:s20+$0x10] =	vst v4;
	s20 =	smov.u32 s19  }
0x3e4: {  	v22 =	vmul.f32 $1.442695020e+00, v27;
	v16 =	vmul.f32 $1.442695020e+00, v37;
	v24 =	vpop (erf);
	v5 =	vadd.f32 v5, v3  }
0x3e5: {  	v25 =	vadd.s32 v15, v9;
	v6 =	vcvt.s32.f32 v6;
	v4 =	vadd.f32 $-5.000000000e-01, v10  }
0x3e6: {  	v26 =	vmul.f32 $2.497013060e-01, v19;
	v9 =	vsel vm0, v14, v31;
	(erf) = vpow2.f32 v22  }
0x3e7: {  	v14 =	vadd.f32 $-1.000000000e+00, v9;
	v9 =	vadd.s32 v11, v13;
	(erf) = vpow2.f32 v16;
	v10 =	vpop (erf)  }
0x3e8: {  	v11 =	vcvt.s32.f32 v9;
	v13 =	vmul.f32 v10, v24;
	v24 =	vadd.f32 v10, v24;
	v27 =	vpop (erf)  }
0x3e9: {  	v32 =	vmul.f32 $6.931471820e-01, v6;
	v10 =	vmul.f32 v14, v14;
	v16 =	vadd.f32 v27, v27;
	v22 =	vpop (erf)  }
0x3ea: {  	v30 =	vmul.f32 $1.803062260e-01, v19;
	v29 =	vmul.f32 $1.803062260e-01, v14;
	v28 =	vadd.f32 v22, v22  }
0x3eb: {  	v15 =	vmul.f32 v12, v17;
	v12 =	vadd.f32 v12, v17;
	v9 =	vadd.f32 v32, v14;
	v17 =	vpop (erf)  }
0x3ec: {  	v11 =	vmul.f32 $6.931471820e-01, v11;
	v31 =	vadd.f32 v16, v27;
	v33 =	vadd.f32 v28, v22;
	v6 =	vpop (erf)  }
0x3ed: {  	v34 =	vmul.f32 v6, v17;
	v17 =	vadd.f32 v6, v17;
	v6 =	vmul.f32 v19, v19  }
0x3ee: {  	v16 =	vmul.f32 v12, v23;
	v12 =	vsub.f32 $1.000000000e+00, v31;
	v23 =	vsub.f32 $1.000000000e+00, v33  }
0x3ef: {  	v17 =	vmul.f32 v17, v22;
	v28 =	vpop (erf);
	v22 =	vsub.f32 $2.019973250e-01, v30;
	v30 =	vmul.f32 $1.248570980e-01, v6  }
0x3f0: {  	v11 =	vadd.f32 v11, v7;
	v23 =	vmul.f32 v23, v34;
	v31 =	vadd.f32 v28, v28;
	v32 =	vpop (erf)  }
0x3f1: {  	v7 =	vmul.f32 v20, v32;
	v20 =	vadd.f32 v20, v32;
	v30 =	vadd.f32 v30, v22  }
0x3f2: {  	v22 =	vadd.f32 v23, v17;
	v17 =	vmul.f32 v24, v28;
	v23 =	vadd.f32 v31, v28  }
0x3f3: {  	v24 =	vsub.f32 $3.333148360e-01, v26;
	v20 =	vmul.f32 v20, v27;
	v7 =	vmul.f32 v12, v7  }
0x3f4: {  	v25 =	vcvt.s32.f32 v25;
	v26 =	vsub.f32 $2.019973250e-01, v29;
	v27 =	vmul.f32 $1.248570980e-01, v10  }
0x3f5: {  	v28 =	vmul.f32 $2.497013060e-01, v14;
	v29 =	vmul.f32 v30, v6;
	v23 =	vsub.f32 $1.000000000e+00, v23  }
0x3f6: {  	v12 =	vadd.f32 v7, v20;
	v7 =	vand.u32 $0x7FFFFF, v22;
	v20 =	vmul.f32 v21, v2  }
0x3f7: {  	v21 =	vadd.f32 v29, v24;
	v24 =	vmul.f32 $6.931471820e-01, v25;
	v13 =	vmul.f32 v23, v13  }
0x3f8: {  	v7 =	vor.u32 $0x3F800000, v7;
	v23 =	vand.u32 $0x7FFFFF, v12;
	v18 =	vadd.f32 v20, v18  }
0x3f9: {  	v26 =	vadd.f32 v27, v26;
	v20 =	vmul.f32 $5.000000000e-01, v7;
	v25 =	vor.u32 $0x3F800000, v23  }
0x3fa: {  	vm0 =	vgt.f32 v7, $1.414213540e+00;
	v23 =	vadd.f32 v13, v17;
	vm1 =	vgt.f32 v25, $1.414213540e+00  }
0x3fb: {  	v26 =	vmul.f32 v26, v10;
	v13 =	vmul.f32 $5.000000000e-01, v25;
	v7 =	vsel vm0, v20, v7  }
.Ltmp8:
0x3fc: {  	v27 =	vsub.f32 $3.333148360e-01, v28;
	v20 =	vmul.f32 v21, v19;
	v7 =	vadd.f32 $-1.000000000e+00, v7;
	(pc) =	sbr.rel @p2 .LBB2_13-.Ltmp8, $4  }
0x3fd: {  	v29 =	vmul.f32 v18, v3;
	v28 =	vsel vm1, v13, v25;
	v13 =	vand.u32 $0x7FFFFF, v23  }
0x3fe: {  	v17 =	vadd.f32 v24, v19;
	v18 =	vmul.f32 v7, v7;
	v21 =	vor.u32 $0x3F800000, v13;
	v3 =	vmovc v7  }
0x3ff: {  	v26 =	vadd.f32 v26, v27;
	v19 =	vmul.f32 $2.497013060e-01, v3;
	v25 =	vmul.f32 $1.803062260e-01, v3  }
0x400: {  	s4 =	sadd.s32 $0x40, s4;
	s0 =	sadd.s32 $0x40, s0;
	s22 =	sadd.s32 $0x40, s22;
	v24 =	vadd.f32 $-5.000000000e-01, v29;
	v13 =	vsel vm1, $0xFFFFFF82, v0;
	v7 =	vadd.f32 $-1.000000000e+00, v28  }
.Ltmp9:
0x401: {  	_ = 	snop;
	(pc) =	sbr.rel .LBB2_14-.Ltmp9, $1  }
0x402: {  	_ =	sdelay $0x3  }
.LBB2_16:
0x403: {  	_ =	sfence.sel $0x180000  }
0x404: {  	[bflag:$0x0] =	sbarrier.arrive $0xFFFF  }
0x405: {  	_ =	strace $0x90000047  }
0x406: {  	s0 =	stileid.u32;
	[bflag:$0x2] =	sbarrier.arrive $0xFFFF  }
0x407: {  	p0 =	sne.s32 s0, $0x0;
	s0 =	rddreg [dreg:$0x2]  }
0x408: {  	s0 =	sadd.s32 @!p0 $0x100000, s0  }
0x409: {  	[sflag:s0] =	ssyncadd.tile.s32 @!p0 $0x1;
	_ =	shalt  }
.Lfunc_end2:
_tile_overlayer_lowered:
.L_overlay_start_2:
0x40a: {  	(tag) =	ssettag $0x2  }
0x40b: {  	s0 =	rddreg [dreg:$0x0];
	s2 =	stileid.u32  }
0x40c: {  	s1 =	rddreg [dreg:$0x1];
	p0 =	sne.s32 s2, $0x0  }
0x40d: {  	s3 =	rddreg [dreg:$0x2];
	[bflag:$0x3] =	sbarrier.arrive $0xFFFF;
	s2 =	simm.s32 @!p0 $0x1C05  }
0x40e: {  	[timem:s3], [sflag:s2] =	dma.local @!p0 [hbm:s0], s1  }
0x40f: {  	s0 =	simm.s32 @!p0 $0x5  }
0x410: {  	_ =	swait.ge @!p0 [sflag:s0], s1  }
0x411: {  	s1 =	ssub.s32 @!p0 $0x0, s1;
	[sflag:s0] =	ssyncset.done @!p0 $0x0  }
0x412: {  	[sflag:s0] =	ssyncadd.s32 @!p0 s1  }
0x413: {  	[bflag:$0x3] =	sbarrier.arrive $0xFFFF  }
0x414: {  	_ =	shalt  }

</sc_bundles>
